<compile_context>
chip_gen: v7x
topology: tpu7x:2x2x1
jax: 0.10.2.dev20260603
libtpu: 0.0.44.dev20260713+nightly
codegen_flags: <defaults>
</compile_context>

<pallas_src>
import functools

import jax
import jax.numpy as jnp
from jax import lax
from jax.experimental import pallas as pl
from jax.experimental.pallas import tpu as pltpu
from jax.experimental.pallas import tpu_sc as plsc

N_NODES = 100000
N_EDGES = 3200000
LANES = 16

NC, NS = 2, 16
NW = NC * NS
SUB = 4
CHUNK_E = SUB * 128
CHUNKS_PER_W = 196
GCHUNK = 14
GROUPS = CHUNKS_PER_W // GCHUNK
GROWS = GCHUNK * SUB
DCHUNK = 28
DGROUPS = CHUNKS_PER_W // DCHUNK
DROWS = DCHUNK * SUB
EPAD = NW * CHUNKS_PER_W * CHUNK_E
ROWS = EPAD // 128
ROWS_PER_W = ROWS // NW
ACC_ROWS = 100096
ZROWS_PER_TILE = ACC_ROWS // NS

_mesh = plsc.VectorSubcoreMesh(
    core_axis_name="c", subcore_axis_name="s", num_cores=NC, num_subcores=NS
)


def _agg_body(table, edges, zeros, out, acc, idx,
              rows_a, sem_ga, sem_sa, rows_b, sem_gb, sem_sb,
              feat_split=False):
    cid = lax.axis_index("c")
    sid = lax.axis_index("s")
    wid = cid * NS + sid
    z0 = sid * ZROWS_PER_TILE
    pltpu.sync_copy(zeros.at[pl.ds(z0, ZROWS_PER_TILE)],
                    acc.at[pl.ds(z0, ZROWS_PER_TILE)])
    plsc.subcore_barrier()

    if feat_split:
        rbase = sid * (ROWS // NS)
        n_groups = 2 * GROUPS
    else:
        rbase = wid * ROWS_PER_W
        n_groups = GROUPS

    def fire_g(k, rows, sem):
        for j in range(SUB):
            if feat_split:
                src = table.at[cid].at[idx.at[2 * (k * SUB + j)]]
            else:
                src = table.at[idx.at[2 * (k * SUB + j)]]
            pltpu.async_copy(src, rows.at[pl.ds(j * 128, 128)], sem)

    def drain_g(rows, sem):
        for j in range(SUB):
            if feat_split:
                src = table.at[cid].at[idx.at[0]]
            else:
                src = table.at[idx.at[0]]
            pltpu.make_async_copy(src, rows.at[pl.ds(j * 128, 128)],
                                  sem).wait()

    def fire_s(k, rows, sem):
        for j in range(SUB):
            pltpu.async_copy(rows.at[pl.ds(j * 128, 128)],
                             acc.at[idx.at[2 * (k * SUB + j) + 1]],
                             sem, add=True)

    def drain_s(rows, sem):
        for j in range(SUB):
            pltpu.make_async_copy(rows.at[pl.ds(j * 128, 128)],
                                  acc.at[idx.at[1]], sem).wait()

    def group(g, carry):
        pltpu.sync_copy(edges.at[pl.ds(2 * (rbase + g * GROWS), 2 * GROWS)],
                        idx)
        fire_g(0, rows_a, sem_ga)
        fire_g(1, rows_b, sem_gb)

        def body(i, c2):
            a = 2 * i
            drain_g(rows_a, sem_ga)
            fire_s(a, rows_a, sem_sa)
            drain_g(rows_b, sem_gb)
            fire_s(a + 1, rows_b, sem_sb)
            drain_s(rows_a, sem_sa)

            @pl.when(i < GCHUNK // 2 - 1)
            def _():
                fire_g(a + 2, rows_a, sem_ga)

            drain_s(rows_b, sem_sb)

            @pl.when(i < GCHUNK // 2 - 1)
            def _():
                fire_g(a + 3, rows_b, sem_gb)

            return c2

        lax.fori_loop(0, GCHUNK // 2, body, 0)
        return carry

    lax.fori_loop(0, n_groups, group, 0)
    plsc.subcore_barrier()
    pltpu.sync_copy(acc.at[pl.ds(z0, ZROWS_PER_TILE)],
                    out.at[cid, pl.ds(z0, ZROWS_PER_TILE)])


def _deg_body(dst_r, zerosd, ones, out, acc, didx, rows, sem_s):
    cid = lax.axis_index("c")
    sid = lax.axis_index("s")
    wid = cid * NS + sid
    z0 = sid * ZROWS_PER_TILE
    pltpu.sync_copy(zerosd.at[pl.ds(z0, ZROWS_PER_TILE)],
                    acc.at[pl.ds(z0, ZROWS_PER_TILE)])
    pltpu.sync_copy(ones, rows)
    plsc.subcore_barrier()

    rbase = wid * ROWS_PER_W

    def group(g, carry):
        pltpu.sync_copy(dst_r.at[pl.ds(rbase + g * DROWS, DROWS)], didx)

        def body(i, c2):
            for j in range(SUB):
                pltpu.async_copy(rows, acc.at[didx.at[i * SUB + j]],
                                 sem_s, add=True)

            @pl.when(i > 0)
            def _():
                for j in range(SUB):
                    pltpu.make_async_copy(rows, acc.at[didx.at[0]],
                                          sem_s).wait()

            return c2

        lax.fori_loop(0, DCHUNK, body, 0)
        for j in range(SUB):
            pltpu.make_async_copy(rows, acc.at[didx.at[0]], sem_s).wait()
        return carry

    lax.fori_loop(0, DGROUPS, group, 0)
    plsc.subcore_barrier()
    pltpu.sync_copy(acc.at[pl.ds(z0, ZROWS_PER_TILE)],
                    out.at[cid, pl.ds(z0, ZROWS_PER_TILE)])


_PART = jax.ShapeDtypeStruct((NC, ACC_ROWS, LANES), jnp.float32)

_sc_params = pltpu.CompilerParams(use_tc_tiling_on_sc=False)

_agg = pl.kernel(
    _agg_body,
    out_type=_PART,
    mesh=_mesh,
    compiler_params=_sc_params,
    scratch_types=[
        pltpu.VMEM_SHARED((ACC_ROWS, LANES), jnp.float32),
        pltpu.VMEM((2 * GROWS, 128), jnp.int32),
        pltpu.VMEM((CHUNK_E, LANES), jnp.float32),
        pltpu.SemaphoreType.DMA,
        pltpu.SemaphoreType.DMA,
        pltpu.VMEM((CHUNK_E, LANES), jnp.float32),
        pltpu.SemaphoreType.DMA,
        pltpu.SemaphoreType.DMA,
    ],
)

_agg2 = pl.kernel(
    functools.partial(_agg_body, feat_split=True),
    out_type=_PART,
    mesh=_mesh,
    compiler_params=_sc_params,
    scratch_types=[
        pltpu.VMEM_SHARED((ACC_ROWS, LANES), jnp.float32),
        pltpu.VMEM((2 * GROWS, 128), jnp.int32),
        pltpu.VMEM((CHUNK_E, LANES), jnp.float32),
        pltpu.SemaphoreType.DMA,
        pltpu.SemaphoreType.DMA,
        pltpu.VMEM((CHUNK_E, LANES), jnp.float32),
        pltpu.SemaphoreType.DMA,
        pltpu.SemaphoreType.DMA,
    ],
)

_deg = pl.kernel(
    _deg_body,
    out_type=_PART,
    mesh=_mesh,
    compiler_params=_sc_params,
    scratch_types=[
        pltpu.VMEM_SHARED((ACC_ROWS, LANES), jnp.float32),
        pltpu.VMEM((DROWS, 128), jnp.int32),
        pltpu.VMEM((128, LANES), jnp.float32),
        pltpu.SemaphoreType.DMA,
    ],
)

_BLK = 2000
_GRID = N_NODES // _BLK


def _tc1_body(deg_ref, x_ref, dinv_ref, y1_ref):
    d = deg_ref[0] + deg_ref[1] + 1.0
    dinv = lax.rsqrt(d)
    dinv_ref[...] = dinv
    y1_ref[...] = dinv * x_ref[...]


def _tc2_body(dinv_ref, agg_ref, y1_ref, w1_ref, b1_ref, y2_ref):
    dinv = dinv_ref[...]
    p1 = dinv * (agg_ref[0] + agg_ref[1] + y1_ref[...])
    h = jnp.dot(p1, w1_ref[...], preferred_element_type=jnp.float32)
    h = jnp.maximum(h + b1_ref[...], 0.0)
    y2_ref[0] = dinv * h[:, :LANES]
    y2_ref[1] = dinv * h[:, LANES:]


def _tc3_body(dinv_ref, a2_ref, y2_ref, w2_ref, b2_ref, o_ref):
    dinv = dinv_ref[...]
    plo = dinv * (a2_ref[0] + y2_ref[0])
    phi = dinv * (a2_ref[1] + y2_ref[1])
    p2 = jnp.concatenate([plo, phi], axis=1)
    o = jnp.dot(p2, w2_ref[...], preferred_element_type=jnp.float32)
    o_ref[...] = jnp.maximum(o + b2_ref[...], 0.0)


def _vec_spec():
    return pl.BlockSpec((_BLK, LANES), lambda i: (i, 0))


def _part_spec():
    return pl.BlockSpec((NC, _BLK, LANES), lambda i: (0, i, 0))


def _full_spec(shape):
    return pl.BlockSpec(shape, lambda i: tuple(0 for _ in shape))


_tc1 = pl.pallas_call(
    _tc1_body,
    grid=(_GRID,),
    in_specs=[_part_spec(), _vec_spec()],
    out_specs=[_vec_spec(), _vec_spec()],
    out_shape=[jax.ShapeDtypeStruct((N_NODES, LANES), jnp.float32)] * 2,
)

_tc2 = pl.pallas_call(
    _tc2_body,
    grid=(_GRID,),
    in_specs=[_vec_spec(), _part_spec(), _vec_spec(),
              _full_spec((16, 32)), _full_spec((1, 32))],
    out_specs=_part_spec(),
    out_shape=jax.ShapeDtypeStruct((NC, N_NODES, LANES), jnp.float32),
)

_tc3 = pl.pallas_call(
    _tc3_body,
    grid=(_GRID,),
    in_specs=[_vec_spec(), _part_spec(), _part_spec(),
              _full_spec((32, 64)), _full_spec((1, 64))],
    out_specs=pl.BlockSpec((_BLK, 64), lambda i: (i, 0)),
    out_shape=jax.ShapeDtypeStruct((N_NODES, 64), jnp.float32),
)


def kernel(x, edge_index, W1, b1, W2, b2):
    src = edge_index[0]
    dst = edge_index[1]
    pad = EPAD - N_EDGES
    src_p = jnp.concatenate([src, jnp.zeros((pad,), jnp.int32)])
    dst_p = jnp.concatenate([dst, jnp.full((pad,), N_NODES, jnp.int32)])
    src_r = src_p.reshape(ROWS, 128)
    dst_r = dst_p.reshape(ROWS, 128)
    edges = jnp.stack([src_r, dst_r], axis=1).reshape(2 * ROWS, 128)
    zeros_sh = jnp.zeros((ACC_ROWS, LANES), jnp.float32)
    ones_blk = jnp.ones((128, LANES), jnp.float32)

    deg = _deg(dst_r, zeros_sh, ones_blk)
    dinv, y1 = _tc1(deg, x)
    agg1 = _agg(y1, edges, zeros_sh)
    y2 = _tc2(dinv, agg1, y1, W1, b1.reshape(1, 32))
    a2 = _agg2(y2, edges, zeros_sh)
    return _tc3(dinv, a2, y2, W2, b2.reshape(1, 64))

# --- scband reference (transcript-rebuilt; emitter-appended) ---
"""Pipeline reference for scband-gcn-29755533427171 (READ-ONLY COPY).

The authoritative reference and input builder live on the scoring server;
editing this copy changes nothing except your own understanding.
"""

import jax, jax.numpy as jnp
import numpy as np

N = 100000
E = 3200000
D_IN, D_H, D_OUT = 16, 32, 64


def setup_inputs(seed: int = 0) -> dict:
    key = jax.random.key(seed)
    k1, k2, k3, k4, k5, k6 = jax.random.split(key, 6)
    x = jax.random.normal(k1, (N, D_IN), dtype=jnp.float32)
    edge_index = jax.random.randint(k2, (2, E), 0, N, dtype=jnp.int32)
    # glorot-uniform linear weights + zero bias, as in PyG GCNConv defaults
    lim1 = float(np.sqrt(6.0 / (D_IN + D_H)))
    lim2 = float(np.sqrt(6.0 / (D_H + D_OUT)))
    W1 = jax.random.uniform(k3, (D_IN, D_H), dtype=jnp.float32, minval=-lim1, maxval=lim1)
    b1 = jnp.zeros((D_H,), dtype=jnp.float32)
    W2 = jax.random.uniform(k4, (D_H, D_OUT), dtype=jnp.float32, minval=-lim2, maxval=lim2)
    b2 = jnp.zeros((D_OUT,), dtype=jnp.float32)
    return {"x": x, "edge_index": edge_index, "W1": W1, "b1": b1, "W2": W2, "b2": b2}


def gcn_conv(x, edge_index, W, b):
    # Faithful GCNConv: add self-loops, symmetric D^{-1/2}(A+I)D^{-1/2} normalization
    n = x.shape[0]
    src = edge_index[0]
    dst = edge_index[1]
    loop = jnp.arange(n, dtype=src.dtype)
    src = jnp.concatenate([src, loop])
    dst = jnp.concatenate([dst, loop])
    deg = jnp.zeros((n,), dtype=x.dtype).at[dst].add(1.0)
    dinv = jnp.where(deg > 0, jax.lax.rsqrt(deg), 0.0)
    norm = dinv[src] * dinv[dst]
    xw = x @ W
    msg = jnp.take(xw, src, axis=0) * norm[:, None]
    out = jax.ops.segment_sum(msg, dst, num_segments=n)
    return out + b


def reference(x, edge_index, W1, b1, W2, b2):
    h = jax.nn.relu(gcn_conv(x, edge_index, W1, b1))
    h = jax.nn.relu(gcn_conv(h, edge_index, W2, b2))
    return h

if __name__ == "__main__":
    import jax
    _d = setup_inputs()
    print(jax.jit(kernel)(*tuple(_d.values())))

</pallas_src>

<mosaic_0001>
#map = affine_map<(d0, d1) -> (0, 0, 0)>
#map1 = affine_map<(d0, d1) -> (0, 0)>
module attributes {stable_mosaic.version = 14 : i64} {
  func.func @_agg_body(%arg0: i32, %arg1: i32, %arg2: memref<2x100000x16xf32, #tpu.memory_space<hbm>>, %arg3: memref<50176x128xi32, #tpu.memory_space<hbm>>, %arg4: memref<100096x16xf32, #tpu.memory_space<hbm>>, %arg5: memref<2x100096x16xf32, #tpu.memory_space<hbm>>, %arg6: memref<100096x16xf32, #tpu.memory_space<vmem_shared>>, %arg7: memref<112x128xi32, #tpu.memory_space<vmem>>, %arg8: memref<512x16xf32, #tpu.memory_space<vmem>>, %arg9: memref<!tpu.dma_semaphore, #tpu.memory_space<semaphore_mem>>, %arg10: memref<!tpu.dma_semaphore, #tpu.memory_space<semaphore_mem>>, %arg11: memref<512x16xf32, #tpu.memory_space<vmem>>, %arg12: memref<!tpu.dma_semaphore, #tpu.memory_space<semaphore_mem>>, %arg13: memref<!tpu.dma_semaphore, #tpu.memory_space<semaphore_mem>>) attributes {dimension_semantics = [#tpu.dimension_semantics<core_parallel>, #tpu.dimension_semantics<subcore_parallel>], iteration_bounds = array<i64: 2, 16>, scalar_prefetch = 0 : i64, scratch_operands = 8 : i64, tpu.core_type = #tpu.core_type<sc_vector_subcore>, window_params = [{transform_indices = #map}, {transform_indices = #map1}, {transform_indices = #map1}, {transform_indices = #map}]} {
    %mul3A = arith.constant 16 : i32
    %mul3A_0 = arith.muli %arg0, %mul3A : i32
    %add3A = arith.addi %mul3A_0, %arg1 : i32
    %mul3A_1 = arith.constant 6256 : i32
    %mul3A_2 = arith.muli %arg1, %mul3A_1 : i32
    "tpu.region"() ({
      %run_scoped3A = tpu.sem_alloc : memref<!tpu.dma_semaphore, #tpu.memory_space<semaphore_mem>>
      %dma_start3A = arith.constant 0 : i32
      %dma_start3A_11 = tpu.memref_slice %arg6[%mul3A_2, %dma_start3A] : memref<100096x16xf32, #tpu.memory_space<vmem_shared>> -> memref<6256x16xf32, #tpu.memory_space<vmem_shared>>
      %dma_start3A_12 = arith.constant 0 : i32
      %dma_start3A_13 = tpu.memref_slice %arg4[%mul3A_2, %dma_start3A_12] : memref<100096x16xf32, #tpu.memory_space<hbm>> -> memref<6256x16xf32, #tpu.memory_space<hbm>>
      tpu.enqueue_dma source(%dma_start3A_13 : memref<6256x16xf32, #tpu.memory_space<hbm>>) target(%dma_start3A_11 : memref<6256x16xf32, #tpu.memory_space<vmem_shared>>) target_semaphore(%run_scoped3A : memref<!tpu.dma_semaphore, #tpu.memory_space<semaphore_mem>>)
      %dma_wait3A = arith.constant 0 : i32
      %dma_wait3A_14 = tpu.memref_slice %arg6[%mul3A_2, %dma_wait3A] : memref<100096x16xf32, #tpu.memory_space<vmem_shared>> -> memref<6256x16xf32, #tpu.memory_space<vmem_shared>>
      %dma_wait3A_15 = arith.constant 0 : i32
      %dma_wait3A_16 = tpu.memref_slice %arg4[%mul3A_2, %dma_wait3A_15] : memref<100096x16xf32, #tpu.memory_space<hbm>> -> memref<6256x16xf32, #tpu.memory_space<hbm>>
      tpu.wait_dma2 semaphore(%run_scoped3A : memref<!tpu.dma_semaphore, #tpu.memory_space<semaphore_mem>>) src(%dma_wait3A_16 : memref<6256x16xf32, #tpu.memory_space<hbm>>) dst(%dma_wait3A_14 : memref<6256x16xf32, #tpu.memory_space<vmem_shared>>)
      tpu.yield
    }) : () -> ()
    %barrier3A = arith.constant 0 : index
    tpu.barrier barrier_id(%barrier3A)
    %mul3A_3 = arith.constant 1568 : i32
    %mul3A_4 = arith.muli %arg1, %mul3A_3 : i32
    %scan3A = arith.constant 0 : i32
    %scan3A_5 = arith.constant 0 : i32
    %scan3A_6 = arith.constant 28 : i32
    %scan3A_7 = arith.addi %scan3A_5, %scan3A_6 : i32
    %scan3A_8 = arith.constant 1 : i32
    scf.for %scan3A_11 = %scan3A_5 to %scan3A_7 step %scan3A_8  : i32 {
      %mul3A_12 = arith.constant 56 : i32
      %mul3A_13 = arith.muli %scan3A_11, %mul3A_12 : i32
      %add3A_14 = arith.addi %mul3A_4, %mul3A_13 : i32
      %mul3A_15 = arith.constant 2 : i32
      %mul3A_16 = arith.muli %mul3A_15, %add3A_14 : i32
      "tpu.region"() ({
        %run_scoped3A = tpu.sem_alloc : memref<!tpu.dma_semaphore, #tpu.memory_space<semaphore_mem>>
        %dma_start3A_134 = arith.constant 0 : i32
        %dma_start3A_135 = tpu.memref_slice %arg3[%mul3A_16, %dma_start3A_134] : memref<50176x128xi32, #tpu.memory_space<hbm>> -> memref<112x128xi32, #tpu.memory_space<hbm>>
        %dma_start3A_136 = arith.constant 0 : i32
        %dma_start3A_137 = tpu.memref_slice %arg3[%mul3A_16, %dma_start3A_136] : memref<50176x128xi32, #tpu.memory_space<hbm>> -> memref<112x128xi32, #tpu.memory_space<hbm>>
        tpu.enqueue_dma source(%dma_start3A_137 : memref<112x128xi32, #tpu.memory_space<hbm>>) target(%arg7 : memref<112x128xi32, #tpu.memory_space<vmem>>) target_semaphore(%run_scoped3A : memref<!tpu.dma_semaphore, #tpu.memory_space<semaphore_mem>>)
        %dma_wait3A = arith.constant 0 : i32
        %dma_wait3A_138 = tpu.memref_slice %arg3[%mul3A_16, %dma_wait3A] : memref<50176x128xi32, #tpu.memory_space<hbm>> -> memref<112x128xi32, #tpu.memory_space<hbm>>
        %dma_wait3A_139 = arith.constant 0 : i32
        %dma_wait3A_140 = tpu.memref_slice %arg3[%mul3A_16, %dma_wait3A_139] : memref<50176x128xi32, #tpu.memory_space<hbm>> -> memref<112x128xi32, #tpu.memory_space<hbm>>
        tpu.wait_dma2 semaphore(%run_scoped3A : memref<!tpu.dma_semaphore, #tpu.memory_space<semaphore_mem>>) src(%dma_wait3A_140 : memref<112x128xi32, #tpu.memory_space<hbm>>) dst(%arg7 : memref<112x128xi32, #tpu.memory_space<vmem>>)
        tpu.yield
      }) : () -> ()
      %dma_start3A = arith.constant 0 : i32
      %dma_start3A_17 = arith.constant 0 : i32
      %dma_start3A_18 = arith.constant 0 : i32
      %dma_start3A_19 = tpu.memref_slice %arg8[%dma_start3A_17, %dma_start3A_18] : memref<512x16xf32, #tpu.memory_space<vmem>> -> memref<128x16xf32, #tpu.memory_space<vmem>>
      %dma_start3A_20 = arith.constant 0 : i32
      %dma_start3A_21 = tpu.memref_slice %arg7[%dma_start3A, %dma_start3A_20] : memref<112x128xi32, #tpu.memory_space<vmem>> -> memref<1x128xi32, #tpu.memory_space<vmem>>
      %dma_start3A_22 = tpu.memref_squeeze %dma_start3A_21 : memref<1x128xi32, #tpu.memory_space<vmem>> -> memref<128xi32, #tpu.memory_space<vmem>>
      %dma_start3A_23 = arith.constant 0 : i32
      %dma_start3A_24 = arith.constant 0 : i32
      %dma_start3A_25 = tpu.memref_slice %arg2[%arg0, %dma_start3A_23, %dma_start3A_24] : memref<2x100000x16xf32, #tpu.memory_space<hbm>> -> memref<1x100000x16xf32, #tpu.memory_space<hbm>>
      %dma_start3A_26 = tpu.memref_squeeze %dma_start3A_25 : memref<1x100000x16xf32, #tpu.memory_space<hbm>> -> memref<100000x16xf32, #tpu.memory_space<hbm>>
      %dma_start3A_27 = arith.constant 0 : i32
      %dma_start3A_28 = arith.constant 0 : i32
      %dma_start3A_29 = tpu.memref_slice %dma_start3A_26[%dma_start3A_27, %dma_start3A_28] : memref<100000x16xf32, #tpu.memory_space<hbm>> -> memref<100000x16xf32, #tpu.memory_space<hbm>>
      tpu.enqueue_indirect_dma source(%dma_start3A_29 : memref<100000x16xf32, #tpu.memory_space<hbm>>) target(%dma_start3A_19 : memref<128x16xf32, #tpu.memory_space<vmem>>) offsets(%dma_start3A_22 : memref<128xi32, #tpu.memory_space<vmem>>) semaphore(%arg9 : memref<!tpu.dma_semaphore, #tpu.memory_space<semaphore_mem>>)
      %dma_start3A_30 = arith.constant 2 : i32
      %dma_start3A_31 = arith.constant 128 : i32
      %dma_start3A_32 = arith.constant 0 : i32
      %dma_start3A_33 = tpu.memref_slice %arg8[%dma_start3A_31, %dma_start3A_32] : memref<512x16xf32, #tpu.memory_space<vmem>> -> memref<128x16xf32, #tpu.memory_space<vmem>>
      %dma_start3A_34 = arith.constant 0 : i32
      %dma_start3A_35 = tpu.memref_slice %arg7[%dma_start3A_30, %dma_start3A_34] : memref<112x128xi32, #tpu.memory_space<vmem>> -> memref<1x128xi32, #tpu.memory_space<vmem>>
      %dma_start3A_36 = tpu.memref_squeeze %dma_start3A_35 : memref<1x128xi32, #tpu.memory_space<vmem>> -> memref<128xi32, #tpu.memory_space<vmem>>
      %dma_start3A_37 = arith.constant 0 : i32
      %dma_start3A_38 = arith.constant 0 : i32
      %dma_start3A_39 = tpu.memref_slice %arg2[%arg0, %dma_start3A_37, %dma_start3A_38] : memref<2x100000x16xf32, #tpu.memory_space<hbm>> -> memref<1x100000x16xf32, #tpu.memory_space<hbm>>
      %dma_start3A_40 = tpu.memref_squeeze %dma_start3A_39 : memref<1x100000x16xf32, #tpu.memory_space<hbm>> -> memref<100000x16xf32, #tpu.memory_space<hbm>>
      %dma_start3A_41 = arith.constant 0 : i32
      %dma_start3A_42 = arith.constant 0 : i32
      %dma_start3A_43 = tpu.memref_slice %dma_start3A_40[%dma_start3A_41, %dma_start3A_42] : memref<100000x16xf32, #tpu.memory_space<hbm>> -> memref<100000x16xf32, #tpu.memory_space<hbm>>
      tpu.enqueue_indirect_dma source(%dma_start3A_43 : memref<100000x16xf32, #tpu.memory_space<hbm>>) target(%dma_start3A_33 : memref<128x16xf32, #tpu.memory_space<vmem>>) offsets(%dma_start3A_36 : memref<128xi32, #tpu.memory_space<vmem>>) semaphore(%arg9 : memref<!tpu.dma_semaphore, #tpu.memory_space<semaphore_mem>>)
      %dma_start3A_44 = arith.constant 4 : i32
      %dma_start3A_45 = arith.constant 256 : i32
      %dma_start3A_46 = arith.constant 0 : i32
      %dma_start3A_47 = tpu.memref_slice %arg8[%dma_start3A_45, %dma_start3A_46] : memref<512x16xf32, #tpu.memory_space<vmem>> -> memref<128x16xf32, #tpu.memory_space<vmem>>
      %dma_start3A_48 = arith.constant 0 : i32
      %dma_start3A_49 = tpu.memref_slice %arg7[%dma_start3A_44, %dma_start3A_48] : memref<112x128xi32, #tpu.memory_space<vmem>> -> memref<1x128xi32, #tpu.memory_space<vmem>>
      %dma_start3A_50 = tpu.memref_squeeze %dma_start3A_49 : memref<1x128xi32, #tpu.memory_space<vmem>> -> memref<128xi32, #tpu.memory_space<vmem>>
      %dma_start3A_51 = arith.constant 0 : i32
      %dma_start3A_52 = arith.constant 0 : i32
      %dma_start3A_53 = tpu.memref_slice %arg2[%arg0, %dma_start3A_51, %dma_start3A_52] : memref<2x100000x16xf32, #tpu.memory_space<hbm>> -> memref<1x100000x16xf32, #tpu.memory_space<hbm>>
      %dma_start3A_54 = tpu.memref_squeeze %dma_start3A_53 : memref<1x100000x16xf32, #tpu.memory_space<hbm>> -> memref<100000x16xf32, #tpu.memory_space<hbm>>
      %dma_start3A_55 = arith.constant 0 : i32
      %dma_start3A_56 = arith.constant 0 : i32
      %dma_start3A_57 = tpu.memref_slice %dma_start3A_54[%dma_start3A_55, %dma_start3A_56] : memref<100000x16xf32, #tpu.memory_space<hbm>> -> memref<100000x16xf32, #tpu.memory_space<hbm>>
      tpu.enqueue_indirect_dma source(%dma_start3A_57 : memref<100000x16xf32, #tpu.memory_space<hbm>>) target(%dma_start3A_47 : memref<128x16xf32, #tpu.memory_space<vmem>>) offsets(%dma_start3A_50 : memref<128xi32, #tpu.memory_space<vmem>>) semaphore(%arg9 : memref<!tpu.dma_semaphore, #tpu.memory_space<semaphore_mem>>)
      %dma_start3A_58 = arith.constant 6 : i32
      %dma_start3A_59 = arith.constant 384 : i32
      %dma_start3A_60 = arith.constant 0 : i32
      %dma_start3A_61 = tpu.memref_slice %arg8[%dma_start3A_59, %dma_start3A_60] : memref<512x16xf32, #tpu.memory_space<vmem>> -> memref<128x16xf32, #tpu.memory_space<vmem>>
      %dma_start3A_62 = arith.constant 0 : i32
      %dma_start3A_63 = tpu.memref_slice %arg7[%dma_start3A_58, %dma_start3A_62] : memref<112x128xi32, #tpu.memory_space<vmem>> -> memref<1x128xi32, #tpu.memory_space<vmem>>
      %dma_start3A_64 = tpu.memref_squeeze %dma_start3A_63 : memref<1x128xi32, #tpu.memory_space<vmem>> -> memref<128xi32, #tpu.memory_space<vmem>>
      %dma_start3A_65 = arith.constant 0 : i32
      %dma_start3A_66 = arith.constant 0 : i32
      %dma_start3A_67 = tpu.memref_slice %arg2[%arg0, %dma_start3A_65, %dma_start3A_66] : memref<2x100000x16xf32, #tpu.memory_space<hbm>> -> memref<1x100000x16xf32, #tpu.memory_space<hbm>>
      %dma_start3A_68 = tpu.memref_squeeze %dma_start3A_67 : memref<1x100000x16xf32, #tpu.memory_space<hbm>> -> memref<100000x16xf32, #tpu.memory_space<hbm>>
      %dma_start3A_69 = arith.constant 0 : i32
      %dma_start3A_70 = arith.constant 0 : i32
      %dma_start3A_71 = tpu.memref_slice %dma_start3A_68[%dma_start3A_69, %dma_start3A_70] : memref<100000x16xf32, #tpu.memory_space<hbm>> -> memref<100000x16xf32, #tpu.memory_space<hbm>>
      tpu.enqueue_indirect_dma source(%dma_start3A_71 : memref<100000x16xf32, #tpu.memory_space<hbm>>) target(%dma_start3A_61 : memref<128x16xf32, #tpu.memory_space<vmem>>) offsets(%dma_start3A_64 : memref<128xi32, #tpu.memory_space<vmem>>) semaphore(%arg9 : memref<!tpu.dma_semaphore, #tpu.memory_space<semaphore_mem>>)
      %dma_start3A_72 = arith.constant 8 : i32
      %dma_start3A_73 = arith.constant 0 : i32
      %dma_start3A_74 = arith.constant 0 : i32
      %dma_start3A_75 = tpu.memref_slice %arg11[%dma_start3A_73, %dma_start3A_74] : memref<512x16xf32, #tpu.memory_space<vmem>> -> memref<128x16xf32, #tpu.memory_space<vmem>>
      %dma_start3A_76 = arith.constant 0 : i32
      %dma_start3A_77 = tpu.memref_slice %arg7[%dma_start3A_72, %dma_start3A_76] : memref<112x128xi32, #tpu.memory_space<vmem>> -> memref<1x128xi32, #tpu.memory_space<vmem>>
      %dma_start3A_78 = tpu.memref_squeeze %dma_start3A_77 : memref<1x128xi32, #tpu.memory_space<vmem>> -> memref<128xi32, #tpu.memory_space<vmem>>
      %dma_start3A_79 = arith.constant 0 : i32
      %dma_start3A_80 = arith.constant 0 : i32
      %dma_start3A_81 = tpu.memref_slice %arg2[%arg0, %dma_start3A_79, %dma_start3A_80] : memref<2x100000x16xf32, #tpu.memory_space<hbm>> -> memref<1x100000x16xf32, #tpu.memory_space<hbm>>
      %dma_start3A_82 = tpu.memref_squeeze %dma_start3A_81 : memref<1x100000x16xf32, #tpu.memory_space<hbm>> -> memref<100000x16xf32, #tpu.memory_space<hbm>>
      %dma_start3A_83 = arith.constant 0 : i32
      %dma_start3A_84 = arith.constant 0 : i32
      %dma_start3A_85 = tpu.memref_slice %dma_start3A_82[%dma_start3A_83, %dma_start3A_84] : memref<100000x16xf32, #tpu.memory_space<hbm>> -> memref<100000x16xf32, #tpu.memory_space<hbm>>
      tpu.enqueue_indirect_dma source(%dma_start3A_85 : memref<100000x16xf32, #tpu.memory_space<hbm>>) target(%dma_start3A_75 : memref<128x16xf32, #tpu.memory_space<vmem>>) offsets(%dma_start3A_78 : memref<128xi32, #tpu.memory_space<vmem>>) semaphore(%arg12 : memref<!tpu.dma_semaphore, #tpu.memory_space<semaphore_mem>>)
      %dma_start3A_86 = arith.constant 10 : i32
      %dma_start3A_87 = arith.constant 128 : i32
      %dma_start3A_88 = arith.constant 0 : i32
      %dma_start3A_89 = tpu.memref_slice %arg11[%dma_start3A_87, %dma_start3A_88] : memref<512x16xf32, #tpu.memory_space<vmem>> -> memref<128x16xf32, #tpu.memory_space<vmem>>
      %dma_start3A_90 = arith.constant 0 : i32
      %dma_start3A_91 = tpu.memref_slice %arg7[%dma_start3A_86, %dma_start3A_90] : memref<112x128xi32, #tpu.memory_space<vmem>> -> memref<1x128xi32, #tpu.memory_space<vmem>>
      %dma_start3A_92 = tpu.memref_squeeze %dma_start3A_91 : memref<1x128xi32, #tpu.memory_space<vmem>> -> memref<128xi32, #tpu.memory_space<vmem>>
      %dma_start3A_93 = arith.constant 0 : i32
      %dma_start3A_94 = arith.constant 0 : i32
      %dma_start3A_95 = tpu.memref_slice %arg2[%arg0, %dma_start3A_93, %dma_start3A_94] : memref<2x100000x16xf32, #tpu.memory_space<hbm>> -> memref<1x100000x16xf32, #tpu.memory_space<hbm>>
      %dma_start3A_96 = tpu.memref_squeeze %dma_start3A_95 : memref<1x100000x16xf32, #tpu.memory_space<hbm>> -> memref<100000x16xf32, #tpu.memory_space<hbm>>
      %dma_start3A_97 = arith.constant 0 : i32
      %dma_start3A_98 = arith.constant 0 : i32
      %dma_start3A_99 = tpu.memref_slice %dma_start3A_96[%dma_start3A_97, %dma_start3A_98] : memref<100000x16xf32, #tpu.memory_space<hbm>> -> memref<100000x16xf32, #tpu.memory_space<hbm>>
      tpu.enqueue_indirect_dma source(%dma_start3A_99 : memref<100000x16xf32, #tpu.memory_space<hbm>>) target(%dma_start3A_89 : memref<128x16xf32, #tpu.memory_space<vmem>>) offsets(%dma_start3A_92 : memref<128xi32, #tpu.memory_space<vmem>>) semaphore(%arg12 : memref<!tpu.dma_semaphore, #tpu.memory_space<semaphore_mem>>)
      %dma_start3A_100 = arith.constant 12 : i32
      %dma_start3A_101 = arith.constant 256 : i32
      %dma_start3A_102 = arith.constant 0 : i32
      %dma_start3A_103 = tpu.memref_slice %arg11[%dma_start3A_101, %dma_start3A_102] : memref<512x16xf32, #tpu.memory_space<vmem>> -> memref<128x16xf32, #tpu.memory_space<vmem>>
      %dma_start3A_104 = arith.constant 0 : i32
      %dma_start3A_105 = tpu.memref_slice %arg7[%dma_start3A_100, %dma_start3A_104] : memref<112x128xi32, #tpu.memory_space<vmem>> -> memref<1x128xi32, #tpu.memory_space<vmem>>
      %dma_start3A_106 = tpu.memref_squeeze %dma_start3A_105 : memref<1x128xi32, #tpu.memory_space<vmem>> -> memref<128xi32, #tpu.memory_space<vmem>>
      %dma_start3A_107 = arith.constant 0 : i32
      %dma_start3A_108 = arith.constant 0 : i32
      %dma_start3A_109 = tpu.memref_slice %arg2[%arg0, %dma_start3A_107, %dma_start3A_108] : memref<2x100000x16xf32, #tpu.memory_space<hbm>> -> memref<1x100000x16xf32, #tpu.memory_space<hbm>>
      %dma_start3A_110 = tpu.memref_squeeze %dma_start3A_109 : memref<1x100000x16xf32, #tpu.memory_space<hbm>> -> memref<100000x16xf32, #tpu.memory_space<hbm>>
      %dma_start3A_111 = arith.constant 0 : i32
      %dma_start3A_112 = arith.constant 0 : i32
      %dma_start3A_113 = tpu.memref_slice %dma_start3A_110[%dma_start3A_111, %dma_start3A_112] : memref<100000x16xf32, #tpu.memory_space<hbm>> -> memref<100000x16xf32, #tpu.memory_space<hbm>>
      tpu.enqueue_indirect_dma source(%dma_start3A_113 : memref<100000x16xf32, #tpu.memory_space<hbm>>) target(%dma_start3A_103 : memref<128x16xf32, #tpu.memory_space<vmem>>) offsets(%dma_start3A_106 : memref<128xi32, #tpu.memory_space<vmem>>) semaphore(%arg12 : memref<!tpu.dma_semaphore, #tpu.memory_space<semaphore_mem>>)
      %dma_start3A_114 = arith.constant 14 : i32
      %dma_start3A_115 = arith.constant 384 : i32
      %dma_start3A_116 = arith.constant 0 : i32
      %dma_start3A_117 = tpu.memref_slice %arg11[%dma_start3A_115, %dma_start3A_116] : memref<512x16xf32, #tpu.memory_space<vmem>> -> memref<128x16xf32, #tpu.memory_space<vmem>>
      %dma_start3A_118 = arith.constant 0 : i32
      %dma_start3A_119 = tpu.memref_slice %arg7[%dma_start3A_114, %dma_start3A_118] : memref<112x128xi32, #tpu.memory_space<vmem>> -> memref<1x128xi32, #tpu.memory_space<vmem>>
      %dma_start3A_120 = tpu.memref_squeeze %dma_start3A_119 : memref<1x128xi32, #tpu.memory_space<vmem>> -> memref<128xi32, #tpu.memory_space<vmem>>
      %dma_start3A_121 = arith.constant 0 : i32
      %dma_start3A_122 = arith.constant 0 : i32
      %dma_start3A_123 = tpu.memref_slice %arg2[%arg0, %dma_start3A_121, %dma_start3A_122] : memref<2x100000x16xf32, #tpu.memory_space<hbm>> -> memref<1x100000x16xf32, #tpu.memory_space<hbm>>
      %dma_start3A_124 = tpu.memref_squeeze %dma_start3A_123 : memref<1x100000x16xf32, #tpu.memory_space<hbm>> -> memref<100000x16xf32, #tpu.memory_space<hbm>>
      %dma_start3A_125 = arith.constant 0 : i32
      %dma_start3A_126 = arith.constant 0 : i32
      %dma_start3A_127 = tpu.memref_slice %dma_start3A_124[%dma_start3A_125, %dma_start3A_126] : memref<100000x16xf32, #tpu.memory_space<hbm>> -> memref<100000x16xf32, #tpu.memory_space<hbm>>
      tpu.enqueue_indirect_dma source(%dma_start3A_127 : memref<100000x16xf32, #tpu.memory_space<hbm>>) target(%dma_start3A_117 : memref<128x16xf32, #tpu.memory_space<vmem>>) offsets(%dma_start3A_120 : memref<128xi32, #tpu.memory_space<vmem>>) semaphore(%arg12 : memref<!tpu.dma_semaphore, #tpu.memory_space<semaphore_mem>>)
      %scan3A_128 = arith.constant 0 : i32
      %scan3A_129 = arith.constant 0 : i32
      %scan3A_130 = arith.constant 7 : i32
      %scan3A_131 = arith.addi %scan3A_129, %scan3A_130 : i32
      %scan3A_132 = arith.constant 1 : i32
      scf.for %scan3A_134 = %scan3A_129 to %scan3A_131 step %scan3A_132  : i32 {
        %mul3A_135 = arith.constant 2 : i32
        %mul3A_136 = arith.muli %mul3A_135, %scan3A_134 : i32
        %dma_wait3A = arith.constant 0 : i32
        %dma_wait3A_137 = arith.constant 0 : i32
        %dma_wait3A_138 = arith.constant 0 : i32
        %dma_wait3A_139 = tpu.memref_slice %arg8[%dma_wait3A_137, %dma_wait3A_138] : memref<512x16xf32, #tpu.memory_space<vmem>> -> memref<128x16xf32, #tpu.memory_space<vmem>>
        %dma_wait3A_140 = arith.constant 0 : i32
        %dma_wait3A_141 = tpu.memref_slice %arg7[%dma_wait3A, %dma_wait3A_140] : memref<112x128xi32, #tpu.memory_space<vmem>> -> memref<1x128xi32, #tpu.memory_space<vmem>>
        %dma_wait3A_142 = tpu.memref_squeeze %dma_wait3A_141 : memref<1x128xi32, #tpu.memory_space<vmem>> -> memref<128xi32, #tpu.memory_space<vmem>>
        %dma_wait3A_143 = arith.constant 0 : i32
        %dma_wait3A_144 = arith.constant 0 : i32
        %dma_wait3A_145 = tpu.memref_slice %arg2[%arg0, %dma_wait3A_143, %dma_wait3A_144] : memref<2x100000x16xf32, #tpu.memory_space<hbm>> -> memref<1x100000x16xf32, #tpu.memory_space<hbm>>
        %dma_wait3A_146 = tpu.memref_squeeze %dma_wait3A_145 : memref<1x100000x16xf32, #tpu.memory_space<hbm>> -> memref<100000x16xf32, #tpu.memory_space<hbm>>
        %dma_wait3A_147 = arith.constant 0 : i32
        %dma_wait3A_148 = arith.constant 0 : i32
        %dma_wait3A_149 = tpu.memref_slice %dma_wait3A_146[%dma_wait3A_147, %dma_wait3A_148] : memref<100000x16xf32, #tpu.memory_space<hbm>> -> memref<100000x16xf32, #tpu.memory_space<hbm>>
        tpu.wait_indirect_dma semaphore(%arg9 : memref<!tpu.dma_semaphore, #tpu.memory_space<semaphore_mem>>) src(%dma_wait3A_149 : memref<100000x16xf32, #tpu.memory_space<hbm>>) dst(%dma_wait3A_139 : memref<128x16xf32, #tpu.memory_space<vmem>>)
        %dma_wait3A_150 = arith.constant 0 : i32
        %dma_wait3A_151 = arith.constant 128 : i32
        %dma_wait3A_152 = arith.constant 0 : i32
        %dma_wait3A_153 = tpu.memref_slice %arg8[%dma_wait3A_151, %dma_wait3A_152] : memref<512x16xf32, #tpu.memory_space<vmem>> -> memref<128x16xf32, #tpu.memory_space<vmem>>
        %dma_wait3A_154 = arith.constant 0 : i32
        %dma_wait3A_155 = tpu.memref_slice %arg7[%dma_wait3A_150, %dma_wait3A_154] : memref<112x128xi32, #tpu.memory_space<vmem>> -> memref<1x128xi32, #tpu.memory_space<vmem>>
        %dma_wait3A_156 = tpu.memref_squeeze %dma_wait3A_155 : memref<1x128xi32, #tpu.memory_space<vmem>> -> memref<128xi32, #tpu.memory_space<vmem>>
        %dma_wait3A_157 = arith.constant 0 : i32
        %dma_wait3A_158 = arith.constant 0 : i32
        %dma_wait3A_159 = tpu.memref_slice %arg2[%arg0, %dma_wait3A_157, %dma_wait3A_158] : memref<2x100000x16xf32, #tpu.memory_space<hbm>> -> memref<1x100000x16xf32, #tpu.memory_space<hbm>>
        %dma_wait3A_160 = tpu.memref_squeeze %dma_wait3A_159 : memref<1x100000x16xf32, #tpu.memory_space<hbm>> -> memref<100000x16xf32, #tpu.memory_space<hbm>>
        %dma_wait3A_161 = arith.constant 0 : i32
        %dma_wait3A_162 = arith.constant 0 : i32
        %dma_wait3A_163 = tpu.memref_slice %dma_wait3A_160[%dma_wait3A_161, %dma_wait3A_162] : memref<100000x16xf32, #tpu.memory_space<hbm>> -> memref<100000x16xf32, #tpu.memory_space<hbm>>
        tpu.wait_indirect_dma semaphore(%arg9 : memref<!tpu.dma_semaphore, #tpu.memory_space<semaphore_mem>>) src(%dma_wait3A_163 : memref<100000x16xf32, #tpu.memory_space<hbm>>) dst(%dma_wait3A_153 : memref<128x16xf32, #tpu.memory_space<vmem>>)
        %dma_wait3A_164 = arith.constant 0 : i32
        %dma_wait3A_165 = arith.constant 256 : i32
        %dma_wait3A_166 = arith.constant 0 : i32
        %dma_wait3A_167 = tpu.memref_slice %arg8[%dma_wait3A_165, %dma_wait3A_166] : memref<512x16xf32, #tpu.memory_space<vmem>> -> memref<128x16xf32, #tpu.memory_space<vmem>>
        %dma_wait3A_168 = arith.constant 0 : i32
        %dma_wait3A_169 = tpu.memref_slice %arg7[%dma_wait3A_164, %dma_wait3A_168] : memref<112x128xi32, #tpu.memory_space<vmem>> -> memref<1x128xi32, #tpu.memory_space<vmem>>
        %dma_wait3A_170 = tpu.memref_squeeze %dma_wait3A_169 : memref<1x128xi32, #tpu.memory_space<vmem>> -> memref<128xi32, #tpu.memory_space<vmem>>
        %dma_wait3A_171 = arith.constant 0 : i32
        %dma_wait3A_172 = arith.constant 0 : i32
        %dma_wait3A_173 = tpu.memref_slice %arg2[%arg0, %dma_wait3A_171, %dma_wait3A_172] : memref<2x100000x16xf32, #tpu.memory_space<hbm>> -> memref<1x100000x16xf32, #tpu.memory_space<hbm>>
        %dma_wait3A_174 = tpu.memref_squeeze %dma_wait3A_173 : memref<1x100000x16xf32, #tpu.memory_space<hbm>> -> memref<100000x16xf32, #tpu.memory_space<hbm>>
        %dma_wait3A_175 = arith.constant 0 : i32
        %dma_wait3A_176 = arith.constant 0 : i32
        %dma_wait3A_177 = tpu.memref_slice %dma_wait3A_174[%dma_wait3A_175, %dma_wait3A_176] : memref<100000x16xf32, #tpu.memory_space<hbm>> -> memref<100000x16xf32, #tpu.memory_space<hbm>>
        tpu.wait_indirect_dma semaphore(%arg9 : memref<!tpu.dma_semaphore, #tpu.memory_space<semaphore_mem>>) src(%dma_wait3A_177 : memref<100000x16xf32, #tpu.memory_space<hbm>>) dst(%dma_wait3A_167 : memref<128x16xf32, #tpu.memory_space<vmem>>)
        %dma_wait3A_178 = arith.constant 0 : i32
        %dma_wait3A_179 = arith.constant 384 : i32
        %dma_wait3A_180 = arith.constant 0 : i32
        %dma_wait3A_181 = tpu.memref_slice %arg8[%dma_wait3A_179, %dma_wait3A_180] : memref<512x16xf32, #tpu.memory_space<vmem>> -> memref<128x16xf32, #tpu.memory_space<vmem>>
        %dma_wait3A_182 = arith.constant 0 : i32
        %dma_wait3A_183 = tpu.memref_slice %arg7[%dma_wait3A_178, %dma_wait3A_182] : memref<112x128xi32, #tpu.memory_space<vmem>> -> memref<1x128xi32, #tpu.memory_space<vmem>>
        %dma_wait3A_184 = tpu.memref_squeeze %dma_wait3A_183 : memref<1x128xi32, #tpu.memory_space<vmem>> -> memref<128xi32, #tpu.memory_space<vmem>>
        %dma_wait3A_185 = arith.constant 0 : i32
        %dma_wait3A_186 = arith.constant 0 : i32
        %dma_wait3A_187 = tpu.memref_slice %arg2[%arg0, %dma_wait3A_185, %dma_wait3A_186] : memref<2x100000x16xf32, #tpu.memory_space<hbm>> -> memref<1x100000x16xf32, #tpu.memory_space<hbm>>
        %dma_wait3A_188 = tpu.memref_squeeze %dma_wait3A_187 : memref<1x100000x16xf32, #tpu.memory_space<hbm>> -> memref<100000x16xf32, #tpu.memory_space<hbm>>
        %dma_wait3A_189 = arith.constant 0 : i32
        %dma_wait3A_190 = arith.constant 0 : i32
        %dma_wait3A_191 = tpu.memref_slice %dma_wait3A_188[%dma_wait3A_189, %dma_wait3A_190] : memref<100000x16xf32, #tpu.memory_space<hbm>> -> memref<100000x16xf32, #tpu.memory_space<hbm>>
        tpu.wait_indirect_dma semaphore(%arg9 : memref<!tpu.dma_semaphore, #tpu.memory_space<semaphore_mem>>) src(%dma_wait3A_191 : memref<100000x16xf32, #tpu.memory_space<hbm>>) dst(%dma_wait3A_181 : memref<128x16xf32, #tpu.memory_space<vmem>>)
        %mul3A_192 = arith.constant 4 : i32
        %mul3A_193 = arith.muli %mul3A_136, %mul3A_192 : i32
        %add3A_194 = arith.constant 0 : i32
        %add3A_195 = arith.addi %mul3A_193, %add3A_194 : i32
        %mul3A_196 = arith.constant 2 : i32
        %mul3A_197 = arith.muli %mul3A_196, %add3A_195 : i32
        %add3A_198 = arith.constant 1 : i32
        %add3A_199 = arith.addi %mul3A_197, %add3A_198 : i32
        %dma_start3A_200 = arith.constant 0 : i32
        %dma_start3A_201 = arith.constant 0 : i32
        %dma_start3A_202 = tpu.memref_slice %arg8[%dma_start3A_200, %dma_start3A_201] : memref<512x16xf32, #tpu.memory_space<vmem>> -> memref<128x16xf32, #tpu.memory_space<vmem>>
        %dma_start3A_203 = arith.constant 0 : i32
        %dma_start3A_204 = tpu.memref_slice %arg7[%add3A_199, %dma_start3A_203] : memref<112x128xi32, #tpu.memory_space<vmem>> -> memref<1x128xi32, #tpu.memory_space<vmem>>
        %dma_start3A_205 = tpu.memref_squeeze %dma_start3A_204 : memref<1x128xi32, #tpu.memory_space<vmem>> -> memref<128xi32, #tpu.memory_space<vmem>>
        %dma_start3A_206 = arith.constant 0 : i32
        %dma_start3A_207 = arith.constant 0 : i32
        %dma_start3A_208 = tpu.memref_slice %arg6[%dma_start3A_206, %dma_start3A_207] : memref<100096x16xf32, #tpu.memory_space<vmem_shared>> -> memref<100096x16xf32, #tpu.memory_space<vmem_shared>>
        tpu.enqueue_indirect_dma source(%dma_start3A_202 : memref<128x16xf32, #tpu.memory_space<vmem>>) target(%dma_start3A_208 : memref<100096x16xf32, #tpu.memory_space<vmem_shared>>) offsets(%dma_start3A_205 : memref<128xi32, #tpu.memory_space<vmem>>) semaphore(%arg10 : memref<!tpu.dma_semaphore, #tpu.memory_space<semaphore_mem>>) {add = true}
        %mul3A_209 = arith.constant 4 : i32
        %mul3A_210 = arith.muli %mul3A_136, %mul3A_209 : i32
        %add3A_211 = arith.constant 1 : i32
        %add3A_212 = arith.addi %mul3A_210, %add3A_211 : i32
        %mul3A_213 = arith.constant 2 : i32
        %mul3A_214 = arith.muli %mul3A_213, %add3A_212 : i32
        %add3A_215 = arith.constant 1 : i32
        %add3A_216 = arith.addi %mul3A_214, %add3A_215 : i32
        %dma_start3A_217 = arith.constant 128 : i32
        %dma_start3A_218 = arith.constant 0 : i32
        %dma_start3A_219 = tpu.memref_slice %arg8[%dma_start3A_217, %dma_start3A_218] : memref<512x16xf32, #tpu.memory_space<vmem>> -> memref<128x16xf32, #tpu.memory_space<vmem>>
        %dma_start3A_220 = arith.constant 0 : i32
        %dma_start3A_221 = tpu.memref_slice %arg7[%add3A_216, %dma_start3A_220] : memref<112x128xi32, #tpu.memory_space<vmem>> -> memref<1x128xi32, #tpu.memory_space<vmem>>
        %dma_start3A_222 = tpu.memref_squeeze %dma_start3A_221 : memref<1x128xi32, #tpu.memory_space<vmem>> -> memref<128xi32, #tpu.memory_space<vmem>>
        %dma_start3A_223 = arith.constant 0 : i32
        %dma_start3A_224 = arith.constant 0 : i32
        %dma_start3A_225 = tpu.memref_slice %arg6[%dma_start3A_223, %dma_start3A_224] : memref<100096x16xf32, #tpu.memory_space<vmem_shared>> -> memref<100096x16xf32, #tpu.memory_space<vmem_shared>>
        tpu.enqueue_indirect_dma source(%dma_start3A_219 : memref<128x16xf32, #tpu.memory_space<vmem>>) target(%dma_start3A_225 : memref<100096x16xf32, #tpu.memory_space<vmem_shared>>) offsets(%dma_start3A_222 : memref<128xi32, #tpu.memory_space<vmem>>) semaphore(%arg10 : memref<!tpu.dma_semaphore, #tpu.memory_space<semaphore_mem>>) {add = true}
        %mul3A_226 = arith.constant 4 : i32
        %mul3A_227 = arith.muli %mul3A_136, %mul3A_226 : i32
        %add3A_228 = arith.constant 2 : i32
        %add3A_229 = arith.addi %mul3A_227, %add3A_228 : i32
        %mul3A_230 = arith.constant 2 : i32
        %mul3A_231 = arith.muli %mul3A_230, %add3A_229 : i32
        %add3A_232 = arith.constant 1 : i32
        %add3A_233 = arith.addi %mul3A_231, %add3A_232 : i32
        %dma_start3A_234 = arith.constant 256 : i32
        %dma_start3A_235 = arith.constant 0 : i32
        %dma_start3A_236 = tpu.memref_slice %arg8[%dma_start3A_234, %dma_start3A_235] : memref<512x16xf32, #tpu.memory_space<vmem>> -> memref<128x16xf32, #tpu.memory_space<vmem>>
        %dma_start3A_237 = arith.constant 0 : i32
        %dma_start3A_238 = tpu.memref_slice %arg7[%add3A_233, %dma_start3A_237] : memref<112x128xi32, #tpu.memory_space<vmem>> -> memref<1x128xi32, #tpu.memory_space<vmem>>
        %dma_start3A_239 = tpu.memref_squeeze %dma_start3A_238 : memref<1x128xi32, #tpu.memory_space<vmem>> -> memref<128xi32, #tpu.memory_space<vmem>>
        %dma_start3A_240 = arith.constant 0 : i32
        %dma_start3A_241 = arith.constant 0 : i32
        %dma_start3A_242 = tpu.memref_slice %arg6[%dma_start3A_240, %dma_start3A_241] : memref<100096x16xf32, #tpu.memory_space<vmem_shared>> -> memref<100096x16xf32, #tpu.memory_space<vmem_shared>>
        tpu.enqueue_indirect_dma source(%dma_start3A_236 : memref<128x16xf32, #tpu.memory_space<vmem>>) target(%dma_start3A_242 : memref<100096x16xf32, #tpu.memory_space<vmem_shared>>) offsets(%dma_start3A_239 : memref<128xi32, #tpu.memory_space<vmem>>) semaphore(%arg10 : memref<!tpu.dma_semaphore, #tpu.memory_space<semaphore_mem>>) {add = true}
        %mul3A_243 = arith.constant 4 : i32
        %mul3A_244 = arith.muli %mul3A_136, %mul3A_243 : i32
        %add3A_245 = arith.constant 3 : i32
        %add3A_246 = arith.addi %mul3A_244, %add3A_245 : i32
        %mul3A_247 = arith.constant 2 : i32
        %mul3A_248 = arith.muli %mul3A_247, %add3A_246 : i32
        %add3A_249 = arith.constant 1 : i32
        %add3A_250 = arith.addi %mul3A_248, %add3A_249 : i32
        %dma_start3A_251 = arith.constant 384 : i32
        %dma_start3A_252 = arith.constant 0 : i32
        %dma_start3A_253 = tpu.memref_slice %arg8[%dma_start3A_251, %dma_start3A_252] : memref<512x16xf32, #tpu.memory_space<vmem>> -> memref<128x16xf32, #tpu.memory_space<vmem>>
        %dma_start3A_254 = arith.constant 0 : i32
        %dma_start3A_255 = tpu.memref_slice %arg7[%add3A_250, %dma_start3A_254] : memref<112x128xi32, #tpu.memory_space<vmem>> -> memref<1x128xi32, #tpu.memory_space<vmem>>
        %dma_start3A_256 = tpu.memref_squeeze %dma_start3A_255 : memref<1x128xi32, #tpu.memory_space<vmem>> -> memref<128xi32, #tpu.memory_space<vmem>>
        %dma_start3A_257 = arith.constant 0 : i32
        %dma_start3A_258 = arith.constant 0 : i32
        %dma_start3A_259 = tpu.memref_slice %arg6[%dma_start3A_257, %dma_start3A_258] : memref<100096x16xf32, #tpu.memory_space<vmem_shared>> -> memref<100096x16xf32, #tpu.memory_space<vmem_shared>>
        tpu.enqueue_indirect_dma source(%dma_start3A_253 : memref<128x16xf32, #tpu.memory_space<vmem>>) target(%dma_start3A_259 : memref<100096x16xf32, #tpu.memory_space<vmem_shared>>) offsets(%dma_start3A_256 : memref<128xi32, #tpu.memory_space<vmem>>) semaphore(%arg10 : memref<!tpu.dma_semaphore, #tpu.memory_space<semaphore_mem>>) {add = true}
        %dma_wait3A_260 = arith.constant 0 : i32
        %dma_wait3A_261 = arith.constant 0 : i32
        %dma_wait3A_262 = arith.constant 0 : i32
        %dma_wait3A_263 = tpu.memref_slice %arg11[%dma_wait3A_261, %dma_wait3A_262] : memref<512x16xf32, #tpu.memory_space<vmem>> -> memref<128x16xf32, #tpu.memory_space<vmem>>
        %dma_wait3A_264 = arith.constant 0 : i32
        %dma_wait3A_265 = tpu.memref_slice %arg7[%dma_wait3A_260, %dma_wait3A_264] : memref<112x128xi32, #tpu.memory_space<vmem>> -> memref<1x128xi32, #tpu.memory_space<vmem>>
        %dma_wait3A_266 = tpu.memref_squeeze %dma_wait3A_265 : memref<1x128xi32, #tpu.memory_space<vmem>> -> memref<128xi32, #tpu.memory_space<vmem>>
        %dma_wait3A_267 = arith.constant 0 : i32
        %dma_wait3A_268 = arith.constant 0 : i32
        %dma_wait3A_269 = tpu.memref_slice %arg2[%arg0, %dma_wait3A_267, %dma_wait3A_268] : memref<2x100000x16xf32, #tpu.memory_space<hbm>> -> memref<1x100000x16xf32, #tpu.memory_space<hbm>>
        %dma_wait3A_270 = tpu.memref_squeeze %dma_wait3A_269 : memref<1x100000x16xf32, #tpu.memory_space<hbm>> -> memref<100000x16xf32, #tpu.memory_space<hbm>>
        %dma_wait3A_271 = arith.constant 0 : i32
        %dma_wait3A_272 = arith.constant 0 : i32
        %dma_wait3A_273 = tpu.memref_slice %dma_wait3A_270[%dma_wait3A_271, %dma_wait3A_272] : memref<100000x16xf32, #tpu.memory_space<hbm>> -> memref<100000x16xf32, #tpu.memory_space<hbm>>
        tpu.wait_indirect_dma semaphore(%arg12 : memref<!tpu.dma_semaphore, #tpu.memory_space<semaphore_mem>>) src(%dma_wait3A_273 : memref<100000x16xf32, #tpu.memory_space<hbm>>) dst(%dma_wait3A_263 : memref<128x16xf32, #tpu.memory_space<vmem>>)
        %dma_wait3A_274 = arith.constant 0 : i32
        %dma_wait3A_275 = arith.constant 128 : i32
        %dma_wait3A_276 = arith.constant 0 : i32
        %dma_wait3A_277 = tpu.memref_slice %arg11[%dma_wait3A_275, %dma_wait3A_276] : memref<512x16xf32, #tpu.memory_space<vmem>> -> memref<128x16xf32, #tpu.memory_space<vmem>>
        %dma_wait3A_278 = arith.constant 0 : i32
        %dma_wait3A_279 = tpu.memref_slice %arg7[%dma_wait3A_274, %dma_wait3A_278] : memref<112x128xi32, #tpu.memory_space<vmem>> -> memref<1x128xi32, #tpu.memory_space<vmem>>
        %dma_wait3A_280 = tpu.memref_squeeze %dma_wait3A_279 : memref<1x128xi32, #tpu.memory_space<vmem>> -> memref<128xi32, #tpu.memory_space<vmem>>
        %dma_wait3A_281 = arith.constant 0 : i32
        %dma_wait3A_282 = arith.constant 0 : i32
        %dma_wait3A_283 = tpu.memref_slice %arg2[%arg0, %dma_wait3A_281, %dma_wait3A_282] : memref<2x100000x16xf32, #tpu.memory_space<hbm>> -> memref<1x100000x16xf32, #tpu.memory_space<hbm>>
        %dma_wait3A_284 = tpu.memref_squeeze %dma_wait3A_283 : memref<1x100000x16xf32, #tpu.memory_space<hbm>> -> memref<100000x16xf32, #tpu.memory_space<hbm>>
        %dma_wait3A_285 = arith.constant 0 : i32
        %dma_wait3A_286 = arith.constant 0 : i32
        %dma_wait3A_287 = tpu.memref_slice %dma_wait3A_284[%dma_wait3A_285, %dma_wait3A_286] : memref<100000x16xf32, #tpu.memory_space<hbm>> -> memref<100000x16xf32, #tpu.memory_space<hbm>>
        tpu.wait_indirect_dma semaphore(%arg12 : memref<!tpu.dma_semaphore, #tpu.memory_space<semaphore_mem>>) src(%dma_wait3A_287 : memref<100000x16xf32, #tpu.memory_space<hbm>>) dst(%dma_wait3A_277 : memref<128x16xf32, #tpu.memory_space<vmem>>)
        %dma_wait3A_288 = arith.constant 0 : i32
        %dma_wait3A_289 = arith.constant 256 : i32
        %dma_wait3A_290 = arith.constant 0 : i32
        %dma_wait3A_291 = tpu.memref_slice %arg11[%dma_wait3A_289, %dma_wait3A_290] : memref<512x16xf32, #tpu.memory_space<vmem>> -> memref<128x16xf32, #tpu.memory_space<vmem>>
        %dma_wait3A_292 = arith.constant 0 : i32
        %dma_wait3A_293 = tpu.memref_slice %arg7[%dma_wait3A_288, %dma_wait3A_292] : memref<112x128xi32, #tpu.memory_space<vmem>> -> memref<1x128xi32, #tpu.memory_space<vmem>>
        %dma_wait3A_294 = tpu.memref_squeeze %dma_wait3A_293 : memref<1x128xi32, #tpu.memory_space<vmem>> -> memref<128xi32, #tpu.memory_space<vmem>>
        %dma_wait3A_295 = arith.constant 0 : i32
        %dma_wait3A_296 = arith.constant 0 : i32
        %dma_wait3A_297 = tpu.memref_slice %arg2[%arg0, %dma_wait3A_295, %dma_wait3A_296] : memref<2x100000x16xf32, #tpu.memory_space<hbm>> -> memref<1x100000x16xf32, #tpu.memory_space<hbm>>
        %dma_wait3A_298 = tpu.memref_squeeze %dma_wait3A_297 : memref<1x100000x16xf32, #tpu.memory_space<hbm>> -> memref<100000x16xf32, #tpu.memory_space<hbm>>
        %dma_wait3A_299 = arith.constant 0 : i32
        %dma_wait3A_300 = arith.constant 0 : i32
        %dma_wait3A_301 = tpu.memref_slice %dma_wait3A_298[%dma_wait3A_299, %dma_wait3A_300] : memref<100000x16xf32, #tpu.memory_space<hbm>> -> memref<100000x16xf32, #tpu.memory_space<hbm>>
        tpu.wait_indirect_dma semaphore(%arg12 : memref<!tpu.dma_semaphore, #tpu.memory_space<semaphore_mem>>) src(%dma_wait3A_301 : memref<100000x16xf32, #tpu.memory_space<hbm>>) dst(%dma_wait3A_291 : memref<128x16xf32, #tpu.memory_space<vmem>>)
        %dma_wait3A_302 = arith.constant 0 : i32
        %dma_wait3A_303 = arith.constant 384 : i32
        %dma_wait3A_304 = arith.constant 0 : i32
        %dma_wait3A_305 = tpu.memref_slice %arg11[%dma_wait3A_303, %dma_wait3A_304] : memref<512x16xf32, #tpu.memory_space<vmem>> -> memref<128x16xf32, #tpu.memory_space<vmem>>
        %dma_wait3A_306 = arith.constant 0 : i32
        %dma_wait3A_307 = tpu.memref_slice %arg7[%dma_wait3A_302, %dma_wait3A_306] : memref<112x128xi32, #tpu.memory_space<vmem>> -> memref<1x128xi32, #tpu.memory_space<vmem>>
        %dma_wait3A_308 = tpu.memref_squeeze %dma_wait3A_307 : memref<1x128xi32, #tpu.memory_space<vmem>> -> memref<128xi32, #tpu.memory_space<vmem>>
        %dma_wait3A_309 = arith.constant 0 : i32
        %dma_wait3A_310 = arith.constant 0 : i32
        %dma_wait3A_311 = tpu.memref_slice %arg2[%arg0, %dma_wait3A_309, %dma_wait3A_310] : memref<2x100000x16xf32, #tpu.memory_space<hbm>> -> memref<1x100000x16xf32, #tpu.memory_space<hbm>>
        %dma_wait3A_312 = tpu.memref_squeeze %dma_wait3A_311 : memref<1x100000x16xf32, #tpu.memory_space<hbm>> -> memref<100000x16xf32, #tpu.memory_space<hbm>>
        %dma_wait3A_313 = arith.constant 0 : i32
        %dma_wait3A_314 = arith.constant 0 : i32
        %dma_wait3A_315 = tpu.memref_slice %dma_wait3A_312[%dma_wait3A_313, %dma_wait3A_314] : memref<100000x16xf32, #tpu.memory_space<hbm>> -> memref<100000x16xf32, #tpu.memory_space<hbm>>
        tpu.wait_indirect_dma semaphore(%arg12 : memref<!tpu.dma_semaphore, #tpu.memory_space<semaphore_mem>>) src(%dma_wait3A_315 : memref<100000x16xf32, #tpu.memory_space<hbm>>) dst(%dma_wait3A_305 : memref<128x16xf32, #tpu.memory_space<vmem>>)
        %add3A_316 = arith.constant 1 : i32
        %add3A_317 = arith.addi %mul3A_136, %add3A_316 : i32
        %mul3A_318 = arith.constant 4 : i32
        %mul3A_319 = arith.muli %add3A_317, %mul3A_318 : i32
        %add3A_320 = arith.constant 0 : i32
        %add3A_321 = arith.addi %mul3A_319, %add3A_320 : i32
        %mul3A_322 = arith.constant 2 : i32
        %mul3A_323 = arith.muli %mul3A_322, %add3A_321 : i32
        %add3A_324 = arith.constant 1 : i32
        %add3A_325 = arith.addi %mul3A_323, %add3A_324 : i32
        %dma_start3A_326 = arith.constant 0 : i32
        %dma_start3A_327 = arith.constant 0 : i32
        %dma_start3A_328 = tpu.memref_slice %arg11[%dma_start3A_326, %dma_start3A_327] : memref<512x16xf32, #tpu.memory_space<vmem>> -> memref<128x16xf32, #tpu.memory_space<vmem>>
        %dma_start3A_329 = arith.constant 0 : i32
        %dma_start3A_330 = tpu.memref_slice %arg7[%add3A_325, %dma_start3A_329] : memref<112x128xi32, #tpu.memory_space<vmem>> -> memref<1x128xi32, #tpu.memory_space<vmem>>
        %dma_start3A_331 = tpu.memref_squeeze %dma_start3A_330 : memref<1x128xi32, #tpu.memory_space<vmem>> -> memref<128xi32, #tpu.memory_space<vmem>>
        %dma_start3A_332 = arith.constant 0 : i32
        %dma_start3A_333 = arith.constant 0 : i32
        %dma_start3A_334 = tpu.memref_slice %arg6[%dma_start3A_332, %dma_start3A_333] : memref<100096x16xf32, #tpu.memory_space<vmem_shared>> -> memref<100096x16xf32, #tpu.memory_space<vmem_shared>>
        tpu.enqueue_indirect_dma source(%dma_start3A_328 : memref<128x16xf32, #tpu.memory_space<vmem>>) target(%dma_start3A_334 : memref<100096x16xf32, #tpu.memory_space<vmem_shared>>) offsets(%dma_start3A_331 : memref<128xi32, #tpu.memory_space<vmem>>) semaphore(%arg13 : memref<!tpu.dma_semaphore, #tpu.memory_space<semaphore_mem>>) {add = true}
        %mul3A_335 = arith.constant 4 : i32
        %mul3A_336 = arith.muli %add3A_317, %mul3A_335 : i32
        %add3A_337 = arith.constant 1 : i32
        %add3A_338 = arith.addi %mul3A_336, %add3A_337 : i32
        %mul3A_339 = arith.constant 2 : i32
        %mul3A_340 = arith.muli %mul3A_339, %add3A_338 : i32
        %add3A_341 = arith.constant 1 : i32
        %add3A_342 = arith.addi %mul3A_340, %add3A_341 : i32
        %dma_start3A_343 = arith.constant 128 : i32
        %dma_start3A_344 = arith.constant 0 : i32
        %dma_start3A_345 = tpu.memref_slice %arg11[%dma_start3A_343, %dma_start3A_344] : memref<512x16xf32, #tpu.memory_space<vmem>> -> memref<128x16xf32, #tpu.memory_space<vmem>>
        %dma_start3A_346 = arith.constant 0 : i32
        %dma_start3A_347 = tpu.memref_slice %arg7[%add3A_342, %dma_start3A_346] : memref<112x128xi32, #tpu.memory_space<vmem>> -> memref<1x128xi32, #tpu.memory_space<vmem>>
        %dma_start3A_348 = tpu.memref_squeeze %dma_start3A_347 : memref<1x128xi32, #tpu.memory_space<vmem>> -> memref<128xi32, #tpu.memory_space<vmem>>
        %dma_start3A_349 = arith.constant 0 : i32
        %dma_start3A_350 = arith.constant 0 : i32
        %dma_start3A_351 = tpu.memref_slice %arg6[%dma_start3A_349, %dma_start3A_350] : memref<100096x16xf32, #tpu.memory_space<vmem_shared>> -> memref<100096x16xf32, #tpu.memory_space<vmem_shared>>
        tpu.enqueue_indirect_dma source(%dma_start3A_345 : memref<128x16xf32, #tpu.memory_space<vmem>>) target(%dma_start3A_351 : memref<100096x16xf32, #tpu.memory_space<vmem_shared>>) offsets(%dma_start3A_348 : memref<128xi32, #tpu.memory_space<vmem>>) semaphore(%arg13 : memref<!tpu.dma_semaphore, #tpu.memory_space<semaphore_mem>>) {add = true}
        %mul3A_352 = arith.constant 4 : i32
        %mul3A_353 = arith.muli %add3A_317, %mul3A_352 : i32
        %add3A_354 = arith.constant 2 : i32
        %add3A_355 = arith.addi %mul3A_353, %add3A_354 : i32
        %mul3A_356 = arith.constant 2 : i32
        %mul3A_357 = arith.muli %mul3A_356, %add3A_355 : i32
        %add3A_358 = arith.constant 1 : i32
        %add3A_359 = arith.addi %mul3A_357, %add3A_358 : i32
        %dma_start3A_360 = arith.constant 256 : i32
        %dma_start3A_361 = arith.constant 0 : i32
        %dma_start3A_362 = tpu.memref_slice %arg11[%dma_start3A_360, %dma_start3A_361] : memref<512x16xf32, #tpu.memory_space<vmem>> -> memref<128x16xf32, #tpu.memory_space<vmem>>
        %dma_start3A_363 = arith.constant 0 : i32
        %dma_start3A_364 = tpu.memref_slice %arg7[%add3A_359, %dma_start3A_363] : memref<112x128xi32, #tpu.memory_space<vmem>> -> memref<1x128xi32, #tpu.memory_space<vmem>>
        %dma_start3A_365 = tpu.memref_squeeze %dma_start3A_364 : memref<1x128xi32, #tpu.memory_space<vmem>> -> memref<128xi32, #tpu.memory_space<vmem>>
        %dma_start3A_366 = arith.constant 0 : i32
        %dma_start3A_367 = arith.constant 0 : i32
        %dma_start3A_368 = tpu.memref_slice %arg6[%dma_start3A_366, %dma_start3A_367] : memref<100096x16xf32, #tpu.memory_space<vmem_shared>> -> memref<100096x16xf32, #tpu.memory_space<vmem_shared>>
        tpu.enqueue_indirect_dma source(%dma_start3A_362 : memref<128x16xf32, #tpu.memory_space<vmem>>) target(%dma_start3A_368 : memref<100096x16xf32, #tpu.memory_space<vmem_shared>>) offsets(%dma_start3A_365 : memref<128xi32, #tpu.memory_space<vmem>>) semaphore(%arg13 : memref<!tpu.dma_semaphore, #tpu.memory_space<semaphore_mem>>) {add = true}
        %mul3A_369 = arith.constant 4 : i32
        %mul3A_370 = arith.muli %add3A_317, %mul3A_369 : i32
        %add3A_371 = arith.constant 3 : i32
        %add3A_372 = arith.addi %mul3A_370, %add3A_371 : i32
        %mul3A_373 = arith.constant 2 : i32
        %mul3A_374 = arith.muli %mul3A_373, %add3A_372 : i32
        %add3A_375 = arith.constant 1 : i32
        %add3A_376 = arith.addi %mul3A_374, %add3A_375 : i32
        %dma_start3A_377 = arith.constant 384 : i32
        %dma_start3A_378 = arith.constant 0 : i32
        %dma_start3A_379 = tpu.memref_slice %arg11[%dma_start3A_377, %dma_start3A_378] : memref<512x16xf32, #tpu.memory_space<vmem>> -> memref<128x16xf32, #tpu.memory_space<vmem>>
        %dma_start3A_380 = arith.constant 0 : i32
        %dma_start3A_381 = tpu.memref_slice %arg7[%add3A_376, %dma_start3A_380] : memref<112x128xi32, #tpu.memory_space<vmem>> -> memref<1x128xi32, #tpu.memory_space<vmem>>
        %dma_start3A_382 = tpu.memref_squeeze %dma_start3A_381 : memref<1x128xi32, #tpu.memory_space<vmem>> -> memref<128xi32, #tpu.memory_space<vmem>>
        %dma_start3A_383 = arith.constant 0 : i32
        %dma_start3A_384 = arith.constant 0 : i32
        %dma_start3A_385 = tpu.memref_slice %arg6[%dma_start3A_383, %dma_start3A_384] : memref<100096x16xf32, #tpu.memory_space<vmem_shared>> -> memref<100096x16xf32, #tpu.memory_space<vmem_shared>>
        tpu.enqueue_indirect_dma source(%dma_start3A_379 : memref<128x16xf32, #tpu.memory_space<vmem>>) target(%dma_start3A_385 : memref<100096x16xf32, #tpu.memory_space<vmem_shared>>) offsets(%dma_start3A_382 : memref<128xi32, #tpu.memory_space<vmem>>) semaphore(%arg13 : memref<!tpu.dma_semaphore, #tpu.memory_space<semaphore_mem>>) {add = true}
        %dma_wait3A_386 = arith.constant 1 : i32
        %dma_wait3A_387 = arith.constant 0 : i32
        %dma_wait3A_388 = arith.constant 0 : i32
        %dma_wait3A_389 = tpu.memref_slice %arg8[%dma_wait3A_387, %dma_wait3A_388] : memref<512x16xf32, #tpu.memory_space<vmem>> -> memref<128x16xf32, #tpu.memory_space<vmem>>
        %dma_wait3A_390 = arith.constant 0 : i32
        %dma_wait3A_391 = tpu.memref_slice %arg7[%dma_wait3A_386, %dma_wait3A_390] : memref<112x128xi32, #tpu.memory_space<vmem>> -> memref<1x128xi32, #tpu.memory_space<vmem>>
        %dma_wait3A_392 = tpu.memref_squeeze %dma_wait3A_391 : memref<1x128xi32, #tpu.memory_space<vmem>> -> memref<128xi32, #tpu.memory_space<vmem>>
        %dma_wait3A_393 = arith.constant 0 : i32
        %dma_wait3A_394 = arith.constant 0 : i32
        %dma_wait3A_395 = tpu.memref_slice %arg6[%dma_wait3A_393, %dma_wait3A_394] : memref<100096x16xf32, #tpu.memory_space<vmem_shared>> -> memref<100096x16xf32, #tpu.memory_space<vmem_shared>>
        tpu.wait_indirect_dma semaphore(%arg10 : memref<!tpu.dma_semaphore, #tpu.memory_space<semaphore_mem>>) src(%dma_wait3A_389 : memref<128x16xf32, #tpu.memory_space<vmem>>) dst(%dma_wait3A_395 : memref<100096x16xf32, #tpu.memory_space<vmem_shared>>)
        %dma_wait3A_396 = arith.constant 1 : i32
        %dma_wait3A_397 = arith.constant 128 : i32
        %dma_wait3A_398 = arith.constant 0 : i32
        %dma_wait3A_399 = tpu.memref_slice %arg8[%dma_wait3A_397, %dma_wait3A_398] : memref<512x16xf32, #tpu.memory_space<vmem>> -> memref<128x16xf32, #tpu.memory_space<vmem>>
        %dma_wait3A_400 = arith.constant 0 : i32
        %dma_wait3A_401 = tpu.memref_slice %arg7[%dma_wait3A_396, %dma_wait3A_400] : memref<112x128xi32, #tpu.memory_space<vmem>> -> memref<1x128xi32, #tpu.memory_space<vmem>>
        %dma_wait3A_402 = tpu.memref_squeeze %dma_wait3A_401 : memref<1x128xi32, #tpu.memory_space<vmem>> -> memref<128xi32, #tpu.memory_space<vmem>>
        %dma_wait3A_403 = arith.constant 0 : i32
        %dma_wait3A_404 = arith.constant 0 : i32
        %dma_wait3A_405 = tpu.memref_slice %arg6[%dma_wait3A_403, %dma_wait3A_404] : memref<100096x16xf32, #tpu.memory_space<vmem_shared>> -> memref<100096x16xf32, #tpu.memory_space<vmem_shared>>
        tpu.wait_indirect_dma semaphore(%arg10 : memref<!tpu.dma_semaphore, #tpu.memory_space<semaphore_mem>>) src(%dma_wait3A_399 : memref<128x16xf32, #tpu.memory_space<vmem>>) dst(%dma_wait3A_405 : memref<100096x16xf32, #tpu.memory_space<vmem_shared>>)
        %dma_wait3A_406 = arith.constant 1 : i32
        %dma_wait3A_407 = arith.constant 256 : i32
        %dma_wait3A_408 = arith.constant 0 : i32
        %dma_wait3A_409 = tpu.memref_slice %arg8[%dma_wait3A_407, %dma_wait3A_408] : memref<512x16xf32, #tpu.memory_space<vmem>> -> memref<128x16xf32, #tpu.memory_space<vmem>>
        %dma_wait3A_410 = arith.constant 0 : i32
        %dma_wait3A_411 = tpu.memref_slice %arg7[%dma_wait3A_406, %dma_wait3A_410] : memref<112x128xi32, #tpu.memory_space<vmem>> -> memref<1x128xi32, #tpu.memory_space<vmem>>
        %dma_wait3A_412 = tpu.memref_squeeze %dma_wait3A_411 : memref<1x128xi32, #tpu.memory_space<vmem>> -> memref<128xi32, #tpu.memory_space<vmem>>
        %dma_wait3A_413 = arith.constant 0 : i32
        %dma_wait3A_414 = arith.constant 0 : i32
        %dma_wait3A_415 = tpu.memref_slice %arg6[%dma_wait3A_413, %dma_wait3A_414] : memref<100096x16xf32, #tpu.memory_space<vmem_shared>> -> memref<100096x16xf32, #tpu.memory_space<vmem_shared>>
        tpu.wait_indirect_dma semaphore(%arg10 : memref<!tpu.dma_semaphore, #tpu.memory_space<semaphore_mem>>) src(%dma_wait3A_409 : memref<128x16xf32, #tpu.memory_space<vmem>>) dst(%dma_wait3A_415 : memref<100096x16xf32, #tpu.memory_space<vmem_shared>>)
        %dma_wait3A_416 = arith.constant 1 : i32
        %dma_wait3A_417 = arith.constant 384 : i32
        %dma_wait3A_418 = arith.constant 0 : i32
        %dma_wait3A_419 = tpu.memref_slice %arg8[%dma_wait3A_417, %dma_wait3A_418] : memref<512x16xf32, #tpu.memory_space<vmem>> -> memref<128x16xf32, #tpu.memory_space<vmem>>
        %dma_wait3A_420 = arith.constant 0 : i32
        %dma_wait3A_421 = tpu.memref_slice %arg7[%dma_wait3A_416, %dma_wait3A_420] : memref<112x128xi32, #tpu.memory_space<vmem>> -> memref<1x128xi32, #tpu.memory_space<vmem>>
        %dma_wait3A_422 = tpu.memref_squeeze %dma_wait3A_421 : memref<1x128xi32, #tpu.memory_space<vmem>> -> memref<128xi32, #tpu.memory_space<vmem>>
        %dma_wait3A_423 = arith.constant 0 : i32
        %dma_wait3A_424 = arith.constant 0 : i32
        %dma_wait3A_425 = tpu.memref_slice %arg6[%dma_wait3A_423, %dma_wait3A_424] : memref<100096x16xf32, #tpu.memory_space<vmem_shared>> -> memref<100096x16xf32, #tpu.memory_space<vmem_shared>>
        tpu.wait_indirect_dma semaphore(%arg10 : memref<!tpu.dma_semaphore, #tpu.memory_space<semaphore_mem>>) src(%dma_wait3A_419 : memref<128x16xf32, #tpu.memory_space<vmem>>) dst(%dma_wait3A_425 : memref<100096x16xf32, #tpu.memory_space<vmem_shared>>)
        %lt3A = arith.constant 6 : i32
        %lt3A_426 = arith.cmpi slt, %scan3A_134, %lt3A : i32
        %convert_element_type3A = arith.extui %lt3A_426 : i1 to i32
        %cond3A = arith.constant 0 : i32
        %cond3A_427 = arith.cmpi ne, %convert_element_type3A, %cond3A : i32
        scf.if %cond3A_427 {
          %add3A_473 = arith.constant 2 : i32
          %add3A_474 = arith.addi %mul3A_136, %add3A_473 : i32
          %mul3A_475 = arith.constant 4 : i32
          %mul3A_476 = arith.muli %add3A_474, %mul3A_475 : i32
          %add3A_477 = arith.constant 0 : i32
          %add3A_478 = arith.addi %mul3A_476, %add3A_477 : i32
          %mul3A_479 = arith.constant 2 : i32
          %mul3A_480 = arith.muli %mul3A_479, %add3A_478 : i32
          %dma_start3A_481 = arith.constant 0 : i32
          %dma_start3A_482 = arith.constant 0 : i32
          %dma_start3A_483 = tpu.memref_slice %arg8[%dma_start3A_481, %dma_start3A_482] : memref<512x16xf32, #tpu.memory_space<vmem>> -> memref<128x16xf32, #tpu.memory_space<vmem>>
          %dma_start3A_484 = arith.constant 0 : i32
          %dma_start3A_485 = tpu.memref_slice %arg7[%mul3A_480, %dma_start3A_484] : memref<112x128xi32, #tpu.memory_space<vmem>> -> memref<1x128xi32, #tpu.memory_space<vmem>>
          %dma_start3A_486 = tpu.memref_squeeze %dma_start3A_485 : memref<1x128xi32, #tpu.memory_space<vmem>> -> memref<128xi32, #tpu.memory_space<vmem>>
          %dma_start3A_487 = arith.constant 0 : i32
          %dma_start3A_488 = arith.constant 0 : i32
          %dma_start3A_489 = tpu.memref_slice %arg2[%arg0, %dma_start3A_487, %dma_start3A_488] : memref<2x100000x16xf32, #tpu.memory_space<hbm>> -> memref<1x100000x16xf32, #tpu.memory_space<hbm>>
          %dma_start3A_490 = tpu.memref_squeeze %dma_start3A_489 : memref<1x100000x16xf32, #tpu.memory_space<hbm>> -> memref<100000x16xf32, #tpu.memory_space<hbm>>
          %dma_start3A_491 = arith.constant 0 : i32
          %dma_start3A_492 = arith.constant 0 : i32
          %dma_start3A_493 = tpu.memref_slice %dma_start3A_490[%dma_start3A_491, %dma_start3A_492] : memref<100000x16xf32, #tpu.memory_space<hbm>> -> memref<100000x16xf32, #tpu.memory_space<hbm>>
          tpu.enqueue_indirect_dma source(%dma_start3A_493 : memref<100000x16xf32, #tpu.memory_space<hbm>>) target(%dma_start3A_483 : memref<128x16xf32, #tpu.memory_space<vmem>>) offsets(%dma_start3A_486 : memref<128xi32, #tpu.memory_space<vmem>>) semaphore(%arg9 : memref<!tpu.dma_semaphore, #tpu.memory_space<semaphore_mem>>)
          %mul3A_494 = arith.constant 4 : i32
          %mul3A_495 = arith.muli %add3A_474, %mul3A_494 : i32
          %add3A_496 = arith.constant 1 : i32
          %add3A_497 = arith.addi %mul3A_495, %add3A_496 : i32
          %mul3A_498 = arith.constant 2 : i32
          %mul3A_499 = arith.muli %mul3A_498, %add3A_497 : i32
          %dma_start3A_500 = arith.constant 128 : i32
          %dma_start3A_501 = arith.constant 0 : i32
          %dma_start3A_502 = tpu.memref_slice %arg8[%dma_start3A_500, %dma_start3A_501] : memref<512x16xf32, #tpu.memory_space<vmem>> -> memref<128x16xf32, #tpu.memory_space<vmem>>
          %dma_start3A_503 = arith.constant 0 : i32
          %dma_start3A_504 = tpu.memref_slice %arg7[%mul3A_499, %dma_start3A_503] : memref<112x128xi32, #tpu.memory_space<vmem>> -> memref<1x128xi32, #tpu.memory_space<vmem>>
          %dma_start3A_505 = tpu.memref_squeeze %dma_start3A_504 : memref<1x128xi32, #tpu.memory_space<vmem>> -> memref<128xi32, #tpu.memory_space<vmem>>
          %dma_start3A_506 = arith.constant 0 : i32
          %dma_start3A_507 = arith.constant 0 : i32
          %dma_start3A_508 = tpu.memref_slice %arg2[%arg0, %dma_start3A_506, %dma_start3A_507] : memref<2x100000x16xf32, #tpu.memory_space<hbm>> -> memref<1x100000x16xf32, #tpu.memory_space<hbm>>
          %dma_start3A_509 = tpu.memref_squeeze %dma_start3A_508 : memref<1x100000x16xf32, #tpu.memory_space<hbm>> -> memref<100000x16xf32, #tpu.memory_space<hbm>>
          %dma_start3A_510 = arith.constant 0 : i32
          %dma_start3A_511 = arith.constant 0 : i32
          %dma_start3A_512 = tpu.memref_slice %dma_start3A_509[%dma_start3A_510, %dma_start3A_511] : memref<100000x16xf32, #tpu.memory_space<hbm>> -> memref<100000x16xf32, #tpu.memory_space<hbm>>
          tpu.enqueue_indirect_dma source(%dma_start3A_512 : memref<100000x16xf32, #tpu.memory_space<hbm>>) target(%dma_start3A_502 : memref<128x16xf32, #tpu.memory_space<vmem>>) offsets(%dma_start3A_505 : memref<128xi32, #tpu.memory_space<vmem>>) semaphore(%arg9 : memref<!tpu.dma_semaphore, #tpu.memory_space<semaphore_mem>>)
          %mul3A_513 = arith.constant 4 : i32
          %mul3A_514 = arith.muli %add3A_474, %mul3A_513 : i32
          %add3A_515 = arith.constant 2 : i32
          %add3A_516 = arith.addi %mul3A_514, %add3A_515 : i32
          %mul3A_517 = arith.constant 2 : i32
          %mul3A_518 = arith.muli %mul3A_517, %add3A_516 : i32
          %dma_start3A_519 = arith.constant 256 : i32
          %dma_start3A_520 = arith.constant 0 : i32
          %dma_start3A_521 = tpu.memref_slice %arg8[%dma_start3A_519, %dma_start3A_520] : memref<512x16xf32, #tpu.memory_space<vmem>> -> memref<128x16xf32, #tpu.memory_space<vmem>>
          %dma_start3A_522 = arith.constant 0 : i32
          %dma_start3A_523 = tpu.memref_slice %arg7[%mul3A_518, %dma_start3A_522] : memref<112x128xi32, #tpu.memory_space<vmem>> -> memref<1x128xi32, #tpu.memory_space<vmem>>
          %dma_start3A_524 = tpu.memref_squeeze %dma_start3A_523 : memref<1x128xi32, #tpu.memory_space<vmem>> -> memref<128xi32, #tpu.memory_space<vmem>>
          %dma_start3A_525 = arith.constant 0 : i32
          %dma_start3A_526 = arith.constant 0 : i32
          %dma_start3A_527 = tpu.memref_slice %arg2[%arg0, %dma_start3A_525, %dma_start3A_526] : memref<2x100000x16xf32, #tpu.memory_space<hbm>> -> memref<1x100000x16xf32, #tpu.memory_space<hbm>>
          %dma_start3A_528 = tpu.memref_squeeze %dma_start3A_527 : memref<1x100000x16xf32, #tpu.memory_space<hbm>> -> memref<100000x16xf32, #tpu.memory_space<hbm>>
          %dma_start3A_529 = arith.constant 0 : i32
          %dma_start3A_530 = arith.constant 0 : i32
          %dma_start3A_531 = tpu.memref_slice %dma_start3A_528[%dma_start3A_529, %dma_start3A_530] : memref<100000x16xf32, #tpu.memory_space<hbm>> -> memref<100000x16xf32, #tpu.memory_space<hbm>>
          tpu.enqueue_indirect_dma source(%dma_start3A_531 : memref<100000x16xf32, #tpu.memory_space<hbm>>) target(%dma_start3A_521 : memref<128x16xf32, #tpu.memory_space<vmem>>) offsets(%dma_start3A_524 : memref<128xi32, #tpu.memory_space<vmem>>) semaphore(%arg9 : memref<!tpu.dma_semaphore, #tpu.memory_space<semaphore_mem>>)
          %mul3A_532 = arith.constant 4 : i32
          %mul3A_533 = arith.muli %add3A_474, %mul3A_532 : i32
          %add3A_534 = arith.constant 3 : i32
          %add3A_535 = arith.addi %mul3A_533, %add3A_534 : i32
          %mul3A_536 = arith.constant 2 : i32
          %mul3A_537 = arith.muli %mul3A_536, %add3A_535 : i32
          %dma_start3A_538 = arith.constant 384 : i32
          %dma_start3A_539 = arith.constant 0 : i32
          %dma_start3A_540 = tpu.memref_slice %arg8[%dma_start3A_538, %dma_start3A_539] : memref<512x16xf32, #tpu.memory_space<vmem>> -> memref<128x16xf32, #tpu.memory_space<vmem>>
          %dma_start3A_541 = arith.constant 0 : i32
          %dma_start3A_542 = tpu.memref_slice %arg7[%mul3A_537, %dma_start3A_541] : memref<112x128xi32, #tpu.memory_space<vmem>> -> memref<1x128xi32, #tpu.memory_space<vmem>>
          %dma_start3A_543 = tpu.memref_squeeze %dma_start3A_542 : memref<1x128xi32, #tpu.memory_space<vmem>> -> memref<128xi32, #tpu.memory_space<vmem>>
          %dma_start3A_544 = arith.constant 0 : i32
          %dma_start3A_545 = arith.constant 0 : i32
          %dma_start3A_546 = tpu.memref_slice %arg2[%arg0, %dma_start3A_544, %dma_start3A_545] : memref<2x100000x16xf32, #tpu.memory_space<hbm>> -> memref<1x100000x16xf32, #tpu.memory_space<hbm>>
          %dma_start3A_547 = tpu.memref_squeeze %dma_start3A_546 : memref<1x100000x16xf32, #tpu.memory_space<hbm>> -> memref<100000x16xf32, #tpu.memory_space<hbm>>
          %dma_start3A_548 = arith.constant 0 : i32
          %dma_start3A_549 = arith.constant 0 : i32
          %dma_start3A_550 = tpu.memref_slice %dma_start3A_547[%dma_start3A_548, %dma_start3A_549] : memref<100000x16xf32, #tpu.memory_space<hbm>> -> memref<100000x16xf32, #tpu.memory_space<hbm>>
          tpu.enqueue_indirect_dma source(%dma_start3A_550 : memref<100000x16xf32, #tpu.memory_space<hbm>>) target(%dma_start3A_540 : memref<128x16xf32, #tpu.memory_space<vmem>>) offsets(%dma_start3A_543 : memref<128xi32, #tpu.memory_space<vmem>>) semaphore(%arg9 : memref<!tpu.dma_semaphore, #tpu.memory_space<semaphore_mem>>)
        } else {
        }
        %dma_wait3A_428 = arith.constant 1 : i32
        %dma_wait3A_429 = arith.constant 0 : i32
        %dma_wait3A_430 = arith.constant 0 : i32
        %dma_wait3A_431 = tpu.memref_slice %arg11[%dma_wait3A_429, %dma_wait3A_430] : memref<512x16xf32, #tpu.memory_space<vmem>> -> memref<128x16xf32, #tpu.memory_space<vmem>>
        %dma_wait3A_432 = arith.constant 0 : i32
        %dma_wait3A_433 = tpu.memref_slice %arg7[%dma_wait3A_428, %dma_wait3A_432] : memref<112x128xi32, #tpu.memory_space<vmem>> -> memref<1x128xi32, #tpu.memory_space<vmem>>
        %dma_wait3A_434 = tpu.memref_squeeze %dma_wait3A_433 : memref<1x128xi32, #tpu.memory_space<vmem>> -> memref<128xi32, #tpu.memory_space<vmem>>
        %dma_wait3A_435 = arith.constant 0 : i32
        %dma_wait3A_436 = arith.constant 0 : i32
        %dma_wait3A_437 = tpu.memref_slice %arg6[%dma_wait3A_435, %dma_wait3A_436] : memref<100096x16xf32, #tpu.memory_space<vmem_shared>> -> memref<100096x16xf32, #tpu.memory_space<vmem_shared>>
        tpu.wait_indirect_dma semaphore(%arg13 : memref<!tpu.dma_semaphore, #tpu.memory_space<semaphore_mem>>) src(%dma_wait3A_431 : memref<128x16xf32, #tpu.memory_space<vmem>>) dst(%dma_wait3A_437 : memref<100096x16xf32, #tpu.memory_space<vmem_shared>>)
        %dma_wait3A_438 = arith.constant 1 : i32
        %dma_wait3A_439 = arith.constant 128 : i32
        %dma_wait3A_440 = arith.constant 0 : i32
        %dma_wait3A_441 = tpu.memref_slice %arg11[%dma_wait3A_439, %dma_wait3A_440] : memref<512x16xf32, #tpu.memory_space<vmem>> -> memref<128x16xf32, #tpu.memory_space<vmem>>
        %dma_wait3A_442 = arith.constant 0 : i32
        %dma_wait3A_443 = tpu.memref_slice %arg7[%dma_wait3A_438, %dma_wait3A_442] : memref<112x128xi32, #tpu.memory_space<vmem>> -> memref<1x128xi32, #tpu.memory_space<vmem>>
        %dma_wait3A_444 = tpu.memref_squeeze %dma_wait3A_443 : memref<1x128xi32, #tpu.memory_space<vmem>> -> memref<128xi32, #tpu.memory_space<vmem>>
        %dma_wait3A_445 = arith.constant 0 : i32
        %dma_wait3A_446 = arith.constant 0 : i32
        %dma_wait3A_447 = tpu.memref_slice %arg6[%dma_wait3A_445, %dma_wait3A_446] : memref<100096x16xf32, #tpu.memory_space<vmem_shared>> -> memref<100096x16xf32, #tpu.memory_space<vmem_shared>>
        tpu.wait_indirect_dma semaphore(%arg13 : memref<!tpu.dma_semaphore, #tpu.memory_space<semaphore_mem>>) src(%dma_wait3A_441 : memref<128x16xf32, #tpu.memory_space<vmem>>) dst(%dma_wait3A_447 : memref<100096x16xf32, #tpu.memory_space<vmem_shared>>)
        %dma_wait3A_448 = arith.constant 1 : i32
        %dma_wait3A_449 = arith.constant 256 : i32
        %dma_wait3A_450 = arith.constant 0 : i32
        %dma_wait3A_451 = tpu.memref_slice %arg11[%dma_wait3A_449, %dma_wait3A_450] : memref<512x16xf32, #tpu.memory_space<vmem>> -> memref<128x16xf32, #tpu.memory_space<vmem>>
        %dma_wait3A_452 = arith.constant 0 : i32
        %dma_wait3A_453 = tpu.memref_slice %arg7[%dma_wait3A_448, %dma_wait3A_452] : memref<112x128xi32, #tpu.memory_space<vmem>> -> memref<1x128xi32, #tpu.memory_space<vmem>>
        %dma_wait3A_454 = tpu.memref_squeeze %dma_wait3A_453 : memref<1x128xi32, #tpu.memory_space<vmem>> -> memref<128xi32, #tpu.memory_space<vmem>>
        %dma_wait3A_455 = arith.constant 0 : i32
        %dma_wait3A_456 = arith.constant 0 : i32
        %dma_wait3A_457 = tpu.memref_slice %arg6[%dma_wait3A_455, %dma_wait3A_456] : memref<100096x16xf32, #tpu.memory_space<vmem_shared>> -> memref<100096x16xf32, #tpu.memory_space<vmem_shared>>
        tpu.wait_indirect_dma semaphore(%arg13 : memref<!tpu.dma_semaphore, #tpu.memory_space<semaphore_mem>>) src(%dma_wait3A_451 : memref<128x16xf32, #tpu.memory_space<vmem>>) dst(%dma_wait3A_457 : memref<100096x16xf32, #tpu.memory_space<vmem_shared>>)
        %dma_wait3A_458 = arith.constant 1 : i32
        %dma_wait3A_459 = arith.constant 384 : i32
        %dma_wait3A_460 = arith.constant 0 : i32
        %dma_wait3A_461 = tpu.memref_slice %arg11[%dma_wait3A_459, %dma_wait3A_460] : memref<512x16xf32, #tpu.memory_space<vmem>> -> memref<128x16xf32, #tpu.memory_space<vmem>>
        %dma_wait3A_462 = arith.constant 0 : i32
        %dma_wait3A_463 = tpu.memref_slice %arg7[%dma_wait3A_458, %dma_wait3A_462] : memref<112x128xi32, #tpu.memory_space<vmem>> -> memref<1x128xi32, #tpu.memory_space<vmem>>
        %dma_wait3A_464 = tpu.memref_squeeze %dma_wait3A_463 : memref<1x128xi32, #tpu.memory_space<vmem>> -> memref<128xi32, #tpu.memory_space<vmem>>
        %dma_wait3A_465 = arith.constant 0 : i32
        %dma_wait3A_466 = arith.constant 0 : i32
        %dma_wait3A_467 = tpu.memref_slice %arg6[%dma_wait3A_465, %dma_wait3A_466] : memref<100096x16xf32, #tpu.memory_space<vmem_shared>> -> memref<100096x16xf32, #tpu.memory_space<vmem_shared>>
        tpu.wait_indirect_dma semaphore(%arg13 : memref<!tpu.dma_semaphore, #tpu.memory_space<semaphore_mem>>) src(%dma_wait3A_461 : memref<128x16xf32, #tpu.memory_space<vmem>>) dst(%dma_wait3A_467 : memref<100096x16xf32, #tpu.memory_space<vmem_shared>>)
        %lt3A_468 = arith.constant 6 : i32
        %lt3A_469 = arith.cmpi slt, %scan3A_134, %lt3A_468 : i32
        %convert_element_type3A_470 = arith.extui %lt3A_469 : i1 to i32
        %cond3A_471 = arith.constant 0 : i32
        %cond3A_472 = arith.cmpi ne, %convert_element_type3A_470, %cond3A_471 : i32
        scf.if %cond3A_472 {
          %add3A_473 = arith.constant 3 : i32
          %add3A_474 = arith.addi %mul3A_136, %add3A_473 : i32
          %mul3A_475 = arith.constant 4 : i32
          %mul3A_476 = arith.muli %add3A_474, %mul3A_475 : i32
          %add3A_477 = arith.constant 0 : i32
          %add3A_478 = arith.addi %mul3A_476, %add3A_477 : i32
          %mul3A_479 = arith.constant 2 : i32
          %mul3A_480 = arith.muli %mul3A_479, %add3A_478 : i32
          %dma_start3A_481 = arith.constant 0 : i32
          %dma_start3A_482 = arith.constant 0 : i32
          %dma_start3A_483 = tpu.memref_slice %arg11[%dma_start3A_481, %dma_start3A_482] : memref<512x16xf32, #tpu.memory_space<vmem>> -> memref<128x16xf32, #tpu.memory_space<vmem>>
          %dma_start3A_484 = arith.constant 0 : i32
          %dma_start3A_485 = tpu.memref_slice %arg7[%mul3A_480, %dma_start3A_484] : memref<112x128xi32, #tpu.memory_space<vmem>> -> memref<1x128xi32, #tpu.memory_space<vmem>>
          %dma_start3A_486 = tpu.memref_squeeze %dma_start3A_485 : memref<1x128xi32, #tpu.memory_space<vmem>> -> memref<128xi32, #tpu.memory_space<vmem>>
          %dma_start3A_487 = arith.constant 0 : i32
          %dma_start3A_488 = arith.constant 0 : i32
          %dma_start3A_489 = tpu.memref_slice %arg2[%arg0, %dma_start3A_487, %dma_start3A_488] : memref<2x100000x16xf32, #tpu.memory_space<hbm>> -> memref<1x100000x16xf32, #tpu.memory_space<hbm>>
          %dma_start3A_490 = tpu.memref_squeeze %dma_start3A_489 : memref<1x100000x16xf32, #tpu.memory_space<hbm>> -> memref<100000x16xf32, #tpu.memory_space<hbm>>
          %dma_start3A_491 = arith.constant 0 : i32
          %dma_start3A_492 = arith.constant 0 : i32
          %dma_start3A_493 = tpu.memref_slice %dma_start3A_490[%dma_start3A_491, %dma_start3A_492] : memref<100000x16xf32, #tpu.memory_space<hbm>> -> memref<100000x16xf32, #tpu.memory_space<hbm>>
          tpu.enqueue_indirect_dma source(%dma_start3A_493 : memref<100000x16xf32, #tpu.memory_space<hbm>>) target(%dma_start3A_483 : memref<128x16xf32, #tpu.memory_space<vmem>>) offsets(%dma_start3A_486 : memref<128xi32, #tpu.memory_space<vmem>>) semaphore(%arg12 : memref<!tpu.dma_semaphore, #tpu.memory_space<semaphore_mem>>)
          %mul3A_494 = arith.constant 4 : i32
          %mul3A_495 = arith.muli %add3A_474, %mul3A_494 : i32
          %add3A_496 = arith.constant 1 : i32
          %add3A_497 = arith.addi %mul3A_495, %add3A_496 : i32
          %mul3A_498 = arith.constant 2 : i32
          %mul3A_499 = arith.muli %mul3A_498, %add3A_497 : i32
          %dma_start3A_500 = arith.constant 128 : i32
          %dma_start3A_501 = arith.constant 0 : i32
          %dma_start3A_502 = tpu.memref_slice %arg11[%dma_start3A_500, %dma_start3A_501] : memref<512x16xf32, #tpu.memory_space<vmem>> -> memref<128x16xf32, #tpu.memory_space<vmem>>
          %dma_start3A_503 = arith.constant 0 : i32
          %dma_start3A_504 = tpu.memref_slice %arg7[%mul3A_499, %dma_start3A_503] : memref<112x128xi32, #tpu.memory_space<vmem>> -> memref<1x128xi32, #tpu.memory_space<vmem>>
          %dma_start3A_505 = tpu.memref_squeeze %dma_start3A_504 : memref<1x128xi32, #tpu.memory_space<vmem>> -> memref<128xi32, #tpu.memory_space<vmem>>
          %dma_start3A_506 = arith.constant 0 : i32
          %dma_start3A_507 = arith.constant 0 : i32
          %dma_start3A_508 = tpu.memref_slice %arg2[%arg0, %dma_start3A_506, %dma_start3A_507] : memref<2x100000x16xf32, #tpu.memory_space<hbm>> -> memref<1x100000x16xf32, #tpu.memory_space<hbm>>
          %dma_start3A_509 = tpu.memref_squeeze %dma_start3A_508 : memref<1x100000x16xf32, #tpu.memory_space<hbm>> -> memref<100000x16xf32, #tpu.memory_space<hbm>>
          %dma_start3A_510 = arith.constant 0 : i32
          %dma_start3A_511 = arith.constant 0 : i32
          %dma_start3A_512 = tpu.memref_slice %dma_start3A_509[%dma_start3A_510, %dma_start3A_511] : memref<100000x16xf32, #tpu.memory_space<hbm>> -> memref<100000x16xf32, #tpu.memory_space<hbm>>
          tpu.enqueue_indirect_dma source(%dma_start3A_512 : memref<100000x16xf32, #tpu.memory_space<hbm>>) target(%dma_start3A_502 : memref<128x16xf32, #tpu.memory_space<vmem>>) offsets(%dma_start3A_505 : memref<128xi32, #tpu.memory_space<vmem>>) semaphore(%arg12 : memref<!tpu.dma_semaphore, #tpu.memory_space<semaphore_mem>>)
          %mul3A_513 = arith.constant 4 : i32
          %mul3A_514 = arith.muli %add3A_474, %mul3A_513 : i32
          %add3A_515 = arith.constant 2 : i32
          %add3A_516 = arith.addi %mul3A_514, %add3A_515 : i32
          %mul3A_517 = arith.constant 2 : i32
          %mul3A_518 = arith.muli %mul3A_517, %add3A_516 : i32
          %dma_start3A_519 = arith.constant 256 : i32
          %dma_start3A_520 = arith.constant 0 : i32
          %dma_start3A_521 = tpu.memref_slice %arg11[%dma_start3A_519, %dma_start3A_520] : memref<512x16xf32, #tpu.memory_space<vmem>> -> memref<128x16xf32, #tpu.memory_space<vmem>>
          %dma_start3A_522 = arith.constant 0 : i32
          %dma_start3A_523 = tpu.memref_slice %arg7[%mul3A_518, %dma_start3A_522] : memref<112x128xi32, #tpu.memory_space<vmem>> -> memref<1x128xi32, #tpu.memory_space<vmem>>
          %dma_start3A_524 = tpu.memref_squeeze %dma_start3A_523 : memref<1x128xi32, #tpu.memory_space<vmem>> -> memref<128xi32, #tpu.memory_space<vmem>>
          %dma_start3A_525 = arith.constant 0 : i32
          %dma_start3A_526 = arith.constant 0 : i32
          %dma_start3A_527 = tpu.memref_slice %arg2[%arg0, %dma_start3A_525, %dma_start3A_526] : memref<2x100000x16xf32, #tpu.memory_space<hbm>> -> memref<1x100000x16xf32, #tpu.memory_space<hbm>>
          %dma_start3A_528 = tpu.memref_squeeze %dma_start3A_527 : memref<1x100000x16xf32, #tpu.memory_space<hbm>> -> memref<100000x16xf32, #tpu.memory_space<hbm>>
          %dma_start3A_529 = arith.constant 0 : i32
          %dma_start3A_530 = arith.constant 0 : i32
          %dma_start3A_531 = tpu.memref_slice %dma_start3A_528[%dma_start3A_529, %dma_start3A_530] : memref<100000x16xf32, #tpu.memory_space<hbm>> -> memref<100000x16xf32, #tpu.memory_space<hbm>>
          tpu.enqueue_indirect_dma source(%dma_start3A_531 : memref<100000x16xf32, #tpu.memory_space<hbm>>) target(%dma_start3A_521 : memref<128x16xf32, #tpu.memory_space<vmem>>) offsets(%dma_start3A_524 : memref<128xi32, #tpu.memory_space<vmem>>) semaphore(%arg12 : memref<!tpu.dma_semaphore, #tpu.memory_space<semaphore_mem>>)
          %mul3A_532 = arith.constant 4 : i32
          %mul3A_533 = arith.muli %add3A_474, %mul3A_532 : i32
          %add3A_534 = arith.constant 3 : i32
          %add3A_535 = arith.addi %mul3A_533, %add3A_534 : i32
          %mul3A_536 = arith.constant 2 : i32
          %mul3A_537 = arith.muli %mul3A_536, %add3A_535 : i32
          %dma_start3A_538 = arith.constant 384 : i32
          %dma_start3A_539 = arith.constant 0 : i32
          %dma_start3A_540 = tpu.memref_slice %arg11[%dma_start3A_538, %dma_start3A_539] : memref<512x16xf32, #tpu.memory_space<vmem>> -> memref<128x16xf32, #tpu.memory_space<vmem>>
          %dma_start3A_541 = arith.constant 0 : i32
          %dma_start3A_542 = tpu.memref_slice %arg7[%mul3A_537, %dma_start3A_541] : memref<112x128xi32, #tpu.memory_space<vmem>> -> memref<1x128xi32, #tpu.memory_space<vmem>>
          %dma_start3A_543 = tpu.memref_squeeze %dma_start3A_542 : memref<1x128xi32, #tpu.memory_space<vmem>> -> memref<128xi32, #tpu.memory_space<vmem>>
          %dma_start3A_544 = arith.constant 0 : i32
          %dma_start3A_545 = arith.constant 0 : i32
          %dma_start3A_546 = tpu.memref_slice %arg2[%arg0, %dma_start3A_544, %dma_start3A_545] : memref<2x100000x16xf32, #tpu.memory_space<hbm>> -> memref<1x100000x16xf32, #tpu.memory_space<hbm>>
          %dma_start3A_547 = tpu.memref_squeeze %dma_start3A_546 : memref<1x100000x16xf32, #tpu.memory_space<hbm>> -> memref<100000x16xf32, #tpu.memory_space<hbm>>
          %dma_start3A_548 = arith.constant 0 : i32
          %dma_start3A_549 = arith.constant 0 : i32
          %dma_start3A_550 = tpu.memref_slice %dma_start3A_547[%dma_start3A_548, %dma_start3A_549] : memref<100000x16xf32, #tpu.memory_space<hbm>> -> memref<100000x16xf32, #tpu.memory_space<hbm>>
          tpu.enqueue_indirect_dma source(%dma_start3A_550 : memref<100000x16xf32, #tpu.memory_space<hbm>>) target(%dma_start3A_540 : memref<128x16xf32, #tpu.memory_space<vmem>>) offsets(%dma_start3A_543 : memref<128xi32, #tpu.memory_space<vmem>>) semaphore(%arg12 : memref<!tpu.dma_semaphore, #tpu.memory_space<semaphore_mem>>)
        } else {
        }
      }
      %scan3A_133 = arith.constant 7 : i32
    }
    %scan3A_9 = arith.constant 28 : i32
    %barrier3A_10 = arith.constant 0 : index
    tpu.barrier barrier_id(%barrier3A_10)
    "tpu.region"() ({
      %run_scoped3A = tpu.sem_alloc : memref<!tpu.dma_semaphore, #tpu.memory_space<semaphore_mem>>
      %dma_start3A = arith.constant 0 : i32
      %dma_start3A_11 = tpu.memref_slice %arg5[%arg0, %mul3A_2, %dma_start3A] : memref<2x100096x16xf32, #tpu.memory_space<hbm>> -> memref<1x6256x16xf32, #tpu.memory_space<hbm>>
      %dma_start3A_12 = tpu.memref_squeeze %dma_start3A_11 : memref<1x6256x16xf32, #tpu.memory_space<hbm>> -> memref<6256x16xf32, #tpu.memory_space<hbm>>
      %dma_start3A_13 = arith.constant 0 : i32
      %dma_start3A_14 = tpu.memref_slice %arg6[%mul3A_2, %dma_start3A_13] : memref<100096x16xf32, #tpu.memory_space<vmem_shared>> -> memref<6256x16xf32, #tpu.memory_space<vmem_shared>>
      tpu.enqueue_dma source(%dma_start3A_14 : memref<6256x16xf32, #tpu.memory_space<vmem_shared>>) target(%dma_start3A_12 : memref<6256x16xf32, #tpu.memory_space<hbm>>) target_semaphore(%run_scoped3A : memref<!tpu.dma_semaphore, #tpu.memory_space<semaphore_mem>>)
      %dma_wait3A = arith.constant 0 : i32
      %dma_wait3A_15 = tpu.memref_slice %arg5[%arg0, %mul3A_2, %dma_wait3A] : memref<2x100096x16xf32, #tpu.memory_space<hbm>> -> memref<1x6256x16xf32, #tpu.memory_space<hbm>>
      %dma_wait3A_16 = tpu.memref_squeeze %dma_wait3A_15 : memref<1x6256x16xf32, #tpu.memory_space<hbm>> -> memref<6256x16xf32, #tpu.memory_space<hbm>>
      %dma_wait3A_17 = arith.constant 0 : i32
      %dma_wait3A_18 = tpu.memref_slice %arg6[%mul3A_2, %dma_wait3A_17] : memref<100096x16xf32, #tpu.memory_space<vmem_shared>> -> memref<6256x16xf32, #tpu.memory_space<vmem_shared>>
      tpu.wait_dma2 semaphore(%run_scoped3A : memref<!tpu.dma_semaphore, #tpu.memory_space<semaphore_mem>>) src(%dma_wait3A_18 : memref<6256x16xf32, #tpu.memory_space<vmem_shared>>) dst(%dma_wait3A_16 : memref<6256x16xf32, #tpu.memory_space<hbm>>)
      tpu.yield
    }) : () -> ()
    return
  }
}

#map = affine_map<(d0, d1) -> (0, 0)>
#map1 = affine_map<(d0, d1) -> (0, 0, 0)>
module attributes {stable_mosaic.version = 14 : i64} {
  func.func @_agg_body(%arg0: i32, %arg1: i32, %arg2: memref<100000x16xf32, #tpu.memory_space<hbm>>, %arg3: memref<50176x128xi32, #tpu.memory_space<hbm>>, %arg4: memref<100096x16xf32, #tpu.memory_space<hbm>>, %arg5: memref<2x100096x16xf32, #tpu.memory_space<hbm>>, %arg6: memref<100096x16xf32, #tpu.memory_space<vmem_shared>>, %arg7: memref<112x128xi32, #tpu.memory_space<vmem>>, %arg8: memref<512x16xf32, #tpu.memory_space<vmem>>, %arg9: memref<!tpu.dma_semaphore, #tpu.memory_space<semaphore_mem>>, %arg10: memref<!tpu.dma_semaphore, #tpu.memory_space<semaphore_mem>>, %arg11: memref<512x16xf32, #tpu.memory_space<vmem>>, %arg12: memref<!tpu.dma_semaphore, #tpu.memory_space<semaphore_mem>>, %arg13: memref<!tpu.dma_semaphore, #tpu.memory_space<semaphore_mem>>) attributes {dimension_semantics = [#tpu.dimension_semantics<core_parallel>, #tpu.dimension_semantics<subcore_parallel>], iteration_bounds = array<i64: 2, 16>, scalar_prefetch = 0 : i64, scratch_operands = 8 : i64, tpu.core_type = #tpu.core_type<sc_vector_subcore>, window_params = [{transform_indices = #map}, {transform_indices = #map}, {transform_indices = #map}, {transform_indices = #map1}]} {
    %mul3A = arith.constant 16 : i32
    %mul3A_0 = arith.muli %arg0, %mul3A : i32
    %add3A = arith.addi %mul3A_0, %arg1 : i32
    %mul3A_1 = arith.constant 6256 : i32
    %mul3A_2 = arith.muli %arg1, %mul3A_1 : i32
    "tpu.region"() ({
      %run_scoped3A = tpu.sem_alloc : memref<!tpu.dma_semaphore, #tpu.memory_space<semaphore_mem>>
      %dma_start3A = arith.constant 0 : i32
      %dma_start3A_11 = tpu.memref_slice %arg6[%mul3A_2, %dma_start3A] : memref<100096x16xf32, #tpu.memory_space<vmem_shared>> -> memref<6256x16xf32, #tpu.memory_space<vmem_shared>>
      %dma_start3A_12 = arith.constant 0 : i32
      %dma_start3A_13 = tpu.memref_slice %arg4[%mul3A_2, %dma_start3A_12] : memref<100096x16xf32, #tpu.memory_space<hbm>> -> memref<6256x16xf32, #tpu.memory_space<hbm>>
      tpu.enqueue_dma source(%dma_start3A_13 : memref<6256x16xf32, #tpu.memory_space<hbm>>) target(%dma_start3A_11 : memref<6256x16xf32, #tpu.memory_space<vmem_shared>>) target_semaphore(%run_scoped3A : memref<!tpu.dma_semaphore, #tpu.memory_space<semaphore_mem>>)
      %dma_wait3A = arith.constant 0 : i32
      %dma_wait3A_14 = tpu.memref_slice %arg6[%mul3A_2, %dma_wait3A] : memref<100096x16xf32, #tpu.memory_space<vmem_shared>> -> memref<6256x16xf32, #tpu.memory_space<vmem_shared>>
      %dma_wait3A_15 = arith.constant 0 : i32
      %dma_wait3A_16 = tpu.memref_slice %arg4[%mul3A_2, %dma_wait3A_15] : memref<100096x16xf32, #tpu.memory_space<hbm>> -> memref<6256x16xf32, #tpu.memory_space<hbm>>
      tpu.wait_dma2 semaphore(%run_scoped3A : memref<!tpu.dma_semaphore, #tpu.memory_space<semaphore_mem>>) src(%dma_wait3A_16 : memref<6256x16xf32, #tpu.memory_space<hbm>>) dst(%dma_wait3A_14 : memref<6256x16xf32, #tpu.memory_space<vmem_shared>>)
      tpu.yield
    }) : () -> ()
    %barrier3A = arith.constant 0 : index
    tpu.barrier barrier_id(%barrier3A)
    %mul3A_3 = arith.constant 784 : i32
    %mul3A_4 = arith.muli %add3A, %mul3A_3 : i32
    %scan3A = arith.constant 0 : i32
    %scan3A_5 = arith.constant 0 : i32
    %scan3A_6 = arith.constant 14 : i32
    %scan3A_7 = arith.addi %scan3A_5, %scan3A_6 : i32
    %scan3A_8 = arith.constant 1 : i32
    scf.for %scan3A_11 = %scan3A_5 to %scan3A_7 step %scan3A_8  : i32 {
      %mul3A_12 = arith.constant 56 : i32
      %mul3A_13 = arith.muli %scan3A_11, %mul3A_12 : i32
      %add3A_14 = arith.addi %mul3A_4, %mul3A_13 : i32
      %mul3A_15 = arith.constant 2 : i32
      %mul3A_16 = arith.muli %mul3A_15, %add3A_14 : i32
      "tpu.region"() ({
        %run_scoped3A = tpu.sem_alloc : memref<!tpu.dma_semaphore, #tpu.memory_space<semaphore_mem>>
        %dma_start3A_102 = arith.constant 0 : i32
        %dma_start3A_103 = tpu.memref_slice %arg3[%mul3A_16, %dma_start3A_102] : memref<50176x128xi32, #tpu.memory_space<hbm>> -> memref<112x128xi32, #tpu.memory_space<hbm>>
        %dma_start3A_104 = arith.constant 0 : i32
        %dma_start3A_105 = tpu.memref_slice %arg3[%mul3A_16, %dma_start3A_104] : memref<50176x128xi32, #tpu.memory_space<hbm>> -> memref<112x128xi32, #tpu.memory_space<hbm>>
        tpu.enqueue_dma source(%dma_start3A_105 : memref<112x128xi32, #tpu.memory_space<hbm>>) target(%arg7 : memref<112x128xi32, #tpu.memory_space<vmem>>) target_semaphore(%run_scoped3A : memref<!tpu.dma_semaphore, #tpu.memory_space<semaphore_mem>>)
        %dma_wait3A = arith.constant 0 : i32
        %dma_wait3A_106 = tpu.memref_slice %arg3[%mul3A_16, %dma_wait3A] : memref<50176x128xi32, #tpu.memory_space<hbm>> -> memref<112x128xi32, #tpu.memory_space<hbm>>
        %dma_wait3A_107 = arith.constant 0 : i32
        %dma_wait3A_108 = tpu.memref_slice %arg3[%mul3A_16, %dma_wait3A_107] : memref<50176x128xi32, #tpu.memory_space<hbm>> -> memref<112x128xi32, #tpu.memory_space<hbm>>
        tpu.wait_dma2 semaphore(%run_scoped3A : memref<!tpu.dma_semaphore, #tpu.memory_space<semaphore_mem>>) src(%dma_wait3A_108 : memref<112x128xi32, #tpu.memory_space<hbm>>) dst(%arg7 : memref<112x128xi32, #tpu.memory_space<vmem>>)
        tpu.yield
      }) : () -> ()
      %dma_start3A = arith.constant 0 : i32
      %dma_start3A_17 = arith.constant 0 : i32
      %dma_start3A_18 = arith.constant 0 : i32
      %dma_start3A_19 = tpu.memref_slice %arg8[%dma_start3A_17, %dma_start3A_18] : memref<512x16xf32, #tpu.memory_space<vmem>> -> memref<128x16xf32, #tpu.memory_space<vmem>>
      %dma_start3A_20 = arith.constant 0 : i32
      %dma_start3A_21 = tpu.memref_slice %arg7[%dma_start3A, %dma_start3A_20] : memref<112x128xi32, #tpu.memory_space<vmem>> -> memref<1x128xi32, #tpu.memory_space<vmem>>
      %dma_start3A_22 = tpu.memref_squeeze %dma_start3A_21 : memref<1x128xi32, #tpu.memory_space<vmem>> -> memref<128xi32, #tpu.memory_space<vmem>>
      %dma_start3A_23 = arith.constant 0 : i32
      %dma_start3A_24 = arith.constant 0 : i32
      %dma_start3A_25 = tpu.memref_slice %arg2[%dma_start3A_23, %dma_start3A_24] : memref<100000x16xf32, #tpu.memory_space<hbm>> -> memref<100000x16xf32, #tpu.memory_space<hbm>>
      tpu.enqueue_indirect_dma source(%dma_start3A_25 : memref<100000x16xf32, #tpu.memory_space<hbm>>) target(%dma_start3A_19 : memref<128x16xf32, #tpu.memory_space<vmem>>) offsets(%dma_start3A_22 : memref<128xi32, #tpu.memory_space<vmem>>) semaphore(%arg9 : memref<!tpu.dma_semaphore, #tpu.memory_space<semaphore_mem>>)
      %dma_start3A_26 = arith.constant 2 : i32
      %dma_start3A_27 = arith.constant 128 : i32
      %dma_start3A_28 = arith.constant 0 : i32
      %dma_start3A_29 = tpu.memref_slice %arg8[%dma_start3A_27, %dma_start3A_28] : memref<512x16xf32, #tpu.memory_space<vmem>> -> memref<128x16xf32, #tpu.memory_space<vmem>>
      %dma_start3A_30 = arith.constant 0 : i32
      %dma_start3A_31 = tpu.memref_slice %arg7[%dma_start3A_26, %dma_start3A_30] : memref<112x128xi32, #tpu.memory_space<vmem>> -> memref<1x128xi32, #tpu.memory_space<vmem>>
      %dma_start3A_32 = tpu.memref_squeeze %dma_start3A_31 : memref<1x128xi32, #tpu.memory_space<vmem>> -> memref<128xi32, #tpu.memory_space<vmem>>
      %dma_start3A_33 = arith.constant 0 : i32
      %dma_start3A_34 = arith.constant 0 : i32
      %dma_start3A_35 = tpu.memref_slice %arg2[%dma_start3A_33, %dma_start3A_34] : memref<100000x16xf32, #tpu.memory_space<hbm>> -> memref<100000x16xf32, #tpu.memory_space<hbm>>
      tpu.enqueue_indirect_dma source(%dma_start3A_35 : memref<100000x16xf32, #tpu.memory_space<hbm>>) target(%dma_start3A_29 : memref<128x16xf32, #tpu.memory_space<vmem>>) offsets(%dma_start3A_32 : memref<128xi32, #tpu.memory_space<vmem>>) semaphore(%arg9 : memref<!tpu.dma_semaphore, #tpu.memory_space<semaphore_mem>>)
      %dma_start3A_36 = arith.constant 4 : i32
      %dma_start3A_37 = arith.constant 256 : i32
      %dma_start3A_38 = arith.constant 0 : i32
      %dma_start3A_39 = tpu.memref_slice %arg8[%dma_start3A_37, %dma_start3A_38] : memref<512x16xf32, #tpu.memory_space<vmem>> -> memref<128x16xf32, #tpu.memory_space<vmem>>
      %dma_start3A_40 = arith.constant 0 : i32
      %dma_start3A_41 = tpu.memref_slice %arg7[%dma_start3A_36, %dma_start3A_40] : memref<112x128xi32, #tpu.memory_space<vmem>> -> memref<1x128xi32, #tpu.memory_space<vmem>>
      %dma_start3A_42 = tpu.memref_squeeze %dma_start3A_41 : memref<1x128xi32, #tpu.memory_space<vmem>> -> memref<128xi32, #tpu.memory_space<vmem>>
      %dma_start3A_43 = arith.constant 0 : i32
      %dma_start3A_44 = arith.constant 0 : i32
      %dma_start3A_45 = tpu.memref_slice %arg2[%dma_start3A_43, %dma_start3A_44] : memref<100000x16xf32, #tpu.memory_space<hbm>> -> memref<100000x16xf32, #tpu.memory_space<hbm>>
      tpu.enqueue_indirect_dma source(%dma_start3A_45 : memref<100000x16xf32, #tpu.memory_space<hbm>>) target(%dma_start3A_39 : memref<128x16xf32, #tpu.memory_space<vmem>>) offsets(%dma_start3A_42 : memref<128xi32, #tpu.memory_space<vmem>>) semaphore(%arg9 : memref<!tpu.dma_semaphore, #tpu.memory_space<semaphore_mem>>)
      %dma_start3A_46 = arith.constant 6 : i32
      %dma_start3A_47 = arith.constant 384 : i32
      %dma_start3A_48 = arith.constant 0 : i32
      %dma_start3A_49 = tpu.memref_slice %arg8[%dma_start3A_47, %dma_start3A_48] : memref<512x16xf32, #tpu.memory_space<vmem>> -> memref<128x16xf32, #tpu.memory_space<vmem>>
      %dma_start3A_50 = arith.constant 0 : i32
      %dma_start3A_51 = tpu.memref_slice %arg7[%dma_start3A_46, %dma_start3A_50] : memref<112x128xi32, #tpu.memory_space<vmem>> -> memref<1x128xi32, #tpu.memory_space<vmem>>
      %dma_start3A_52 = tpu.memref_squeeze %dma_start3A_51 : memref<1x128xi32, #tpu.memory_space<vmem>> -> memref<128xi32, #tpu.memory_space<vmem>>
      %dma_start3A_53 = arith.constant 0 : i32
      %dma_start3A_54 = arith.constant 0 : i32
      %dma_start3A_55 = tpu.memref_slice %arg2[%dma_start3A_53, %dma_start3A_54] : memref<100000x16xf32, #tpu.memory_space<hbm>> -> memref<100000x16xf32, #tpu.memory_space<hbm>>
      tpu.enqueue_indirect_dma source(%dma_start3A_55 : memref<100000x16xf32, #tpu.memory_space<hbm>>) target(%dma_start3A_49 : memref<128x16xf32, #tpu.memory_space<vmem>>) offsets(%dma_start3A_52 : memref<128xi32, #tpu.memory_space<vmem>>) semaphore(%arg9 : memref<!tpu.dma_semaphore, #tpu.memory_space<semaphore_mem>>)
      %dma_start3A_56 = arith.constant 8 : i32
      %dma_start3A_57 = arith.constant 0 : i32
      %dma_start3A_58 = arith.constant 0 : i32
      %dma_start3A_59 = tpu.memref_slice %arg11[%dma_start3A_57, %dma_start3A_58] : memref<512x16xf32, #tpu.memory_space<vmem>> -> memref<128x16xf32, #tpu.memory_space<vmem>>
      %dma_start3A_60 = arith.constant 0 : i32
      %dma_start3A_61 = tpu.memref_slice %arg7[%dma_start3A_56, %dma_start3A_60] : memref<112x128xi32, #tpu.memory_space<vmem>> -> memref<1x128xi32, #tpu.memory_space<vmem>>
      %dma_start3A_62 = tpu.memref_squeeze %dma_start3A_61 : memref<1x128xi32, #tpu.memory_space<vmem>> -> memref<128xi32, #tpu.memory_space<vmem>>
      %dma_start3A_63 = arith.constant 0 : i32
      %dma_start3A_64 = arith.constant 0 : i32
      %dma_start3A_65 = tpu.memref_slice %arg2[%dma_start3A_63, %dma_start3A_64] : memref<100000x16xf32, #tpu.memory_space<hbm>> -> memref<100000x16xf32, #tpu.memory_space<hbm>>
      tpu.enqueue_indirect_dma source(%dma_start3A_65 : memref<100000x16xf32, #tpu.memory_space<hbm>>) target(%dma_start3A_59 : memref<128x16xf32, #tpu.memory_space<vmem>>) offsets(%dma_start3A_62 : memref<128xi32, #tpu.memory_space<vmem>>) semaphore(%arg12 : memref<!tpu.dma_semaphore, #tpu.memory_space<semaphore_mem>>)
      %dma_start3A_66 = arith.constant 10 : i32
      %dma_start3A_67 = arith.constant 128 : i32
      %dma_start3A_68 = arith.constant 0 : i32
      %dma_start3A_69 = tpu.memref_slice %arg11[%dma_start3A_67, %dma_start3A_68] : memref<512x16xf32, #tpu.memory_space<vmem>> -> memref<128x16xf32, #tpu.memory_space<vmem>>
      %dma_start3A_70 = arith.constant 0 : i32
      %dma_start3A_71 = tpu.memref_slice %arg7[%dma_start3A_66, %dma_start3A_70] : memref<112x128xi32, #tpu.memory_space<vmem>> -> memref<1x128xi32, #tpu.memory_space<vmem>>
      %dma_start3A_72 = tpu.memref_squeeze %dma_start3A_71 : memref<1x128xi32, #tpu.memory_space<vmem>> -> memref<128xi32, #tpu.memory_space<vmem>>
      %dma_start3A_73 = arith.constant 0 : i32
      %dma_start3A_74 = arith.constant 0 : i32
      %dma_start3A_75 = tpu.memref_slice %arg2[%dma_start3A_73, %dma_start3A_74] : memref<100000x16xf32, #tpu.memory_space<hbm>> -> memref<100000x16xf32, #tpu.memory_space<hbm>>
      tpu.enqueue_indirect_dma source(%dma_start3A_75 : memref<100000x16xf32, #tpu.memory_space<hbm>>) target(%dma_start3A_69 : memref<128x16xf32, #tpu.memory_space<vmem>>) offsets(%dma_start3A_72 : memref<128xi32, #tpu.memory_space<vmem>>) semaphore(%arg12 : memref<!tpu.dma_semaphore, #tpu.memory_space<semaphore_mem>>)
      %dma_start3A_76 = arith.constant 12 : i32
      %dma_start3A_77 = arith.constant 256 : i32
      %dma_start3A_78 = arith.constant 0 : i32
      %dma_start3A_79 = tpu.memref_slice %arg11[%dma_start3A_77, %dma_start3A_78] : memref<512x16xf32, #tpu.memory_space<vmem>> -> memref<128x16xf32, #tpu.memory_space<vmem>>
      %dma_start3A_80 = arith.constant 0 : i32
      %dma_start3A_81 = tpu.memref_slice %arg7[%dma_start3A_76, %dma_start3A_80] : memref<112x128xi32, #tpu.memory_space<vmem>> -> memref<1x128xi32, #tpu.memory_space<vmem>>
      %dma_start3A_82 = tpu.memref_squeeze %dma_start3A_81 : memref<1x128xi32, #tpu.memory_space<vmem>> -> memref<128xi32, #tpu.memory_space<vmem>>
      %dma_start3A_83 = arith.constant 0 : i32
      %dma_start3A_84 = arith.constant 0 : i32
      %dma_start3A_85 = tpu.memref_slice %arg2[%dma_start3A_83, %dma_start3A_84] : memref<100000x16xf32, #tpu.memory_space<hbm>> -> memref<100000x16xf32, #tpu.memory_space<hbm>>
      tpu.enqueue_indirect_dma source(%dma_start3A_85 : memref<100000x16xf32, #tpu.memory_space<hbm>>) target(%dma_start3A_79 : memref<128x16xf32, #tpu.memory_space<vmem>>) offsets(%dma_start3A_82 : memref<128xi32, #tpu.memory_space<vmem>>) semaphore(%arg12 : memref<!tpu.dma_semaphore, #tpu.memory_space<semaphore_mem>>)
      %dma_start3A_86 = arith.constant 14 : i32
      %dma_start3A_87 = arith.constant 384 : i32
      %dma_start3A_88 = arith.constant 0 : i32
      %dma_start3A_89 = tpu.memref_slice %arg11[%dma_start3A_87, %dma_start3A_88] : memref<512x16xf32, #tpu.memory_space<vmem>> -> memref<128x16xf32, #tpu.memory_space<vmem>>
      %dma_start3A_90 = arith.constant 0 : i32
      %dma_start3A_91 = tpu.memref_slice %arg7[%dma_start3A_86, %dma_start3A_90] : memref<112x128xi32, #tpu.memory_space<vmem>> -> memref<1x128xi32, #tpu.memory_space<vmem>>
      %dma_start3A_92 = tpu.memref_squeeze %dma_start3A_91 : memref<1x128xi32, #tpu.memory_space<vmem>> -> memref<128xi32, #tpu.memory_space<vmem>>
      %dma_start3A_93 = arith.constant 0 : i32
      %dma_start3A_94 = arith.constant 0 : i32
      %dma_start3A_95 = tpu.memref_slice %arg2[%dma_start3A_93, %dma_start3A_94] : memref<100000x16xf32, #tpu.memory_space<hbm>> -> memref<100000x16xf32, #tpu.memory_space<hbm>>
      tpu.enqueue_indirect_dma source(%dma_start3A_95 : memref<100000x16xf32, #tpu.memory_space<hbm>>) target(%dma_start3A_89 : memref<128x16xf32, #tpu.memory_space<vmem>>) offsets(%dma_start3A_92 : memref<128xi32, #tpu.memory_space<vmem>>) semaphore(%arg12 : memref<!tpu.dma_semaphore, #tpu.memory_space<semaphore_mem>>)
      %scan3A_96 = arith.constant 0 : i32
      %scan3A_97 = arith.constant 0 : i32
      %scan3A_98 = arith.constant 7 : i32
      %scan3A_99 = arith.addi %scan3A_97, %scan3A_98 : i32
      %scan3A_100 = arith.constant 1 : i32
      scf.for %scan3A_102 = %scan3A_97 to %scan3A_99 step %scan3A_100  : i32 {
        %mul3A_103 = arith.constant 2 : i32
        %mul3A_104 = arith.muli %mul3A_103, %scan3A_102 : i32
        %dma_wait3A = arith.constant 0 : i32
        %dma_wait3A_105 = arith.constant 0 : i32
        %dma_wait3A_106 = arith.constant 0 : i32
        %dma_wait3A_107 = tpu.memref_slice %arg8[%dma_wait3A_105, %dma_wait3A_106] : memref<512x16xf32, #tpu.memory_space<vmem>> -> memref<128x16xf32, #tpu.memory_space<vmem>>
        %dma_wait3A_108 = arith.constant 0 : i32
        %dma_wait3A_109 = tpu.memref_slice %arg7[%dma_wait3A, %dma_wait3A_108] : memref<112x128xi32, #tpu.memory_space<vmem>> -> memref<1x128xi32, #tpu.memory_space<vmem>>
        %dma_wait3A_110 = tpu.memref_squeeze %dma_wait3A_109 : memref<1x128xi32, #tpu.memory_space<vmem>> -> memref<128xi32, #tpu.memory_space<vmem>>
        %dma_wait3A_111 = arith.constant 0 : i32
        %dma_wait3A_112 = arith.constant 0 : i32
        %dma_wait3A_113 = tpu.memref_slice %arg2[%dma_wait3A_111, %dma_wait3A_112] : memref<100000x16xf32, #tpu.memory_space<hbm>> -> memref<100000x16xf32, #tpu.memory_space<hbm>>
        tpu.wait_indirect_dma semaphore(%arg9 : memref<!tpu.dma_semaphore, #tpu.memory_space<semaphore_mem>>) src(%dma_wait3A_113 : memref<100000x16xf32, #tpu.memory_space<hbm>>) dst(%dma_wait3A_107 : memref<128x16xf32, #tpu.memory_space<vmem>>)
        %dma_wait3A_114 = arith.constant 0 : i32
        %dma_wait3A_115 = arith.constant 128 : i32
        %dma_wait3A_116 = arith.constant 0 : i32
        %dma_wait3A_117 = tpu.memref_slice %arg8[%dma_wait3A_115, %dma_wait3A_116] : memref<512x16xf32, #tpu.memory_space<vmem>> -> memref<128x16xf32, #tpu.memory_space<vmem>>
        %dma_wait3A_118 = arith.constant 0 : i32
        %dma_wait3A_119 = tpu.memref_slice %arg7[%dma_wait3A_114, %dma_wait3A_118] : memref<112x128xi32, #tpu.memory_space<vmem>> -> memref<1x128xi32, #tpu.memory_space<vmem>>
        %dma_wait3A_120 = tpu.memref_squeeze %dma_wait3A_119 : memref<1x128xi32, #tpu.memory_space<vmem>> -> memref<128xi32, #tpu.memory_space<vmem>>
        %dma_wait3A_121 = arith.constant 0 : i32
        %dma_wait3A_122 = arith.constant 0 : i32
        %dma_wait3A_123 = tpu.memref_slice %arg2[%dma_wait3A_121, %dma_wait3A_122] : memref<100000x16xf32, #tpu.memory_space<hbm>> -> memref<100000x16xf32, #tpu.memory_space<hbm>>
        tpu.wait_indirect_dma semaphore(%arg9 : memref<!tpu.dma_semaphore, #tpu.memory_space<semaphore_mem>>) src(%dma_wait3A_123 : memref<100000x16xf32, #tpu.memory_space<hbm>>) dst(%dma_wait3A_117 : memref<128x16xf32, #tpu.memory_space<vmem>>)
        %dma_wait3A_124 = arith.constant 0 : i32
        %dma_wait3A_125 = arith.constant 256 : i32
        %dma_wait3A_126 = arith.constant 0 : i32
        %dma_wait3A_127 = tpu.memref_slice %arg8[%dma_wait3A_125, %dma_wait3A_126] : memref<512x16xf32, #tpu.memory_space<vmem>> -> memref<128x16xf32, #tpu.memory_space<vmem>>
        %dma_wait3A_128 = arith.constant 0 : i32
        %dma_wait3A_129 = tpu.memref_slice %arg7[%dma_wait3A_124, %dma_wait3A_128] : memref<112x128xi32, #tpu.memory_space<vmem>> -> memref<1x128xi32, #tpu.memory_space<vmem>>
        %dma_wait3A_130 = tpu.memref_squeeze %dma_wait3A_129 : memref<1x128xi32, #tpu.memory_space<vmem>> -> memref<128xi32, #tpu.memory_space<vmem>>
        %dma_wait3A_131 = arith.constant 0 : i32
        %dma_wait3A_132 = arith.constant 0 : i32
        %dma_wait3A_133 = tpu.memref_slice %arg2[%dma_wait3A_131, %dma_wait3A_132] : memref<100000x16xf32, #tpu.memory_space<hbm>> -> memref<100000x16xf32, #tpu.memory_space<hbm>>
        tpu.wait_indirect_dma semaphore(%arg9 : memref<!tpu.dma_semaphore, #tpu.memory_space<semaphore_mem>>) src(%dma_wait3A_133 : memref<100000x16xf32, #tpu.memory_space<hbm>>) dst(%dma_wait3A_127 : memref<128x16xf32, #tpu.memory_space<vmem>>)
        %dma_wait3A_134 = arith.constant 0 : i32
        %dma_wait3A_135 = arith.constant 384 : i32
        %dma_wait3A_136 = arith.constant 0 : i32
        %dma_wait3A_137 = tpu.memref_slice %arg8[%dma_wait3A_135, %dma_wait3A_136] : memref<512x16xf32, #tpu.memory_space<vmem>> -> memref<128x16xf32, #tpu.memory_space<vmem>>
        %dma_wait3A_138 = arith.constant 0 : i32
        %dma_wait3A_139 = tpu.memref_slice %arg7[%dma_wait3A_134, %dma_wait3A_138] : memref<112x128xi32, #tpu.memory_space<vmem>> -> memref<1x128xi32, #tpu.memory_space<vmem>>
        %dma_wait3A_140 = tpu.memref_squeeze %dma_wait3A_139 : memref<1x128xi32, #tpu.memory_space<vmem>> -> memref<128xi32, #tpu.memory_space<vmem>>
        %dma_wait3A_141 = arith.constant 0 : i32
        %dma_wait3A_142 = arith.constant 0 : i32
        %dma_wait3A_143 = tpu.memref_slice %arg2[%dma_wait3A_141, %dma_wait3A_142] : memref<100000x16xf32, #tpu.memory_space<hbm>> -> memref<100000x16xf32, #tpu.memory_space<hbm>>
        tpu.wait_indirect_dma semaphore(%arg9 : memref<!tpu.dma_semaphore, #tpu.memory_space<semaphore_mem>>) src(%dma_wait3A_143 : memref<100000x16xf32, #tpu.memory_space<hbm>>) dst(%dma_wait3A_137 : memref<128x16xf32, #tpu.memory_space<vmem>>)
        %mul3A_144 = arith.constant 4 : i32
        %mul3A_145 = arith.muli %mul3A_104, %mul3A_144 : i32
        %add3A_146 = arith.constant 0 : i32
        %add3A_147 = arith.addi %mul3A_145, %add3A_146 : i32
        %mul3A_148 = arith.constant 2 : i32
        %mul3A_149 = arith.muli %mul3A_148, %add3A_147 : i32
        %add3A_150 = arith.constant 1 : i32
        %add3A_151 = arith.addi %mul3A_149, %add3A_150 : i32
        %dma_start3A_152 = arith.constant 0 : i32
        %dma_start3A_153 = arith.constant 0 : i32
        %dma_start3A_154 = tpu.memref_slice %arg8[%dma_start3A_152, %dma_start3A_153] : memref<512x16xf32, #tpu.memory_space<vmem>> -> memref<128x16xf32, #tpu.memory_space<vmem>>
        %dma_start3A_155 = arith.constant 0 : i32
        %dma_start3A_156 = tpu.memref_slice %arg7[%add3A_151, %dma_start3A_155] : memref<112x128xi32, #tpu.memory_space<vmem>> -> memref<1x128xi32, #tpu.memory_space<vmem>>
        %dma_start3A_157 = tpu.memref_squeeze %dma_start3A_156 : memref<1x128xi32, #tpu.memory_space<vmem>> -> memref<128xi32, #tpu.memory_space<vmem>>
        %dma_start3A_158 = arith.constant 0 : i32
        %dma_start3A_159 = arith.constant 0 : i32
        %dma_start3A_160 = tpu.memref_slice %arg6[%dma_start3A_158, %dma_start3A_159] : memref<100096x16xf32, #tpu.memory_space<vmem_shared>> -> memref<100096x16xf32, #tpu.memory_space<vmem_shared>>
        tpu.enqueue_indirect_dma source(%dma_start3A_154 : memref<128x16xf32, #tpu.memory_space<vmem>>) target(%dma_start3A_160 : memref<100096x16xf32, #tpu.memory_space<vmem_shared>>) offsets(%dma_start3A_157 : memref<128xi32, #tpu.memory_space<vmem>>) semaphore(%arg10 : memref<!tpu.dma_semaphore, #tpu.memory_space<semaphore_mem>>) {add = true}
        %mul3A_161 = arith.constant 4 : i32
        %mul3A_162 = arith.muli %mul3A_104, %mul3A_161 : i32
        %add3A_163 = arith.constant 1 : i32
        %add3A_164 = arith.addi %mul3A_162, %add3A_163 : i32
        %mul3A_165 = arith.constant 2 : i32
        %mul3A_166 = arith.muli %mul3A_165, %add3A_164 : i32
        %add3A_167 = arith.constant 1 : i32
        %add3A_168 = arith.addi %mul3A_166, %add3A_167 : i32
        %dma_start3A_169 = arith.constant 128 : i32
        %dma_start3A_170 = arith.constant 0 : i32
        %dma_start3A_171 = tpu.memref_slice %arg8[%dma_start3A_169, %dma_start3A_170] : memref<512x16xf32, #tpu.memory_space<vmem>> -> memref<128x16xf32, #tpu.memory_space<vmem>>
        %dma_start3A_172 = arith.constant 0 : i32
        %dma_start3A_173 = tpu.memref_slice %arg7[%add3A_168, %dma_start3A_172] : memref<112x128xi32, #tpu.memory_space<vmem>> -> memref<1x128xi32, #tpu.memory_space<vmem>>
        %dma_start3A_174 = tpu.memref_squeeze %dma_start3A_173 : memref<1x128xi32, #tpu.memory_space<vmem>> -> memref<128xi32, #tpu.memory_space<vmem>>
        %dma_start3A_175 = arith.constant 0 : i32
        %dma_start3A_176 = arith.constant 0 : i32
        %dma_start3A_177 = tpu.memref_slice %arg6[%dma_start3A_175, %dma_start3A_176] : memref<100096x16xf32, #tpu.memory_space<vmem_shared>> -> memref<100096x16xf32, #tpu.memory_space<vmem_shared>>
        tpu.enqueue_indirect_dma source(%dma_start3A_171 : memref<128x16xf32, #tpu.memory_space<vmem>>) target(%dma_start3A_177 : memref<100096x16xf32, #tpu.memory_space<vmem_shared>>) offsets(%dma_start3A_174 : memref<128xi32, #tpu.memory_space<vmem>>) semaphore(%arg10 : memref<!tpu.dma_semaphore, #tpu.memory_space<semaphore_mem>>) {add = true}
        %mul3A_178 = arith.constant 4 : i32
        %mul3A_179 = arith.muli %mul3A_104, %mul3A_178 : i32
        %add3A_180 = arith.constant 2 : i32
        %add3A_181 = arith.addi %mul3A_179, %add3A_180 : i32
        %mul3A_182 = arith.constant 2 : i32
        %mul3A_183 = arith.muli %mul3A_182, %add3A_181 : i32
        %add3A_184 = arith.constant 1 : i32
        %add3A_185 = arith.addi %mul3A_183, %add3A_184 : i32
        %dma_start3A_186 = arith.constant 256 : i32
        %dma_start3A_187 = arith.constant 0 : i32
        %dma_start3A_188 = tpu.memref_slice %arg8[%dma_start3A_186, %dma_start3A_187] : memref<512x16xf32, #tpu.memory_space<vmem>> -> memref<128x16xf32, #tpu.memory_space<vmem>>
        %dma_start3A_189 = arith.constant 0 : i32
        %dma_start3A_190 = tpu.memref_slice %arg7[%add3A_185, %dma_start3A_189] : memref<112x128xi32, #tpu.memory_space<vmem>> -> memref<1x128xi32, #tpu.memory_space<vmem>>
        %dma_start3A_191 = tpu.memref_squeeze %dma_start3A_190 : memref<1x128xi32, #tpu.memory_space<vmem>> -> memref<128xi32, #tpu.memory_space<vmem>>
        %dma_start3A_192 = arith.constant 0 : i32
        %dma_start3A_193 = arith.constant 0 : i32
        %dma_start3A_194 = tpu.memref_slice %arg6[%dma_start3A_192, %dma_start3A_193] : memref<100096x16xf32, #tpu.memory_space<vmem_shared>> -> memref<100096x16xf32, #tpu.memory_space<vmem_shared>>
        tpu.enqueue_indirect_dma source(%dma_start3A_188 : memref<128x16xf32, #tpu.memory_space<vmem>>) target(%dma_start3A_194 : memref<100096x16xf32, #tpu.memory_space<vmem_shared>>) offsets(%dma_start3A_191 : memref<128xi32, #tpu.memory_space<vmem>>) semaphore(%arg10 : memref<!tpu.dma_semaphore, #tpu.memory_space<semaphore_mem>>) {add = true}
        %mul3A_195 = arith.constant 4 : i32
        %mul3A_196 = arith.muli %mul3A_104, %mul3A_195 : i32
        %add3A_197 = arith.constant 3 : i32
        %add3A_198 = arith.addi %mul3A_196, %add3A_197 : i32
        %mul3A_199 = arith.constant 2 : i32
        %mul3A_200 = arith.muli %mul3A_199, %add3A_198 : i32
        %add3A_201 = arith.constant 1 : i32
        %add3A_202 = arith.addi %mul3A_200, %add3A_201 : i32
        %dma_start3A_203 = arith.constant 384 : i32
        %dma_start3A_204 = arith.constant 0 : i32
        %dma_start3A_205 = tpu.memref_slice %arg8[%dma_start3A_203, %dma_start3A_204] : memref<512x16xf32, #tpu.memory_space<vmem>> -> memref<128x16xf32, #tpu.memory_space<vmem>>
        %dma_start3A_206 = arith.constant 0 : i32
        %dma_start3A_207 = tpu.memref_slice %arg7[%add3A_202, %dma_start3A_206] : memref<112x128xi32, #tpu.memory_space<vmem>> -> memref<1x128xi32, #tpu.memory_space<vmem>>
        %dma_start3A_208 = tpu.memref_squeeze %dma_start3A_207 : memref<1x128xi32, #tpu.memory_space<vmem>> -> memref<128xi32, #tpu.memory_space<vmem>>
        %dma_start3A_209 = arith.constant 0 : i32
        %dma_start3A_210 = arith.constant 0 : i32
        %dma_start3A_211 = tpu.memref_slice %arg6[%dma_start3A_209, %dma_start3A_210] : memref<100096x16xf32, #tpu.memory_space<vmem_shared>> -> memref<100096x16xf32, #tpu.memory_space<vmem_shared>>
        tpu.enqueue_indirect_dma source(%dma_start3A_205 : memref<128x16xf32, #tpu.memory_space<vmem>>) target(%dma_start3A_211 : memref<100096x16xf32, #tpu.memory_space<vmem_shared>>) offsets(%dma_start3A_208 : memref<128xi32, #tpu.memory_space<vmem>>) semaphore(%arg10 : memref<!tpu.dma_semaphore, #tpu.memory_space<semaphore_mem>>) {add = true}
        %dma_wait3A_212 = arith.constant 0 : i32
        %dma_wait3A_213 = arith.constant 0 : i32
        %dma_wait3A_214 = arith.constant 0 : i32
        %dma_wait3A_215 = tpu.memref_slice %arg11[%dma_wait3A_213, %dma_wait3A_214] : memref<512x16xf32, #tpu.memory_space<vmem>> -> memref<128x16xf32, #tpu.memory_space<vmem>>
        %dma_wait3A_216 = arith.constant 0 : i32
        %dma_wait3A_217 = tpu.memref_slice %arg7[%dma_wait3A_212, %dma_wait3A_216] : memref<112x128xi32, #tpu.memory_space<vmem>> -> memref<1x128xi32, #tpu.memory_space<vmem>>
        %dma_wait3A_218 = tpu.memref_squeeze %dma_wait3A_217 : memref<1x128xi32, #tpu.memory_space<vmem>> -> memref<128xi32, #tpu.memory_space<vmem>>
        %dma_wait3A_219 = arith.constant 0 : i32
        %dma_wait3A_220 = arith.constant 0 : i32
        %dma_wait3A_221 = tpu.memref_slice %arg2[%dma_wait3A_219, %dma_wait3A_220] : memref<100000x16xf32, #tpu.memory_space<hbm>> -> memref<100000x16xf32, #tpu.memory_space<hbm>>
        tpu.wait_indirect_dma semaphore(%arg12 : memref<!tpu.dma_semaphore, #tpu.memory_space<semaphore_mem>>) src(%dma_wait3A_221 : memref<100000x16xf32, #tpu.memory_space<hbm>>) dst(%dma_wait3A_215 : memref<128x16xf32, #tpu.memory_space<vmem>>)
        %dma_wait3A_222 = arith.constant 0 : i32
        %dma_wait3A_223 = arith.constant 128 : i32
        %dma_wait3A_224 = arith.constant 0 : i32
        %dma_wait3A_225 = tpu.memref_slice %arg11[%dma_wait3A_223, %dma_wait3A_224] : memref<512x16xf32, #tpu.memory_space<vmem>> -> memref<128x16xf32, #tpu.memory_space<vmem>>
        %dma_wait3A_226 = arith.constant 0 : i32
        %dma_wait3A_227 = tpu.memref_slice %arg7[%dma_wait3A_222, %dma_wait3A_226] : memref<112x128xi32, #tpu.memory_space<vmem>> -> memref<1x128xi32, #tpu.memory_space<vmem>>
        %dma_wait3A_228 = tpu.memref_squeeze %dma_wait3A_227 : memref<1x128xi32, #tpu.memory_space<vmem>> -> memref<128xi32, #tpu.memory_space<vmem>>
        %dma_wait3A_229 = arith.constant 0 : i32
        %dma_wait3A_230 = arith.constant 0 : i32
        %dma_wait3A_231 = tpu.memref_slice %arg2[%dma_wait3A_229, %dma_wait3A_230] : memref<100000x16xf32, #tpu.memory_space<hbm>> -> memref<100000x16xf32, #tpu.memory_space<hbm>>
        tpu.wait_indirect_dma semaphore(%arg12 : memref<!tpu.dma_semaphore, #tpu.memory_space<semaphore_mem>>) src(%dma_wait3A_231 : memref<100000x16xf32, #tpu.memory_space<hbm>>) dst(%dma_wait3A_225 : memref<128x16xf32, #tpu.memory_space<vmem>>)
        %dma_wait3A_232 = arith.constant 0 : i32
        %dma_wait3A_233 = arith.constant 256 : i32
        %dma_wait3A_234 = arith.constant 0 : i32
        %dma_wait3A_235 = tpu.memref_slice %arg11[%dma_wait3A_233, %dma_wait3A_234] : memref<512x16xf32, #tpu.memory_space<vmem>> -> memref<128x16xf32, #tpu.memory_space<vmem>>
        %dma_wait3A_236 = arith.constant 0 : i32
        %dma_wait3A_237 = tpu.memref_slice %arg7[%dma_wait3A_232, %dma_wait3A_236] : memref<112x128xi32, #tpu.memory_space<vmem>> -> memref<1x128xi32, #tpu.memory_space<vmem>>
        %dma_wait3A_238 = tpu.memref_squeeze %dma_wait3A_237 : memref<1x128xi32, #tpu.memory_space<vmem>> -> memref<128xi32, #tpu.memory_space<vmem>>
        %dma_wait3A_239 = arith.constant 0 : i32
        %dma_wait3A_240 = arith.constant 0 : i32
        %dma_wait3A_241 = tpu.memref_slice %arg2[%dma_wait3A_239, %dma_wait3A_240] : memref<100000x16xf32, #tpu.memory_space<hbm>> -> memref<100000x16xf32, #tpu.memory_space<hbm>>
        tpu.wait_indirect_dma semaphore(%arg12 : memref<!tpu.dma_semaphore, #tpu.memory_space<semaphore_mem>>) src(%dma_wait3A_241 : memref<100000x16xf32, #tpu.memory_space<hbm>>) dst(%dma_wait3A_235 : memref<128x16xf32, #tpu.memory_space<vmem>>)
        %dma_wait3A_242 = arith.constant 0 : i32
        %dma_wait3A_243 = arith.constant 384 : i32
        %dma_wait3A_244 = arith.constant 0 : i32
        %dma_wait3A_245 = tpu.memref_slice %arg11[%dma_wait3A_243, %dma_wait3A_244] : memref<512x16xf32, #tpu.memory_space<vmem>> -> memref<128x16xf32, #tpu.memory_space<vmem>>
        %dma_wait3A_246 = arith.constant 0 : i32
        %dma_wait3A_247 = tpu.memref_slice %arg7[%dma_wait3A_242, %dma_wait3A_246] : memref<112x128xi32, #tpu.memory_space<vmem>> -> memref<1x128xi32, #tpu.memory_space<vmem>>
        %dma_wait3A_248 = tpu.memref_squeeze %dma_wait3A_247 : memref<1x128xi32, #tpu.memory_space<vmem>> -> memref<128xi32, #tpu.memory_space<vmem>>
        %dma_wait3A_249 = arith.constant 0 : i32
        %dma_wait3A_250 = arith.constant 0 : i32
        %dma_wait3A_251 = tpu.memref_slice %arg2[%dma_wait3A_249, %dma_wait3A_250] : memref<100000x16xf32, #tpu.memory_space<hbm>> -> memref<100000x16xf32, #tpu.memory_space<hbm>>
        tpu.wait_indirect_dma semaphore(%arg12 : memref<!tpu.dma_semaphore, #tpu.memory_space<semaphore_mem>>) src(%dma_wait3A_251 : memref<100000x16xf32, #tpu.memory_space<hbm>>) dst(%dma_wait3A_245 : memref<128x16xf32, #tpu.memory_space<vmem>>)
        %add3A_252 = arith.constant 1 : i32
        %add3A_253 = arith.addi %mul3A_104, %add3A_252 : i32
        %mul3A_254 = arith.constant 4 : i32
        %mul3A_255 = arith.muli %add3A_253, %mul3A_254 : i32
        %add3A_256 = arith.constant 0 : i32
        %add3A_257 = arith.addi %mul3A_255, %add3A_256 : i32
        %mul3A_258 = arith.constant 2 : i32
        %mul3A_259 = arith.muli %mul3A_258, %add3A_257 : i32
        %add3A_260 = arith.constant 1 : i32
        %add3A_261 = arith.addi %mul3A_259, %add3A_260 : i32
        %dma_start3A_262 = arith.constant 0 : i32
        %dma_start3A_263 = arith.constant 0 : i32
        %dma_start3A_264 = tpu.memref_slice %arg11[%dma_start3A_262, %dma_start3A_263] : memref<512x16xf32, #tpu.memory_space<vmem>> -> memref<128x16xf32, #tpu.memory_space<vmem>>
        %dma_start3A_265 = arith.constant 0 : i32
        %dma_start3A_266 = tpu.memref_slice %arg7[%add3A_261, %dma_start3A_265] : memref<112x128xi32, #tpu.memory_space<vmem>> -> memref<1x128xi32, #tpu.memory_space<vmem>>
        %dma_start3A_267 = tpu.memref_squeeze %dma_start3A_266 : memref<1x128xi32, #tpu.memory_space<vmem>> -> memref<128xi32, #tpu.memory_space<vmem>>
        %dma_start3A_268 = arith.constant 0 : i32
        %dma_start3A_269 = arith.constant 0 : i32
        %dma_start3A_270 = tpu.memref_slice %arg6[%dma_start3A_268, %dma_start3A_269] : memref<100096x16xf32, #tpu.memory_space<vmem_shared>> -> memref<100096x16xf32, #tpu.memory_space<vmem_shared>>
        tpu.enqueue_indirect_dma source(%dma_start3A_264 : memref<128x16xf32, #tpu.memory_space<vmem>>) target(%dma_start3A_270 : memref<100096x16xf32, #tpu.memory_space<vmem_shared>>) offsets(%dma_start3A_267 : memref<128xi32, #tpu.memory_space<vmem>>) semaphore(%arg13 : memref<!tpu.dma_semaphore, #tpu.memory_space<semaphore_mem>>) {add = true}
        %mul3A_271 = arith.constant 4 : i32
        %mul3A_272 = arith.muli %add3A_253, %mul3A_271 : i32
        %add3A_273 = arith.constant 1 : i32
        %add3A_274 = arith.addi %mul3A_272, %add3A_273 : i32
        %mul3A_275 = arith.constant 2 : i32
        %mul3A_276 = arith.muli %mul3A_275, %add3A_274 : i32
        %add3A_277 = arith.constant 1 : i32
        %add3A_278 = arith.addi %mul3A_276, %add3A_277 : i32
        %dma_start3A_279 = arith.constant 128 : i32
        %dma_start3A_280 = arith.constant 0 : i32
        %dma_start3A_281 = tpu.memref_slice %arg11[%dma_start3A_279, %dma_start3A_280] : memref<512x16xf32, #tpu.memory_space<vmem>> -> memref<128x16xf32, #tpu.memory_space<vmem>>
        %dma_start3A_282 = arith.constant 0 : i32
        %dma_start3A_283 = tpu.memref_slice %arg7[%add3A_278, %dma_start3A_282] : memref<112x128xi32, #tpu.memory_space<vmem>> -> memref<1x128xi32, #tpu.memory_space<vmem>>
        %dma_start3A_284 = tpu.memref_squeeze %dma_start3A_283 : memref<1x128xi32, #tpu.memory_space<vmem>> -> memref<128xi32, #tpu.memory_space<vmem>>
        %dma_start3A_285 = arith.constant 0 : i32
        %dma_start3A_286 = arith.constant 0 : i32
        %dma_start3A_287 = tpu.memref_slice %arg6[%dma_start3A_285, %dma_start3A_286] : memref<100096x16xf32, #tpu.memory_space<vmem_shared>> -> memref<100096x16xf32, #tpu.memory_space<vmem_shared>>
        tpu.enqueue_indirect_dma source(%dma_start3A_281 : memref<128x16xf32, #tpu.memory_space<vmem>>) target(%dma_start3A_287 : memref<100096x16xf32, #tpu.memory_space<vmem_shared>>) offsets(%dma_start3A_284 : memref<128xi32, #tpu.memory_space<vmem>>) semaphore(%arg13 : memref<!tpu.dma_semaphore, #tpu.memory_space<semaphore_mem>>) {add = true}
        %mul3A_288 = arith.constant 4 : i32
        %mul3A_289 = arith.muli %add3A_253, %mul3A_288 : i32
        %add3A_290 = arith.constant 2 : i32
        %add3A_291 = arith.addi %mul3A_289, %add3A_290 : i32
        %mul3A_292 = arith.constant 2 : i32
        %mul3A_293 = arith.muli %mul3A_292, %add3A_291 : i32
        %add3A_294 = arith.constant 1 : i32
        %add3A_295 = arith.addi %mul3A_293, %add3A_294 : i32
        %dma_start3A_296 = arith.constant 256 : i32
        %dma_start3A_297 = arith.constant 0 : i32
        %dma_start3A_298 = tpu.memref_slice %arg11[%dma_start3A_296, %dma_start3A_297] : memref<512x16xf32, #tpu.memory_space<vmem>> -> memref<128x16xf32, #tpu.memory_space<vmem>>
        %dma_start3A_299 = arith.constant 0 : i32
        %dma_start3A_300 = tpu.memref_slice %arg7[%add3A_295, %dma_start3A_299] : memref<112x128xi32, #tpu.memory_space<vmem>> -> memref<1x128xi32, #tpu.memory_space<vmem>>
        %dma_start3A_301 = tpu.memref_squeeze %dma_start3A_300 : memref<1x128xi32, #tpu.memory_space<vmem>> -> memref<128xi32, #tpu.memory_space<vmem>>
        %dma_start3A_302 = arith.constant 0 : i32
        %dma_start3A_303 = arith.constant 0 : i32
        %dma_start3A_304 = tpu.memref_slice %arg6[%dma_start3A_302, %dma_start3A_303] : memref<100096x16xf32, #tpu.memory_space<vmem_shared>> -> memref<100096x16xf32, #tpu.memory_space<vmem_shared>>
        tpu.enqueue_indirect_dma source(%dma_start3A_298 : memref<128x16xf32, #tpu.memory_space<vmem>>) target(%dma_start3A_304 : memref<100096x16xf32, #tpu.memory_space<vmem_shared>>) offsets(%dma_start3A_301 : memref<128xi32, #tpu.memory_space<vmem>>) semaphore(%arg13 : memref<!tpu.dma_semaphore, #tpu.memory_space<semaphore_mem>>) {add = true}
        %mul3A_305 = arith.constant 4 : i32
        %mul3A_306 = arith.muli %add3A_253, %mul3A_305 : i32
        %add3A_307 = arith.constant 3 : i32
        %add3A_308 = arith.addi %mul3A_306, %add3A_307 : i32
        %mul3A_309 = arith.constant 2 : i32
        %mul3A_310 = arith.muli %mul3A_309, %add3A_308 : i32
        %add3A_311 = arith.constant 1 : i32
        %add3A_312 = arith.addi %mul3A_310, %add3A_311 : i32
        %dma_start3A_313 = arith.constant 384 : i32
        %dma_start3A_314 = arith.constant 0 : i32
        %dma_start3A_315 = tpu.memref_slice %arg11[%dma_start3A_313, %dma_start3A_314] : memref<512x16xf32, #tpu.memory_space<vmem>> -> memref<128x16xf32, #tpu.memory_space<vmem>>
        %dma_start3A_316 = arith.constant 0 : i32
        %dma_start3A_317 = tpu.memref_slice %arg7[%add3A_312, %dma_start3A_316] : memref<112x128xi32, #tpu.memory_space<vmem>> -> memref<1x128xi32, #tpu.memory_space<vmem>>
        %dma_start3A_318 = tpu.memref_squeeze %dma_start3A_317 : memref<1x128xi32, #tpu.memory_space<vmem>> -> memref<128xi32, #tpu.memory_space<vmem>>
        %dma_start3A_319 = arith.constant 0 : i32
        %dma_start3A_320 = arith.constant 0 : i32
        %dma_start3A_321 = tpu.memref_slice %arg6[%dma_start3A_319, %dma_start3A_320] : memref<100096x16xf32, #tpu.memory_space<vmem_shared>> -> memref<100096x16xf32, #tpu.memory_space<vmem_shared>>
        tpu.enqueue_indirect_dma source(%dma_start3A_315 : memref<128x16xf32, #tpu.memory_space<vmem>>) target(%dma_start3A_321 : memref<100096x16xf32, #tpu.memory_space<vmem_shared>>) offsets(%dma_start3A_318 : memref<128xi32, #tpu.memory_space<vmem>>) semaphore(%arg13 : memref<!tpu.dma_semaphore, #tpu.memory_space<semaphore_mem>>) {add = true}
        %dma_wait3A_322 = arith.constant 1 : i32
        %dma_wait3A_323 = arith.constant 0 : i32
        %dma_wait3A_324 = arith.constant 0 : i32
        %dma_wait3A_325 = tpu.memref_slice %arg8[%dma_wait3A_323, %dma_wait3A_324] : memref<512x16xf32, #tpu.memory_space<vmem>> -> memref<128x16xf32, #tpu.memory_space<vmem>>
        %dma_wait3A_326 = arith.constant 0 : i32
        %dma_wait3A_327 = tpu.memref_slice %arg7[%dma_wait3A_322, %dma_wait3A_326] : memref<112x128xi32, #tpu.memory_space<vmem>> -> memref<1x128xi32, #tpu.memory_space<vmem>>
        %dma_wait3A_328 = tpu.memref_squeeze %dma_wait3A_327 : memref<1x128xi32, #tpu.memory_space<vmem>> -> memref<128xi32, #tpu.memory_space<vmem>>
        %dma_wait3A_329 = arith.constant 0 : i32
        %dma_wait3A_330 = arith.constant 0 : i32
        %dma_wait3A_331 = tpu.memref_slice %arg6[%dma_wait3A_329, %dma_wait3A_330] : memref<100096x16xf32, #tpu.memory_space<vmem_shared>> -> memref<100096x16xf32, #tpu.memory_space<vmem_shared>>
        tpu.wait_indirect_dma semaphore(%arg10 : memref<!tpu.dma_semaphore, #tpu.memory_space<semaphore_mem>>) src(%dma_wait3A_325 : memref<128x16xf32, #tpu.memory_space<vmem>>) dst(%dma_wait3A_331 : memref<100096x16xf32, #tpu.memory_space<vmem_shared>>)
        %dma_wait3A_332 = arith.constant 1 : i32
        %dma_wait3A_333 = arith.constant 128 : i32
        %dma_wait3A_334 = arith.constant 0 : i32
        %dma_wait3A_335 = tpu.memref_slice %arg8[%dma_wait3A_333, %dma_wait3A_334] : memref<512x16xf32, #tpu.memory_space<vmem>> -> memref<128x16xf32, #tpu.memory_space<vmem>>
        %dma_wait3A_336 = arith.constant 0 : i32
        %dma_wait3A_337 = tpu.memref_slice %arg7[%dma_wait3A_332, %dma_wait3A_336] : memref<112x128xi32, #tpu.memory_space<vmem>> -> memref<1x128xi32, #tpu.memory_space<vmem>>
        %dma_wait3A_338 = tpu.memref_squeeze %dma_wait3A_337 : memref<1x128xi32, #tpu.memory_space<vmem>> -> memref<128xi32, #tpu.memory_space<vmem>>
        %dma_wait3A_339 = arith.constant 0 : i32
        %dma_wait3A_340 = arith.constant 0 : i32
        %dma_wait3A_341 = tpu.memref_slice %arg6[%dma_wait3A_339, %dma_wait3A_340] : memref<100096x16xf32, #tpu.memory_space<vmem_shared>> -> memref<100096x16xf32, #tpu.memory_space<vmem_shared>>
        tpu.wait_indirect_dma semaphore(%arg10 : memref<!tpu.dma_semaphore, #tpu.memory_space<semaphore_mem>>) src(%dma_wait3A_335 : memref<128x16xf32, #tpu.memory_space<vmem>>) dst(%dma_wait3A_341 : memref<100096x16xf32, #tpu.memory_space<vmem_shared>>)
        %dma_wait3A_342 = arith.constant 1 : i32
        %dma_wait3A_343 = arith.constant 256 : i32
        %dma_wait3A_344 = arith.constant 0 : i32
        %dma_wait3A_345 = tpu.memref_slice %arg8[%dma_wait3A_343, %dma_wait3A_344] : memref<512x16xf32, #tpu.memory_space<vmem>> -> memref<128x16xf32, #tpu.memory_space<vmem>>
        %dma_wait3A_346 = arith.constant 0 : i32
        %dma_wait3A_347 = tpu.memref_slice %arg7[%dma_wait3A_342, %dma_wait3A_346] : memref<112x128xi32, #tpu.memory_space<vmem>> -> memref<1x128xi32, #tpu.memory_space<vmem>>
        %dma_wait3A_348 = tpu.memref_squeeze %dma_wait3A_347 : memref<1x128xi32, #tpu.memory_space<vmem>> -> memref<128xi32, #tpu.memory_space<vmem>>
        %dma_wait3A_349 = arith.constant 0 : i32
        %dma_wait3A_350 = arith.constant 0 : i32
        %dma_wait3A_351 = tpu.memref_slice %arg6[%dma_wait3A_349, %dma_wait3A_350] : memref<100096x16xf32, #tpu.memory_space<vmem_shared>> -> memref<100096x16xf32, #tpu.memory_space<vmem_shared>>
        tpu.wait_indirect_dma semaphore(%arg10 : memref<!tpu.dma_semaphore, #tpu.memory_space<semaphore_mem>>) src(%dma_wait3A_345 : memref<128x16xf32, #tpu.memory_space<vmem>>) dst(%dma_wait3A_351 : memref<100096x16xf32, #tpu.memory_space<vmem_shared>>)
        %dma_wait3A_352 = arith.constant 1 : i32
        %dma_wait3A_353 = arith.constant 384 : i32
        %dma_wait3A_354 = arith.constant 0 : i32
        %dma_wait3A_355 = tpu.memref_slice %arg8[%dma_wait3A_353, %dma_wait3A_354] : memref<512x16xf32, #tpu.memory_space<vmem>> -> memref<128x16xf32, #tpu.memory_space<vmem>>
        %dma_wait3A_356 = arith.constant 0 : i32
        %dma_wait3A_357 = tpu.memref_slice %arg7[%dma_wait3A_352, %dma_wait3A_356] : memref<112x128xi32, #tpu.memory_space<vmem>> -> memref<1x128xi32, #tpu.memory_space<vmem>>
        %dma_wait3A_358 = tpu.memref_squeeze %dma_wait3A_357 : memref<1x128xi32, #tpu.memory_space<vmem>> -> memref<128xi32, #tpu.memory_space<vmem>>
        %dma_wait3A_359 = arith.constant 0 : i32
        %dma_wait3A_360 = arith.constant 0 : i32
        %dma_wait3A_361 = tpu.memref_slice %arg6[%dma_wait3A_359, %dma_wait3A_360] : memref<100096x16xf32, #tpu.memory_space<vmem_shared>> -> memref<100096x16xf32, #tpu.memory_space<vmem_shared>>
        tpu.wait_indirect_dma semaphore(%arg10 : memref<!tpu.dma_semaphore, #tpu.memory_space<semaphore_mem>>) src(%dma_wait3A_355 : memref<128x16xf32, #tpu.memory_space<vmem>>) dst(%dma_wait3A_361 : memref<100096x16xf32, #tpu.memory_space<vmem_shared>>)
        %lt3A = arith.constant 6 : i32
        %lt3A_362 = arith.cmpi slt, %scan3A_102, %lt3A : i32
        %convert_element_type3A = arith.extui %lt3A_362 : i1 to i32
        %cond3A = arith.constant 0 : i32
        %cond3A_363 = arith.cmpi ne, %convert_element_type3A, %cond3A : i32
        scf.if %cond3A_363 {
          %add3A_409 = arith.constant 2 : i32
          %add3A_410 = arith.addi %mul3A_104, %add3A_409 : i32
          %mul3A_411 = arith.constant 4 : i32
          %mul3A_412 = arith.muli %add3A_410, %mul3A_411 : i32
          %add3A_413 = arith.constant 0 : i32
          %add3A_414 = arith.addi %mul3A_412, %add3A_413 : i32
          %mul3A_415 = arith.constant 2 : i32
          %mul3A_416 = arith.muli %mul3A_415, %add3A_414 : i32
          %dma_start3A_417 = arith.constant 0 : i32
          %dma_start3A_418 = arith.constant 0 : i32
          %dma_start3A_419 = tpu.memref_slice %arg8[%dma_start3A_417, %dma_start3A_418] : memref<512x16xf32, #tpu.memory_space<vmem>> -> memref<128x16xf32, #tpu.memory_space<vmem>>
          %dma_start3A_420 = arith.constant 0 : i32
          %dma_start3A_421 = tpu.memref_slice %arg7[%mul3A_416, %dma_start3A_420] : memref<112x128xi32, #tpu.memory_space<vmem>> -> memref<1x128xi32, #tpu.memory_space<vmem>>
          %dma_start3A_422 = tpu.memref_squeeze %dma_start3A_421 : memref<1x128xi32, #tpu.memory_space<vmem>> -> memref<128xi32, #tpu.memory_space<vmem>>
          %dma_start3A_423 = arith.constant 0 : i32
          %dma_start3A_424 = arith.constant 0 : i32
          %dma_start3A_425 = tpu.memref_slice %arg2[%dma_start3A_423, %dma_start3A_424] : memref<100000x16xf32, #tpu.memory_space<hbm>> -> memref<100000x16xf32, #tpu.memory_space<hbm>>
          tpu.enqueue_indirect_dma source(%dma_start3A_425 : memref<100000x16xf32, #tpu.memory_space<hbm>>) target(%dma_start3A_419 : memref<128x16xf32, #tpu.memory_space<vmem>>) offsets(%dma_start3A_422 : memref<128xi32, #tpu.memory_space<vmem>>) semaphore(%arg9 : memref<!tpu.dma_semaphore, #tpu.memory_space<semaphore_mem>>)
          %mul3A_426 = arith.constant 4 : i32
          %mul3A_427 = arith.muli %add3A_410, %mul3A_426 : i32
          %add3A_428 = arith.constant 1 : i32
          %add3A_429 = arith.addi %mul3A_427, %add3A_428 : i32
          %mul3A_430 = arith.constant 2 : i32
          %mul3A_431 = arith.muli %mul3A_430, %add3A_429 : i32
          %dma_start3A_432 = arith.constant 128 : i32
          %dma_start3A_433 = arith.constant 0 : i32
          %dma_start3A_434 = tpu.memref_slice %arg8[%dma_start3A_432, %dma_start3A_433] : memref<512x16xf32, #tpu.memory_space<vmem>> -> memref<128x16xf32, #tpu.memory_space<vmem>>
          %dma_start3A_435 = arith.constant 0 : i32
          %dma_start3A_436 = tpu.memref_slice %arg7[%mul3A_431, %dma_start3A_435] : memref<112x128xi32, #tpu.memory_space<vmem>> -> memref<1x128xi32, #tpu.memory_space<vmem>>
          %dma_start3A_437 = tpu.memref_squeeze %dma_start3A_436 : memref<1x128xi32, #tpu.memory_space<vmem>> -> memref<128xi32, #tpu.memory_space<vmem>>
          %dma_start3A_438 = arith.constant 0 : i32
          %dma_start3A_439 = arith.constant 0 : i32
          %dma_start3A_440 = tpu.memref_slice %arg2[%dma_start3A_438, %dma_start3A_439] : memref<100000x16xf32, #tpu.memory_space<hbm>> -> memref<100000x16xf32, #tpu.memory_space<hbm>>
          tpu.enqueue_indirect_dma source(%dma_start3A_440 : memref<100000x16xf32, #tpu.memory_space<hbm>>) target(%dma_start3A_434 : memref<128x16xf32, #tpu.memory_space<vmem>>) offsets(%dma_start3A_437 : memref<128xi32, #tpu.memory_space<vmem>>) semaphore(%arg9 : memref<!tpu.dma_semaphore, #tpu.memory_space<semaphore_mem>>)
          %mul3A_441 = arith.constant 4 : i32
          %mul3A_442 = arith.muli %add3A_410, %mul3A_441 : i32
          %add3A_443 = arith.constant 2 : i32
          %add3A_444 = arith.addi %mul3A_442, %add3A_443 : i32
          %mul3A_445 = arith.constant 2 : i32
          %mul3A_446 = arith.muli %mul3A_445, %add3A_444 : i32
          %dma_start3A_447 = arith.constant 256 : i32
          %dma_start3A_448 = arith.constant 0 : i32
          %dma_start3A_449 = tpu.memref_slice %arg8[%dma_start3A_447, %dma_start3A_448] : memref<512x16xf32, #tpu.memory_space<vmem>> -> memref<128x16xf32, #tpu.memory_space<vmem>>
          %dma_start3A_450 = arith.constant 0 : i32
          %dma_start3A_451 = tpu.memref_slice %arg7[%mul3A_446, %dma_start3A_450] : memref<112x128xi32, #tpu.memory_space<vmem>> -> memref<1x128xi32, #tpu.memory_space<vmem>>
          %dma_start3A_452 = tpu.memref_squeeze %dma_start3A_451 : memref<1x128xi32, #tpu.memory_space<vmem>> -> memref<128xi32, #tpu.memory_space<vmem>>
          %dma_start3A_453 = arith.constant 0 : i32
          %dma_start3A_454 = arith.constant 0 : i32
          %dma_start3A_455 = tpu.memref_slice %arg2[%dma_start3A_453, %dma_start3A_454] : memref<100000x16xf32, #tpu.memory_space<hbm>> -> memref<100000x16xf32, #tpu.memory_space<hbm>>
          tpu.enqueue_indirect_dma source(%dma_start3A_455 : memref<100000x16xf32, #tpu.memory_space<hbm>>) target(%dma_start3A_449 : memref<128x16xf32, #tpu.memory_space<vmem>>) offsets(%dma_start3A_452 : memref<128xi32, #tpu.memory_space<vmem>>) semaphore(%arg9 : memref<!tpu.dma_semaphore, #tpu.memory_space<semaphore_mem>>)
          %mul3A_456 = arith.constant 4 : i32
          %mul3A_457 = arith.muli %add3A_410, %mul3A_456 : i32
          %add3A_458 = arith.constant 3 : i32
          %add3A_459 = arith.addi %mul3A_457, %add3A_458 : i32
          %mul3A_460 = arith.constant 2 : i32
          %mul3A_461 = arith.muli %mul3A_460, %add3A_459 : i32
          %dma_start3A_462 = arith.constant 384 : i32
          %dma_start3A_463 = arith.constant 0 : i32
          %dma_start3A_464 = tpu.memref_slice %arg8[%dma_start3A_462, %dma_start3A_463] : memref<512x16xf32, #tpu.memory_space<vmem>> -> memref<128x16xf32, #tpu.memory_space<vmem>>
          %dma_start3A_465 = arith.constant 0 : i32
          %dma_start3A_466 = tpu.memref_slice %arg7[%mul3A_461, %dma_start3A_465] : memref<112x128xi32, #tpu.memory_space<vmem>> -> memref<1x128xi32, #tpu.memory_space<vmem>>
          %dma_start3A_467 = tpu.memref_squeeze %dma_start3A_466 : memref<1x128xi32, #tpu.memory_space<vmem>> -> memref<128xi32, #tpu.memory_space<vmem>>
          %dma_start3A_468 = arith.constant 0 : i32
          %dma_start3A_469 = arith.constant 0 : i32
          %dma_start3A_470 = tpu.memref_slice %arg2[%dma_start3A_468, %dma_start3A_469] : memref<100000x16xf32, #tpu.memory_space<hbm>> -> memref<100000x16xf32, #tpu.memory_space<hbm>>
          tpu.enqueue_indirect_dma source(%dma_start3A_470 : memref<100000x16xf32, #tpu.memory_space<hbm>>) target(%dma_start3A_464 : memref<128x16xf32, #tpu.memory_space<vmem>>) offsets(%dma_start3A_467 : memref<128xi32, #tpu.memory_space<vmem>>) semaphore(%arg9 : memref<!tpu.dma_semaphore, #tpu.memory_space<semaphore_mem>>)
        } else {
        }
        %dma_wait3A_364 = arith.constant 1 : i32
        %dma_wait3A_365 = arith.constant 0 : i32
        %dma_wait3A_366 = arith.constant 0 : i32
        %dma_wait3A_367 = tpu.memref_slice %arg11[%dma_wait3A_365, %dma_wait3A_366] : memref<512x16xf32, #tpu.memory_space<vmem>> -> memref<128x16xf32, #tpu.memory_space<vmem>>
        %dma_wait3A_368 = arith.constant 0 : i32
        %dma_wait3A_369 = tpu.memref_slice %arg7[%dma_wait3A_364, %dma_wait3A_368] : memref<112x128xi32, #tpu.memory_space<vmem>> -> memref<1x128xi32, #tpu.memory_space<vmem>>
        %dma_wait3A_370 = tpu.memref_squeeze %dma_wait3A_369 : memref<1x128xi32, #tpu.memory_space<vmem>> -> memref<128xi32, #tpu.memory_space<vmem>>
        %dma_wait3A_371 = arith.constant 0 : i32
        %dma_wait3A_372 = arith.constant 0 : i32
        %dma_wait3A_373 = tpu.memref_slice %arg6[%dma_wait3A_371, %dma_wait3A_372] : memref<100096x16xf32, #tpu.memory_space<vmem_shared>> -> memref<100096x16xf32, #tpu.memory_space<vmem_shared>>
        tpu.wait_indirect_dma semaphore(%arg13 : memref<!tpu.dma_semaphore, #tpu.memory_space<semaphore_mem>>) src(%dma_wait3A_367 : memref<128x16xf32, #tpu.memory_space<vmem>>) dst(%dma_wait3A_373 : memref<100096x16xf32, #tpu.memory_space<vmem_shared>>)
        %dma_wait3A_374 = arith.constant 1 : i32
        %dma_wait3A_375 = arith.constant 128 : i32
        %dma_wait3A_376 = arith.constant 0 : i32
        %dma_wait3A_377 = tpu.memref_slice %arg11[%dma_wait3A_375, %dma_wait3A_376] : memref<512x16xf32, #tpu.memory_space<vmem>> -> memref<128x16xf32, #tpu.memory_space<vmem>>
        %dma_wait3A_378 = arith.constant 0 : i32
        %dma_wait3A_379 = tpu.memref_slice %arg7[%dma_wait3A_374, %dma_wait3A_378] : memref<112x128xi32, #tpu.memory_space<vmem>> -> memref<1x128xi32, #tpu.memory_space<vmem>>
        %dma_wait3A_380 = tpu.memref_squeeze %dma_wait3A_379 : memref<1x128xi32, #tpu.memory_space<vmem>> -> memref<128xi32, #tpu.memory_space<vmem>>
        %dma_wait3A_381 = arith.constant 0 : i32
        %dma_wait3A_382 = arith.constant 0 : i32
        %dma_wait3A_383 = tpu.memref_slice %arg6[%dma_wait3A_381, %dma_wait3A_382] : memref<100096x16xf32, #tpu.memory_space<vmem_shared>> -> memref<100096x16xf32, #tpu.memory_space<vmem_shared>>
        tpu.wait_indirect_dma semaphore(%arg13 : memref<!tpu.dma_semaphore, #tpu.memory_space<semaphore_mem>>) src(%dma_wait3A_377 : memref<128x16xf32, #tpu.memory_space<vmem>>) dst(%dma_wait3A_383 : memref<100096x16xf32, #tpu.memory_space<vmem_shared>>)
        %dma_wait3A_384 = arith.constant 1 : i32
        %dma_wait3A_385 = arith.constant 256 : i32
        %dma_wait3A_386 = arith.constant 0 : i32
        %dma_wait3A_387 = tpu.memref_slice %arg11[%dma_wait3A_385, %dma_wait3A_386] : memref<512x16xf32, #tpu.memory_space<vmem>> -> memref<128x16xf32, #tpu.memory_space<vmem>>
        %dma_wait3A_388 = arith.constant 0 : i32
        %dma_wait3A_389 = tpu.memref_slice %arg7[%dma_wait3A_384, %dma_wait3A_388] : memref<112x128xi32, #tpu.memory_space<vmem>> -> memref<1x128xi32, #tpu.memory_space<vmem>>
        %dma_wait3A_390 = tpu.memref_squeeze %dma_wait3A_389 : memref<1x128xi32, #tpu.memory_space<vmem>> -> memref<128xi32, #tpu.memory_space<vmem>>
        %dma_wait3A_391 = arith.constant 0 : i32
        %dma_wait3A_392 = arith.constant 0 : i32
        %dma_wait3A_393 = tpu.memref_slice %arg6[%dma_wait3A_391, %dma_wait3A_392] : memref<100096x16xf32, #tpu.memory_space<vmem_shared>> -> memref<100096x16xf32, #tpu.memory_space<vmem_shared>>
        tpu.wait_indirect_dma semaphore(%arg13 : memref<!tpu.dma_semaphore, #tpu.memory_space<semaphore_mem>>) src(%dma_wait3A_387 : memref<128x16xf32, #tpu.memory_space<vmem>>) dst(%dma_wait3A_393 : memref<100096x16xf32, #tpu.memory_space<vmem_shared>>)
        %dma_wait3A_394 = arith.constant 1 : i32
        %dma_wait3A_395 = arith.constant 384 : i32
        %dma_wait3A_396 = arith.constant 0 : i32
        %dma_wait3A_397 = tpu.memref_slice %arg11[%dma_wait3A_395, %dma_wait3A_396] : memref<512x16xf32, #tpu.memory_space<vmem>> -> memref<128x16xf32, #tpu.memory_space<vmem>>
        %dma_wait3A_398 = arith.constant 0 : i32
        %dma_wait3A_399 = tpu.memref_slice %arg7[%dma_wait3A_394, %dma_wait3A_398] : memref<112x128xi32, #tpu.memory_space<vmem>> -> memref<1x128xi32, #tpu.memory_space<vmem>>
        %dma_wait3A_400 = tpu.memref_squeeze %dma_wait3A_399 : memref<1x128xi32, #tpu.memory_space<vmem>> -> memref<128xi32, #tpu.memory_space<vmem>>
        %dma_wait3A_401 = arith.constant 0 : i32
        %dma_wait3A_402 = arith.constant 0 : i32
        %dma_wait3A_403 = tpu.memref_slice %arg6[%dma_wait3A_401, %dma_wait3A_402] : memref<100096x16xf32, #tpu.memory_space<vmem_shared>> -> memref<100096x16xf32, #tpu.memory_space<vmem_shared>>
        tpu.wait_indirect_dma semaphore(%arg13 : memref<!tpu.dma_semaphore, #tpu.memory_space<semaphore_mem>>) src(%dma_wait3A_397 : memref<128x16xf32, #tpu.memory_space<vmem>>) dst(%dma_wait3A_403 : memref<100096x16xf32, #tpu.memory_space<vmem_shared>>)
        %lt3A_404 = arith.constant 6 : i32
        %lt3A_405 = arith.cmpi slt, %scan3A_102, %lt3A_404 : i32
        %convert_element_type3A_406 = arith.extui %lt3A_405 : i1 to i32
        %cond3A_407 = arith.constant 0 : i32
        %cond3A_408 = arith.cmpi ne, %convert_element_type3A_406, %cond3A_407 : i32
        scf.if %cond3A_408 {
          %add3A_409 = arith.constant 3 : i32
          %add3A_410 = arith.addi %mul3A_104, %add3A_409 : i32
          %mul3A_411 = arith.constant 4 : i32
          %mul3A_412 = arith.muli %add3A_410, %mul3A_411 : i32
          %add3A_413 = arith.constant 0 : i32
          %add3A_414 = arith.addi %mul3A_412, %add3A_413 : i32
          %mul3A_415 = arith.constant 2 : i32
          %mul3A_416 = arith.muli %mul3A_415, %add3A_414 : i32
          %dma_start3A_417 = arith.constant 0 : i32
          %dma_start3A_418 = arith.constant 0 : i32
          %dma_start3A_419 = tpu.memref_slice %arg11[%dma_start3A_417, %dma_start3A_418] : memref<512x16xf32, #tpu.memory_space<vmem>> -> memref<128x16xf32, #tpu.memory_space<vmem>>
          %dma_start3A_420 = arith.constant 0 : i32
          %dma_start3A_421 = tpu.memref_slice %arg7[%mul3A_416, %dma_start3A_420] : memref<112x128xi32, #tpu.memory_space<vmem>> -> memref<1x128xi32, #tpu.memory_space<vmem>>
          %dma_start3A_422 = tpu.memref_squeeze %dma_start3A_421 : memref<1x128xi32, #tpu.memory_space<vmem>> -> memref<128xi32, #tpu.memory_space<vmem>>
          %dma_start3A_423 = arith.constant 0 : i32
          %dma_start3A_424 = arith.constant 0 : i32
          %dma_start3A_425 = tpu.memref_slice %arg2[%dma_start3A_423, %dma_start3A_424] : memref<100000x16xf32, #tpu.memory_space<hbm>> -> memref<100000x16xf32, #tpu.memory_space<hbm>>
          tpu.enqueue_indirect_dma source(%dma_start3A_425 : memref<100000x16xf32, #tpu.memory_space<hbm>>) target(%dma_start3A_419 : memref<128x16xf32, #tpu.memory_space<vmem>>) offsets(%dma_start3A_422 : memref<128xi32, #tpu.memory_space<vmem>>) semaphore(%arg12 : memref<!tpu.dma_semaphore, #tpu.memory_space<semaphore_mem>>)
          %mul3A_426 = arith.constant 4 : i32
          %mul3A_427 = arith.muli %add3A_410, %mul3A_426 : i32
          %add3A_428 = arith.constant 1 : i32
          %add3A_429 = arith.addi %mul3A_427, %add3A_428 : i32
          %mul3A_430 = arith.constant 2 : i32
          %mul3A_431 = arith.muli %mul3A_430, %add3A_429 : i32
          %dma_start3A_432 = arith.constant 128 : i32
          %dma_start3A_433 = arith.constant 0 : i32
          %dma_start3A_434 = tpu.memref_slice %arg11[%dma_start3A_432, %dma_start3A_433] : memref<512x16xf32, #tpu.memory_space<vmem>> -> memref<128x16xf32, #tpu.memory_space<vmem>>
          %dma_start3A_435 = arith.constant 0 : i32
          %dma_start3A_436 = tpu.memref_slice %arg7[%mul3A_431, %dma_start3A_435] : memref<112x128xi32, #tpu.memory_space<vmem>> -> memref<1x128xi32, #tpu.memory_space<vmem>>
          %dma_start3A_437 = tpu.memref_squeeze %dma_start3A_436 : memref<1x128xi32, #tpu.memory_space<vmem>> -> memref<128xi32, #tpu.memory_space<vmem>>
          %dma_start3A_438 = arith.constant 0 : i32
          %dma_start3A_439 = arith.constant 0 : i32
          %dma_start3A_440 = tpu.memref_slice %arg2[%dma_start3A_438, %dma_start3A_439] : memref<100000x16xf32, #tpu.memory_space<hbm>> -> memref<100000x16xf32, #tpu.memory_space<hbm>>
          tpu.enqueue_indirect_dma source(%dma_start3A_440 : memref<100000x16xf32, #tpu.memory_space<hbm>>) target(%dma_start3A_434 : memref<128x16xf32, #tpu.memory_space<vmem>>) offsets(%dma_start3A_437 : memref<128xi32, #tpu.memory_space<vmem>>) semaphore(%arg12 : memref<!tpu.dma_semaphore, #tpu.memory_space<semaphore_mem>>)
          %mul3A_441 = arith.constant 4 : i32
          %mul3A_442 = arith.muli %add3A_410, %mul3A_441 : i32
          %add3A_443 = arith.constant 2 : i32
          %add3A_444 = arith.addi %mul3A_442, %add3A_443 : i32
          %mul3A_445 = arith.constant 2 : i32
          %mul3A_446 = arith.muli %mul3A_445, %add3A_444 : i32
          %dma_start3A_447 = arith.constant 256 : i32
          %dma_start3A_448 = arith.constant 0 : i32
          %dma_start3A_449 = tpu.memref_slice %arg11[%dma_start3A_447, %dma_start3A_448] : memref<512x16xf32, #tpu.memory_space<vmem>> -> memref<128x16xf32, #tpu.memory_space<vmem>>
          %dma_start3A_450 = arith.constant 0 : i32
          %dma_start3A_451 = tpu.memref_slice %arg7[%mul3A_446, %dma_start3A_450] : memref<112x128xi32, #tpu.memory_space<vmem>> -> memref<1x128xi32, #tpu.memory_space<vmem>>
          %dma_start3A_452 = tpu.memref_squeeze %dma_start3A_451 : memref<1x128xi32, #tpu.memory_space<vmem>> -> memref<128xi32, #tpu.memory_space<vmem>>
          %dma_start3A_453 = arith.constant 0 : i32
          %dma_start3A_454 = arith.constant 0 : i32
          %dma_start3A_455 = tpu.memref_slice %arg2[%dma_start3A_453, %dma_start3A_454] : memref<100000x16xf32, #tpu.memory_space<hbm>> -> memref<100000x16xf32, #tpu.memory_space<hbm>>
          tpu.enqueue_indirect_dma source(%dma_start3A_455 : memref<100000x16xf32, #tpu.memory_space<hbm>>) target(%dma_start3A_449 : memref<128x16xf32, #tpu.memory_space<vmem>>) offsets(%dma_start3A_452 : memref<128xi32, #tpu.memory_space<vmem>>) semaphore(%arg12 : memref<!tpu.dma_semaphore, #tpu.memory_space<semaphore_mem>>)
          %mul3A_456 = arith.constant 4 : i32
          %mul3A_457 = arith.muli %add3A_410, %mul3A_456 : i32
          %add3A_458 = arith.constant 3 : i32
          %add3A_459 = arith.addi %mul3A_457, %add3A_458 : i32
          %mul3A_460 = arith.constant 2 : i32
          %mul3A_461 = arith.muli %mul3A_460, %add3A_459 : i32
          %dma_start3A_462 = arith.constant 384 : i32
          %dma_start3A_463 = arith.constant 0 : i32
          %dma_start3A_464 = tpu.memref_slice %arg11[%dma_start3A_462, %dma_start3A_463] : memref<512x16xf32, #tpu.memory_space<vmem>> -> memref<128x16xf32, #tpu.memory_space<vmem>>
          %dma_start3A_465 = arith.constant 0 : i32
          %dma_start3A_466 = tpu.memref_slice %arg7[%mul3A_461, %dma_start3A_465] : memref<112x128xi32, #tpu.memory_space<vmem>> -> memref<1x128xi32, #tpu.memory_space<vmem>>
          %dma_start3A_467 = tpu.memref_squeeze %dma_start3A_466 : memref<1x128xi32, #tpu.memory_space<vmem>> -> memref<128xi32, #tpu.memory_space<vmem>>
          %dma_start3A_468 = arith.constant 0 : i32
          %dma_start3A_469 = arith.constant 0 : i32
          %dma_start3A_470 = tpu.memref_slice %arg2[%dma_start3A_468, %dma_start3A_469] : memref<100000x16xf32, #tpu.memory_space<hbm>> -> memref<100000x16xf32, #tpu.memory_space<hbm>>
          tpu.enqueue_indirect_dma source(%dma_start3A_470 : memref<100000x16xf32, #tpu.memory_space<hbm>>) target(%dma_start3A_464 : memref<128x16xf32, #tpu.memory_space<vmem>>) offsets(%dma_start3A_467 : memref<128xi32, #tpu.memory_space<vmem>>) semaphore(%arg12 : memref<!tpu.dma_semaphore, #tpu.memory_space<semaphore_mem>>)
        } else {
        }
      }
      %scan3A_101 = arith.constant 7 : i32
    }
    %scan3A_9 = arith.constant 14 : i32
    %barrier3A_10 = arith.constant 0 : index
    tpu.barrier barrier_id(%barrier3A_10)
    "tpu.region"() ({
      %run_scoped3A = tpu.sem_alloc : memref<!tpu.dma_semaphore, #tpu.memory_space<semaphore_mem>>
      %dma_start3A = arith.constant 0 : i32
      %dma_start3A_11 = tpu.memref_slice %arg5[%arg0, %mul3A_2, %dma_start3A] : memref<2x100096x16xf32, #tpu.memory_space<hbm>> -> memref<1x6256x16xf32, #tpu.memory_space<hbm>>
      %dma_start3A_12 = tpu.memref_squeeze %dma_start3A_11 : memref<1x6256x16xf32, #tpu.memory_space<hbm>> -> memref<6256x16xf32, #tpu.memory_space<hbm>>
      %dma_start3A_13 = arith.constant 0 : i32
      %dma_start3A_14 = tpu.memref_slice %arg6[%mul3A_2, %dma_start3A_13] : memref<100096x16xf32, #tpu.memory_space<vmem_shared>> -> memref<6256x16xf32, #tpu.memory_space<vmem_shared>>
      tpu.enqueue_dma source(%dma_start3A_14 : memref<6256x16xf32, #tpu.memory_space<vmem_shared>>) target(%dma_start3A_12 : memref<6256x16xf32, #tpu.memory_space<hbm>>) target_semaphore(%run_scoped3A : memref<!tpu.dma_semaphore, #tpu.memory_space<semaphore_mem>>)
      %dma_wait3A = arith.constant 0 : i32
      %dma_wait3A_15 = tpu.memref_slice %arg5[%arg0, %mul3A_2, %dma_wait3A] : memref<2x100096x16xf32, #tpu.memory_space<hbm>> -> memref<1x6256x16xf32, #tpu.memory_space<hbm>>
      %dma_wait3A_16 = tpu.memref_squeeze %dma_wait3A_15 : memref<1x6256x16xf32, #tpu.memory_space<hbm>> -> memref<6256x16xf32, #tpu.memory_space<hbm>>
      %dma_wait3A_17 = arith.constant 0 : i32
      %dma_wait3A_18 = tpu.memref_slice %arg6[%mul3A_2, %dma_wait3A_17] : memref<100096x16xf32, #tpu.memory_space<vmem_shared>> -> memref<6256x16xf32, #tpu.memory_space<vmem_shared>>
      tpu.wait_dma2 semaphore(%run_scoped3A : memref<!tpu.dma_semaphore, #tpu.memory_space<semaphore_mem>>) src(%dma_wait3A_18 : memref<6256x16xf32, #tpu.memory_space<vmem_shared>>) dst(%dma_wait3A_16 : memref<6256x16xf32, #tpu.memory_space<hbm>>)
      tpu.yield
    }) : () -> ()
    return
  }
}

#map = affine_map<(d0, d1) -> (0, 0)>
#map1 = affine_map<(d0, d1) -> (0, 0, 0)>
module attributes {stable_mosaic.version = 14 : i64} {
  func.func @_deg_body(%arg0: i32, %arg1: i32, %arg2: memref<25088x128xi32, #tpu.memory_space<hbm>>, %arg3: memref<100096x16xf32, #tpu.memory_space<hbm>>, %arg4: memref<128x16xf32, #tpu.memory_space<hbm>>, %arg5: memref<2x100096x16xf32, #tpu.memory_space<hbm>>, %arg6: memref<100096x16xf32, #tpu.memory_space<vmem_shared>>, %arg7: memref<112x128xi32, #tpu.memory_space<vmem>>, %arg8: memref<128x16xf32, #tpu.memory_space<vmem>>, %arg9: memref<!tpu.dma_semaphore, #tpu.memory_space<semaphore_mem>>) attributes {dimension_semantics = [#tpu.dimension_semantics<core_parallel>, #tpu.dimension_semantics<subcore_parallel>], iteration_bounds = array<i64: 2, 16>, scalar_prefetch = 0 : i64, scratch_operands = 4 : i64, tpu.core_type = #tpu.core_type<sc_vector_subcore>, window_params = [{transform_indices = #map}, {transform_indices = #map}, {transform_indices = #map}, {transform_indices = #map1}]} {
    %mul3A = arith.constant 16 : i32
    %mul3A_0 = arith.muli %arg0, %mul3A : i32
    %add3A = arith.addi %mul3A_0, %arg1 : i32
    %mul3A_1 = arith.constant 6256 : i32
    %mul3A_2 = arith.muli %arg1, %mul3A_1 : i32
    "tpu.region"() ({
      %run_scoped3A = tpu.sem_alloc : memref<!tpu.dma_semaphore, #tpu.memory_space<semaphore_mem>>
      %dma_start3A = arith.constant 0 : i32
      %dma_start3A_11 = tpu.memref_slice %arg6[%mul3A_2, %dma_start3A] : memref<100096x16xf32, #tpu.memory_space<vmem_shared>> -> memref<6256x16xf32, #tpu.memory_space<vmem_shared>>
      %dma_start3A_12 = arith.constant 0 : i32
      %dma_start3A_13 = tpu.memref_slice %arg3[%mul3A_2, %dma_start3A_12] : memref<100096x16xf32, #tpu.memory_space<hbm>> -> memref<6256x16xf32, #tpu.memory_space<hbm>>
      tpu.enqueue_dma source(%dma_start3A_13 : memref<6256x16xf32, #tpu.memory_space<hbm>>) target(%dma_start3A_11 : memref<6256x16xf32, #tpu.memory_space<vmem_shared>>) target_semaphore(%run_scoped3A : memref<!tpu.dma_semaphore, #tpu.memory_space<semaphore_mem>>)
      %dma_wait3A = arith.constant 0 : i32
      %dma_wait3A_14 = tpu.memref_slice %arg6[%mul3A_2, %dma_wait3A] : memref<100096x16xf32, #tpu.memory_space<vmem_shared>> -> memref<6256x16xf32, #tpu.memory_space<vmem_shared>>
      %dma_wait3A_15 = arith.constant 0 : i32
      %dma_wait3A_16 = tpu.memref_slice %arg3[%mul3A_2, %dma_wait3A_15] : memref<100096x16xf32, #tpu.memory_space<hbm>> -> memref<6256x16xf32, #tpu.memory_space<hbm>>
      tpu.wait_dma2 semaphore(%run_scoped3A : memref<!tpu.dma_semaphore, #tpu.memory_space<semaphore_mem>>) src(%dma_wait3A_16 : memref<6256x16xf32, #tpu.memory_space<hbm>>) dst(%dma_wait3A_14 : memref<6256x16xf32, #tpu.memory_space<vmem_shared>>)
      tpu.yield
    }) : () -> ()
    "tpu.region"() ({
      %run_scoped3A = tpu.sem_alloc : memref<!tpu.dma_semaphore, #tpu.memory_space<semaphore_mem>>
      tpu.enqueue_dma source(%arg4 : memref<128x16xf32, #tpu.memory_space<hbm>>) target(%arg8 : memref<128x16xf32, #tpu.memory_space<vmem>>) target_semaphore(%run_scoped3A : memref<!tpu.dma_semaphore, #tpu.memory_space<semaphore_mem>>)
      tpu.wait_dma2 semaphore(%run_scoped3A : memref<!tpu.dma_semaphore, #tpu.memory_space<semaphore_mem>>) src(%arg4 : memref<128x16xf32, #tpu.memory_space<hbm>>) dst(%arg8 : memref<128x16xf32, #tpu.memory_space<vmem>>)
      tpu.yield
    }) : () -> ()
    %barrier3A = arith.constant 0 : index
    tpu.barrier barrier_id(%barrier3A)
    %mul3A_3 = arith.constant 784 : i32
    %mul3A_4 = arith.muli %add3A, %mul3A_3 : i32
    %scan3A = arith.constant 0 : i32
    %scan3A_5 = arith.constant 0 : i32
    %scan3A_6 = arith.constant 7 : i32
    %scan3A_7 = arith.addi %scan3A_5, %scan3A_6 : i32
    %scan3A_8 = arith.constant 1 : i32
    scf.for %scan3A_11 = %scan3A_5 to %scan3A_7 step %scan3A_8  : i32 {
      %mul3A_12 = arith.constant 112 : i32
      %mul3A_13 = arith.muli %scan3A_11, %mul3A_12 : i32
      %add3A_14 = arith.addi %mul3A_4, %mul3A_13 : i32
      "tpu.region"() ({
        %run_scoped3A = tpu.sem_alloc : memref<!tpu.dma_semaphore, #tpu.memory_space<semaphore_mem>>
        %dma_start3A = arith.constant 0 : i32
        %dma_start3A_48 = tpu.memref_slice %arg2[%add3A_14, %dma_start3A] : memref<25088x128xi32, #tpu.memory_space<hbm>> -> memref<112x128xi32, #tpu.memory_space<hbm>>
        %dma_start3A_49 = arith.constant 0 : i32
        %dma_start3A_50 = tpu.memref_slice %arg2[%add3A_14, %dma_start3A_49] : memref<25088x128xi32, #tpu.memory_space<hbm>> -> memref<112x128xi32, #tpu.memory_space<hbm>>
        tpu.enqueue_dma source(%dma_start3A_50 : memref<112x128xi32, #tpu.memory_space<hbm>>) target(%arg7 : memref<112x128xi32, #tpu.memory_space<vmem>>) target_semaphore(%run_scoped3A : memref<!tpu.dma_semaphore, #tpu.memory_space<semaphore_mem>>)
        %dma_wait3A_51 = arith.constant 0 : i32
        %dma_wait3A_52 = tpu.memref_slice %arg2[%add3A_14, %dma_wait3A_51] : memref<25088x128xi32, #tpu.memory_space<hbm>> -> memref<112x128xi32, #tpu.memory_space<hbm>>
        %dma_wait3A_53 = arith.constant 0 : i32
        %dma_wait3A_54 = tpu.memref_slice %arg2[%add3A_14, %dma_wait3A_53] : memref<25088x128xi32, #tpu.memory_space<hbm>> -> memref<112x128xi32, #tpu.memory_space<hbm>>
        tpu.wait_dma2 semaphore(%run_scoped3A : memref<!tpu.dma_semaphore, #tpu.memory_space<semaphore_mem>>) src(%dma_wait3A_54 : memref<112x128xi32, #tpu.memory_space<hbm>>) dst(%arg7 : memref<112x128xi32, #tpu.memory_space<vmem>>)
        tpu.yield
      }) : () -> ()
      %scan3A_15 = arith.constant 0 : i32
      %scan3A_16 = arith.constant 0 : i32
      %scan3A_17 = arith.constant 28 : i32
      %scan3A_18 = arith.addi %scan3A_16, %scan3A_17 : i32
      %scan3A_19 = arith.constant 1 : i32
      scf.for %scan3A_48 = %scan3A_16 to %scan3A_18 step %scan3A_19  : i32 {
        %mul3A_49 = arith.constant 4 : i32
        %mul3A_50 = arith.muli %scan3A_48, %mul3A_49 : i32
        %add3A_51 = arith.constant 0 : i32
        %add3A_52 = arith.addi %mul3A_50, %add3A_51 : i32
        %dma_start3A = arith.constant 0 : i32
        %dma_start3A_53 = tpu.memref_slice %arg7[%add3A_52, %dma_start3A] : memref<112x128xi32, #tpu.memory_space<vmem>> -> memref<1x128xi32, #tpu.memory_space<vmem>>
        %dma_start3A_54 = tpu.memref_squeeze %dma_start3A_53 : memref<1x128xi32, #tpu.memory_space<vmem>> -> memref<128xi32, #tpu.memory_space<vmem>>
        %dma_start3A_55 = arith.constant 0 : i32
        %dma_start3A_56 = arith.constant 0 : i32
        %dma_start3A_57 = tpu.memref_slice %arg6[%dma_start3A_55, %dma_start3A_56] : memref<100096x16xf32, #tpu.memory_space<vmem_shared>> -> memref<100096x16xf32, #tpu.memory_space<vmem_shared>>
        tpu.enqueue_indirect_dma source(%arg8 : memref<128x16xf32, #tpu.memory_space<vmem>>) target(%dma_start3A_57 : memref<100096x16xf32, #tpu.memory_space<vmem_shared>>) offsets(%dma_start3A_54 : memref<128xi32, #tpu.memory_space<vmem>>) semaphore(%arg9 : memref<!tpu.dma_semaphore, #tpu.memory_space<semaphore_mem>>) {add = true}
        %mul3A_58 = arith.constant 4 : i32
        %mul3A_59 = arith.muli %scan3A_48, %mul3A_58 : i32
        %add3A_60 = arith.constant 1 : i32
        %add3A_61 = arith.addi %mul3A_59, %add3A_60 : i32
        %dma_start3A_62 = arith.constant 0 : i32
        %dma_start3A_63 = tpu.memref_slice %arg7[%add3A_61, %dma_start3A_62] : memref<112x128xi32, #tpu.memory_space<vmem>> -> memref<1x128xi32, #tpu.memory_space<vmem>>
        %dma_start3A_64 = tpu.memref_squeeze %dma_start3A_63 : memref<1x128xi32, #tpu.memory_space<vmem>> -> memref<128xi32, #tpu.memory_space<vmem>>
        %dma_start3A_65 = arith.constant 0 : i32
        %dma_start3A_66 = arith.constant 0 : i32
        %dma_start3A_67 = tpu.memref_slice %arg6[%dma_start3A_65, %dma_start3A_66] : memref<100096x16xf32, #tpu.memory_space<vmem_shared>> -> memref<100096x16xf32, #tpu.memory_space<vmem_shared>>
        tpu.enqueue_indirect_dma source(%arg8 : memref<128x16xf32, #tpu.memory_space<vmem>>) target(%dma_start3A_67 : memref<100096x16xf32, #tpu.memory_space<vmem_shared>>) offsets(%dma_start3A_64 : memref<128xi32, #tpu.memory_space<vmem>>) semaphore(%arg9 : memref<!tpu.dma_semaphore, #tpu.memory_space<semaphore_mem>>) {add = true}
        %mul3A_68 = arith.constant 4 : i32
        %mul3A_69 = arith.muli %scan3A_48, %mul3A_68 : i32
        %add3A_70 = arith.constant 2 : i32
        %add3A_71 = arith.addi %mul3A_69, %add3A_70 : i32
        %dma_start3A_72 = arith.constant 0 : i32
        %dma_start3A_73 = tpu.memref_slice %arg7[%add3A_71, %dma_start3A_72] : memref<112x128xi32, #tpu.memory_space<vmem>> -> memref<1x128xi32, #tpu.memory_space<vmem>>
        %dma_start3A_74 = tpu.memref_squeeze %dma_start3A_73 : memref<1x128xi32, #tpu.memory_space<vmem>> -> memref<128xi32, #tpu.memory_space<vmem>>
        %dma_start3A_75 = arith.constant 0 : i32
        %dma_start3A_76 = arith.constant 0 : i32
        %dma_start3A_77 = tpu.memref_slice %arg6[%dma_start3A_75, %dma_start3A_76] : memref<100096x16xf32, #tpu.memory_space<vmem_shared>> -> memref<100096x16xf32, #tpu.memory_space<vmem_shared>>
        tpu.enqueue_indirect_dma source(%arg8 : memref<128x16xf32, #tpu.memory_space<vmem>>) target(%dma_start3A_77 : memref<100096x16xf32, #tpu.memory_space<vmem_shared>>) offsets(%dma_start3A_74 : memref<128xi32, #tpu.memory_space<vmem>>) semaphore(%arg9 : memref<!tpu.dma_semaphore, #tpu.memory_space<semaphore_mem>>) {add = true}
        %mul3A_78 = arith.constant 4 : i32
        %mul3A_79 = arith.muli %scan3A_48, %mul3A_78 : i32
        %add3A_80 = arith.constant 3 : i32
        %add3A_81 = arith.addi %mul3A_79, %add3A_80 : i32
        %dma_start3A_82 = arith.constant 0 : i32
        %dma_start3A_83 = tpu.memref_slice %arg7[%add3A_81, %dma_start3A_82] : memref<112x128xi32, #tpu.memory_space<vmem>> -> memref<1x128xi32, #tpu.memory_space<vmem>>
        %dma_start3A_84 = tpu.memref_squeeze %dma_start3A_83 : memref<1x128xi32, #tpu.memory_space<vmem>> -> memref<128xi32, #tpu.memory_space<vmem>>
        %dma_start3A_85 = arith.constant 0 : i32
        %dma_start3A_86 = arith.constant 0 : i32
        %dma_start3A_87 = tpu.memref_slice %arg6[%dma_start3A_85, %dma_start3A_86] : memref<100096x16xf32, #tpu.memory_space<vmem_shared>> -> memref<100096x16xf32, #tpu.memory_space<vmem_shared>>
        tpu.enqueue_indirect_dma source(%arg8 : memref<128x16xf32, #tpu.memory_space<vmem>>) target(%dma_start3A_87 : memref<100096x16xf32, #tpu.memory_space<vmem_shared>>) offsets(%dma_start3A_84 : memref<128xi32, #tpu.memory_space<vmem>>) semaphore(%arg9 : memref<!tpu.dma_semaphore, #tpu.memory_space<semaphore_mem>>) {add = true}
        %gt3A = arith.constant 0 : i32
        %gt3A_88 = arith.cmpi sgt, %scan3A_48, %gt3A : i32
        %convert_element_type3A = arith.extui %gt3A_88 : i1 to i32
        %cond3A = arith.constant 0 : i32
        %cond3A_89 = arith.cmpi ne, %convert_element_type3A, %cond3A : i32
        scf.if %cond3A_89 {
          %dma_wait3A_90 = arith.constant 0 : i32
          %dma_wait3A_91 = arith.constant 0 : i32
          %dma_wait3A_92 = tpu.memref_slice %arg7[%dma_wait3A_90, %dma_wait3A_91] : memref<112x128xi32, #tpu.memory_space<vmem>> -> memref<1x128xi32, #tpu.memory_space<vmem>>
          %dma_wait3A_93 = tpu.memref_squeeze %dma_wait3A_92 : memref<1x128xi32, #tpu.memory_space<vmem>> -> memref<128xi32, #tpu.memory_space<vmem>>
          %dma_wait3A_94 = arith.constant 0 : i32
          %dma_wait3A_95 = arith.constant 0 : i32
          %dma_wait3A_96 = tpu.memref_slice %arg6[%dma_wait3A_94, %dma_wait3A_95] : memref<100096x16xf32, #tpu.memory_space<vmem_shared>> -> memref<100096x16xf32, #tpu.memory_space<vmem_shared>>
          tpu.wait_indirect_dma semaphore(%arg9 : memref<!tpu.dma_semaphore, #tpu.memory_space<semaphore_mem>>) src(%arg8 : memref<128x16xf32, #tpu.memory_space<vmem>>) dst(%dma_wait3A_96 : memref<100096x16xf32, #tpu.memory_space<vmem_shared>>)
          %dma_wait3A_97 = arith.constant 0 : i32
          %dma_wait3A_98 = arith.constant 0 : i32
          %dma_wait3A_99 = tpu.memref_slice %arg7[%dma_wait3A_97, %dma_wait3A_98] : memref<112x128xi32, #tpu.memory_space<vmem>> -> memref<1x128xi32, #tpu.memory_space<vmem>>
          %dma_wait3A_100 = tpu.memref_squeeze %dma_wait3A_99 : memref<1x128xi32, #tpu.memory_space<vmem>> -> memref<128xi32, #tpu.memory_space<vmem>>
          %dma_wait3A_101 = arith.constant 0 : i32
          %dma_wait3A_102 = arith.constant 0 : i32
          %dma_wait3A_103 = tpu.memref_slice %arg6[%dma_wait3A_101, %dma_wait3A_102] : memref<100096x16xf32, #tpu.memory_space<vmem_shared>> -> memref<100096x16xf32, #tpu.memory_space<vmem_shared>>
          tpu.wait_indirect_dma semaphore(%arg9 : memref<!tpu.dma_semaphore, #tpu.memory_space<semaphore_mem>>) src(%arg8 : memref<128x16xf32, #tpu.memory_space<vmem>>) dst(%dma_wait3A_103 : memref<100096x16xf32, #tpu.memory_space<vmem_shared>>)
          %dma_wait3A_104 = arith.constant 0 : i32
          %dma_wait3A_105 = arith.constant 0 : i32
          %dma_wait3A_106 = tpu.memref_slice %arg7[%dma_wait3A_104, %dma_wait3A_105] : memref<112x128xi32, #tpu.memory_space<vmem>> -> memref<1x128xi32, #tpu.memory_space<vmem>>
          %dma_wait3A_107 = tpu.memref_squeeze %dma_wait3A_106 : memref<1x128xi32, #tpu.memory_space<vmem>> -> memref<128xi32, #tpu.memory_space<vmem>>
          %dma_wait3A_108 = arith.constant 0 : i32
          %dma_wait3A_109 = arith.constant 0 : i32
          %dma_wait3A_110 = tpu.memref_slice %arg6[%dma_wait3A_108, %dma_wait3A_109] : memref<100096x16xf32, #tpu.memory_space<vmem_shared>> -> memref<100096x16xf32, #tpu.memory_space<vmem_shared>>
          tpu.wait_indirect_dma semaphore(%arg9 : memref<!tpu.dma_semaphore, #tpu.memory_space<semaphore_mem>>) src(%arg8 : memref<128x16xf32, #tpu.memory_space<vmem>>) dst(%dma_wait3A_110 : memref<100096x16xf32, #tpu.memory_space<vmem_shared>>)
          %dma_wait3A_111 = arith.constant 0 : i32
          %dma_wait3A_112 = arith.constant 0 : i32
          %dma_wait3A_113 = tpu.memref_slice %arg7[%dma_wait3A_111, %dma_wait3A_112] : memref<112x128xi32, #tpu.memory_space<vmem>> -> memref<1x128xi32, #tpu.memory_space<vmem>>
          %dma_wait3A_114 = tpu.memref_squeeze %dma_wait3A_113 : memref<1x128xi32, #tpu.memory_space<vmem>> -> memref<128xi32, #tpu.memory_space<vmem>>
          %dma_wait3A_115 = arith.constant 0 : i32
          %dma_wait3A_116 = arith.constant 0 : i32
          %dma_wait3A_117 = tpu.memref_slice %arg6[%dma_wait3A_115, %dma_wait3A_116] : memref<100096x16xf32, #tpu.memory_space<vmem_shared>> -> memref<100096x16xf32, #tpu.memory_space<vmem_shared>>
          tpu.wait_indirect_dma semaphore(%arg9 : memref<!tpu.dma_semaphore, #tpu.memory_space<semaphore_mem>>) src(%arg8 : memref<128x16xf32, #tpu.memory_space<vmem>>) dst(%dma_wait3A_117 : memref<100096x16xf32, #tpu.memory_space<vmem_shared>>)
        } else {
        }
      }
      %scan3A_20 = arith.constant 28 : i32
      %dma_wait3A = arith.constant 0 : i32
      %dma_wait3A_21 = arith.constant 0 : i32
      %dma_wait3A_22 = tpu.memref_slice %arg7[%dma_wait3A, %dma_wait3A_21] : memref<112x128xi32, #tpu.memory_space<vmem>> -> memref<1x128xi32, #tpu.memory_space<vmem>>
      %dma_wait3A_23 = tpu.memref_squeeze %dma_wait3A_22 : memref<1x128xi32, #tpu.memory_space<vmem>> -> memref<128xi32, #tpu.memory_space<vmem>>
      %dma_wait3A_24 = arith.constant 0 : i32
      %dma_wait3A_25 = arith.constant 0 : i32
      %dma_wait3A_26 = tpu.memref_slice %arg6[%dma_wait3A_24, %dma_wait3A_25] : memref<100096x16xf32, #tpu.memory_space<vmem_shared>> -> memref<100096x16xf32, #tpu.memory_space<vmem_shared>>
      tpu.wait_indirect_dma semaphore(%arg9 : memref<!tpu.dma_semaphore, #tpu.memory_space<semaphore_mem>>) src(%arg8 : memref<128x16xf32, #tpu.memory_space<vmem>>) dst(%dma_wait3A_26 : memref<100096x16xf32, #tpu.memory_space<vmem_shared>>)
      %dma_wait3A_27 = arith.constant 0 : i32
      %dma_wait3A_28 = arith.constant 0 : i32
      %dma_wait3A_29 = tpu.memref_slice %arg7[%dma_wait3A_27, %dma_wait3A_28] : memref<112x128xi32, #tpu.memory_space<vmem>> -> memref<1x128xi32, #tpu.memory_space<vmem>>
      %dma_wait3A_30 = tpu.memref_squeeze %dma_wait3A_29 : memref<1x128xi32, #tpu.memory_space<vmem>> -> memref<128xi32, #tpu.memory_space<vmem>>
      %dma_wait3A_31 = arith.constant 0 : i32
      %dma_wait3A_32 = arith.constant 0 : i32
      %dma_wait3A_33 = tpu.memref_slice %arg6[%dma_wait3A_31, %dma_wait3A_32] : memref<100096x16xf32, #tpu.memory_space<vmem_shared>> -> memref<100096x16xf32, #tpu.memory_space<vmem_shared>>
      tpu.wait_indirect_dma semaphore(%arg9 : memref<!tpu.dma_semaphore, #tpu.memory_space<semaphore_mem>>) src(%arg8 : memref<128x16xf32, #tpu.memory_space<vmem>>) dst(%dma_wait3A_33 : memref<100096x16xf32, #tpu.memory_space<vmem_shared>>)
      %dma_wait3A_34 = arith.constant 0 : i32
      %dma_wait3A_35 = arith.constant 0 : i32
      %dma_wait3A_36 = tpu.memref_slice %arg7[%dma_wait3A_34, %dma_wait3A_35] : memref<112x128xi32, #tpu.memory_space<vmem>> -> memref<1x128xi32, #tpu.memory_space<vmem>>
      %dma_wait3A_37 = tpu.memref_squeeze %dma_wait3A_36 : memref<1x128xi32, #tpu.memory_space<vmem>> -> memref<128xi32, #tpu.memory_space<vmem>>
      %dma_wait3A_38 = arith.constant 0 : i32
      %dma_wait3A_39 = arith.constant 0 : i32
      %dma_wait3A_40 = tpu.memref_slice %arg6[%dma_wait3A_38, %dma_wait3A_39] : memref<100096x16xf32, #tpu.memory_space<vmem_shared>> -> memref<100096x16xf32, #tpu.memory_space<vmem_shared>>
      tpu.wait_indirect_dma semaphore(%arg9 : memref<!tpu.dma_semaphore, #tpu.memory_space<semaphore_mem>>) src(%arg8 : memref<128x16xf32, #tpu.memory_space<vmem>>) dst(%dma_wait3A_40 : memref<100096x16xf32, #tpu.memory_space<vmem_shared>>)
      %dma_wait3A_41 = arith.constant 0 : i32
      %dma_wait3A_42 = arith.constant 0 : i32
      %dma_wait3A_43 = tpu.memref_slice %arg7[%dma_wait3A_41, %dma_wait3A_42] : memref<112x128xi32, #tpu.memory_space<vmem>> -> memref<1x128xi32, #tpu.memory_space<vmem>>
      %dma_wait3A_44 = tpu.memref_squeeze %dma_wait3A_43 : memref<1x128xi32, #tpu.memory_space<vmem>> -> memref<128xi32, #tpu.memory_space<vmem>>
      %dma_wait3A_45 = arith.constant 0 : i32
      %dma_wait3A_46 = arith.constant 0 : i32
      %dma_wait3A_47 = tpu.memref_slice %arg6[%dma_wait3A_45, %dma_wait3A_46] : memref<100096x16xf32, #tpu.memory_space<vmem_shared>> -> memref<100096x16xf32, #tpu.memory_space<vmem_shared>>
      tpu.wait_indirect_dma semaphore(%arg9 : memref<!tpu.dma_semaphore, #tpu.memory_space<semaphore_mem>>) src(%arg8 : memref<128x16xf32, #tpu.memory_space<vmem>>) dst(%dma_wait3A_47 : memref<100096x16xf32, #tpu.memory_space<vmem_shared>>)
    }
    %scan3A_9 = arith.constant 7 : i32
    %barrier3A_10 = arith.constant 0 : index
    tpu.barrier barrier_id(%barrier3A_10)
    "tpu.region"() ({
      %run_scoped3A = tpu.sem_alloc : memref<!tpu.dma_semaphore, #tpu.memory_space<semaphore_mem>>
      %dma_start3A = arith.constant 0 : i32
      %dma_start3A_11 = tpu.memref_slice %arg5[%arg0, %mul3A_2, %dma_start3A] : memref<2x100096x16xf32, #tpu.memory_space<hbm>> -> memref<1x6256x16xf32, #tpu.memory_space<hbm>>
      %dma_start3A_12 = tpu.memref_squeeze %dma_start3A_11 : memref<1x6256x16xf32, #tpu.memory_space<hbm>> -> memref<6256x16xf32, #tpu.memory_space<hbm>>
      %dma_start3A_13 = arith.constant 0 : i32
      %dma_start3A_14 = tpu.memref_slice %arg6[%mul3A_2, %dma_start3A_13] : memref<100096x16xf32, #tpu.memory_space<vmem_shared>> -> memref<6256x16xf32, #tpu.memory_space<vmem_shared>>
      tpu.enqueue_dma source(%dma_start3A_14 : memref<6256x16xf32, #tpu.memory_space<vmem_shared>>) target(%dma_start3A_12 : memref<6256x16xf32, #tpu.memory_space<hbm>>) target_semaphore(%run_scoped3A : memref<!tpu.dma_semaphore, #tpu.memory_space<semaphore_mem>>)
      %dma_wait3A = arith.constant 0 : i32
      %dma_wait3A_15 = tpu.memref_slice %arg5[%arg0, %mul3A_2, %dma_wait3A] : memref<2x100096x16xf32, #tpu.memory_space<hbm>> -> memref<1x6256x16xf32, #tpu.memory_space<hbm>>
      %dma_wait3A_16 = tpu.memref_squeeze %dma_wait3A_15 : memref<1x6256x16xf32, #tpu.memory_space<hbm>> -> memref<6256x16xf32, #tpu.memory_space<hbm>>
      %dma_wait3A_17 = arith.constant 0 : i32
      %dma_wait3A_18 = tpu.memref_slice %arg6[%mul3A_2, %dma_wait3A_17] : memref<100096x16xf32, #tpu.memory_space<vmem_shared>> -> memref<6256x16xf32, #tpu.memory_space<vmem_shared>>
      tpu.wait_dma2 semaphore(%run_scoped3A : memref<!tpu.dma_semaphore, #tpu.memory_space<semaphore_mem>>) src(%dma_wait3A_18 : memref<6256x16xf32, #tpu.memory_space<vmem_shared>>) dst(%dma_wait3A_16 : memref<6256x16xf32, #tpu.memory_space<hbm>>)
      tpu.yield
    }) : () -> ()
    return
  }
}

module attributes {stable_mosaic.version = 14 : i64} {
  func.func @_tc1_body(%arg0: i32, %arg1: memref<2x2000x16xf32, #tpu.memory_space<vmem>>, %arg2: memref<2000x16xf32, #tpu.memory_space<vmem>>, %arg3: memref<2000x16xf32, #tpu.memory_space<vmem>>, %arg4: memref<2000x16xf32, #tpu.memory_space<vmem>>) attributes {dimension_semantics = [#tpu.dimension_semantics<arbitrary>], iteration_bounds = array<i64: 50>, scalar_prefetch = 0 : i64, scratch_operands = 0 : i64, tpu.core_type = #tpu.core_type<tc>, window_params = [{transform_indices = @transform_0, window_bounds = array<i64: 2, 2000, 16>}, {transform_indices = @transform_1, window_bounds = array<i64: 2000, 16>}, {transform_indices = @transform_2, window_bounds = array<i64: 2000, 16>}, {transform_indices = @transform_3, window_bounds = array<i64: 2000, 16>}]} {
    %get3A = arith.constant 0 : index
    %get3A_0 = arith.constant 0 : index
    %get3A_1 = arith.constant 0 : index
    %get3A_2 = vector.load %arg1[%get3A, %get3A_0, %get3A_1] : memref<2x2000x16xf32, #tpu.memory_space<vmem>>, vector<1x2000x16xf32>
    %get3A_3 = vector.shape_cast %get3A_2 : vector<1x2000x16xf32> to vector<2000x16xf32>
    %get3A_4 = arith.constant 1 : index
    %get3A_5 = arith.constant 0 : index
    %get3A_6 = arith.constant 0 : index
    %get3A_7 = vector.load %arg1[%get3A_4, %get3A_5, %get3A_6] : memref<2x2000x16xf32, #tpu.memory_space<vmem>>, vector<1x2000x16xf32>
    %get3A_8 = vector.shape_cast %get3A_7 : vector<1x2000x16xf32> to vector<2000x16xf32>
    %add3A = arith.addf %get3A_3, %get3A_8 : vector<2000x16xf32>
    %add3A_9 = arith.constant 1.000000e+00 : f32
    %add3A_10 = vector.broadcast %add3A_9 : f32 to vector<2000x16xf32>
    %add3A_11 = arith.addf %add3A, %add3A_10 : vector<2000x16xf32>
    %rsqrt3A = math.rsqrt %add3A_11 : vector<2000x16xf32>
    %swap3A = arith.constant 0 : index
    %swap3A_12 = arith.constant 0 : index
    %swap3A_13 = vector.load %arg3[%swap3A, %swap3A_12] : memref<2000x16xf32, #tpu.memory_space<vmem>>, vector<2000x16xf32>
    tpu.vector_store %arg3[%swap3A, %swap3A_12], %rsqrt3A {strides = array<i32>} : memref<2000x16xf32, #tpu.memory_space<vmem>>, vector<2000x16xf32>,
    %get3A_14 = arith.constant 0 : index
    %get3A_15 = arith.constant 0 : index
    %get3A_16 = vector.load %arg2[%get3A_14, %get3A_15] : memref<2000x16xf32, #tpu.memory_space<vmem>>, vector<2000x16xf32>
    %mul3A = arith.mulf %rsqrt3A, %get3A_16 : vector<2000x16xf32>
    %swap3A_17 = arith.constant 0 : index
    %swap3A_18 = arith.constant 0 : index
    %swap3A_19 = vector.load %arg4[%swap3A_17, %swap3A_18] : memref<2000x16xf32, #tpu.memory_space<vmem>>, vector<2000x16xf32>
    tpu.vector_store %arg4[%swap3A_17, %swap3A_18], %mul3A {strides = array<i32>} : memref<2000x16xf32, #tpu.memory_space<vmem>>, vector<2000x16xf32>,
    return
  }
  func.func @transform_0(%arg0: i32) -> (i32, i32, i32) {
    %c0_i32 = arith.constant 0 : i32
    %c0_i32_0 = arith.constant 0 : i32
    %c0_i32_1 = arith.constant 0 : i32
    return %c0_i32, %arg0, %c0_i32_0 : i32, i32, i32
  }
  func.func @transform_1(%arg0: i32) -> (i32, i32) {
    %c0_i32 = arith.constant 0 : i32
    %c0_i32_0 = arith.constant 0 : i32
    return %arg0, %c0_i32 : i32, i32
  }
  func.func @transform_2(%arg0: i32) -> (i32, i32) {
    %c0_i32 = arith.constant 0 : i32
    %c0_i32_0 = arith.constant 0 : i32
    return %arg0, %c0_i32 : i32, i32
  }
  func.func @transform_3(%arg0: i32) -> (i32, i32) {
    %c0_i32 = arith.constant 0 : i32
    %c0_i32_0 = arith.constant 0 : i32
    return %arg0, %c0_i32 : i32, i32
  }
}

module attributes {stable_mosaic.version = 14 : i64} {
  func.func @_tc2_body(%arg0: i32, %arg1: memref<2000x16xf32, #tpu.memory_space<vmem>>, %arg2: memref<2x2000x16xf32, #tpu.memory_space<vmem>>, %arg3: memref<2000x16xf32, #tpu.memory_space<vmem>>, %arg4: memref<16x32xf32, #tpu.memory_space<vmem>>, %arg5: memref<1x32xf32, #tpu.memory_space<vmem>>, %arg6: memref<2x2000x16xf32, #tpu.memory_space<vmem>>) attributes {dimension_semantics = [#tpu.dimension_semantics<arbitrary>], iteration_bounds = array<i64: 50>, scalar_prefetch = 0 : i64, scratch_operands = 0 : i64, tpu.core_type = #tpu.core_type<tc>, window_params = [{transform_indices = @transform_0, window_bounds = array<i64: 2000, 16>}, {transform_indices = @transform_1, window_bounds = array<i64: 2, 2000, 16>}, {transform_indices = @transform_2, window_bounds = array<i64: 2000, 16>}, {pipeline_mode = #tpu.pipeline_mode<synchronous>, transform_indices = @transform_3, window_bounds = array<i64: 16, 32>}, {pipeline_mode = #tpu.pipeline_mode<synchronous>, transform_indices = @transform_4, window_bounds = array<i64: 1, 32>}, {transform_indices = @transform_5, window_bounds = array<i64: 2, 2000, 16>}]} {
    %get3A = arith.constant 0 : index
    %get3A_0 = arith.constant 0 : index
    %get3A_1 = vector.load %arg1[%get3A, %get3A_0] : memref<2000x16xf32, #tpu.memory_space<vmem>>, vector<2000x16xf32>
    %get3A_2 = arith.constant 0 : index
    %get3A_3 = arith.constant 0 : index
    %get3A_4 = arith.constant 0 : index
    %get3A_5 = vector.load %arg2[%get3A_2, %get3A_3, %get3A_4] : memref<2x2000x16xf32, #tpu.memory_space<vmem>>, vector<1x2000x16xf32>
    %get3A_6 = vector.shape_cast %get3A_5 : vector<1x2000x16xf32> to vector<2000x16xf32>
    %get3A_7 = arith.constant 1 : index
    %get3A_8 = arith.constant 0 : index
    %get3A_9 = arith.constant 0 : index
    %get3A_10 = vector.load %arg2[%get3A_7, %get3A_8, %get3A_9] : memref<2x2000x16xf32, #tpu.memory_space<vmem>>, vector<1x2000x16xf32>
    %get3A_11 = vector.shape_cast %get3A_10 : vector<1x2000x16xf32> to vector<2000x16xf32>
    %add3A = arith.addf %get3A_6, %get3A_11 : vector<2000x16xf32>
    %get3A_12 = arith.constant 0 : index
    %get3A_13 = arith.constant 0 : index
    %get3A_14 = vector.load %arg3[%get3A_12, %get3A_13] : memref<2000x16xf32, #tpu.memory_space<vmem>>, vector<2000x16xf32>
    %add3A_15 = arith.addf %add3A, %get3A_14 : vector<2000x16xf32>
    %mul3A = arith.mulf %get3A_1, %add3A_15 : vector<2000x16xf32>
    %get3A_16 = arith.constant 0 : index
    %get3A_17 = arith.constant 0 : index
    %get3A_18 = vector.load %arg4[%get3A_16, %get3A_17] : memref<16x32xf32, #tpu.memory_space<vmem>>, vector<16x32xf32>
    %dot_general3A = arith.constant dense<0.000000e+00> : vector<2000x32xf32>
    %dot_general3A_19 = tpu.matmul %mul3A, %get3A_18, %dot_general3A {dimension_numbers = #tpu.dot_dimension_numbers<[1], [0], [0], [1], [0, 0, 1, 1], [], []>, transpose_lhs_hint = false} : vector<2000x16xf32>, vector<16x32xf32>, vector<2000x32xf32> -> vector<2000x32xf32>
    %get3A_20 = arith.constant 0 : index
    %get3A_21 = arith.constant 0 : index
    %get3A_22 = vector.load %arg5[%get3A_20, %get3A_21] : memref<1x32xf32, #tpu.memory_space<vmem>>, vector<1x32xf32>
    %add3A_23 = vector.broadcast %get3A_22 : vector<1x32xf32> to vector<2000x32xf32>
    %add3A_24 = arith.addf %dot_general3A_19, %add3A_23 : vector<2000x32xf32>
    %max3A = arith.constant 0.000000e+00 : f32
    %max3A_25 = vector.broadcast %max3A : f32 to vector<2000x32xf32>
    %max3A_26 = arith.maximumf %add3A_24, %max3A_25 : vector<2000x32xf32>
    %slice3A = vector.extract_strided_slice %max3A_26 {offsets = [0, 0], sizes = [2000, 16], strides = [1, 1]} : vector<2000x32xf32> to vector<2000x16xf32>
    %mul3A_27 = arith.mulf %get3A_1, %slice3A : vector<2000x16xf32>
    %swap3A = arith.constant 0 : index
    %swap3A_28 = arith.constant 0 : index
    %swap3A_29 = arith.constant 0 : index
    %swap3A_30 = vector.load %arg6[%swap3A, %swap3A_28, %swap3A_29] : memref<2x2000x16xf32, #tpu.memory_space<vmem>>, vector<1x2000x16xf32>
    %swap3A_31 = vector.shape_cast %swap3A_30 : vector<1x2000x16xf32> to vector<2000x16xf32>
    %swap3A_32 = vector.shape_cast %mul3A_27 : vector<2000x16xf32> to vector<1x2000x16xf32>
    tpu.vector_store %arg6[%swap3A, %swap3A_28, %swap3A_29], %swap3A_32 {strides = array<i32>} : memref<2x2000x16xf32, #tpu.memory_space<vmem>>, vector<1x2000x16xf32>,
    %slice3A_33 = vector.extract_strided_slice %max3A_26 {offsets = [0, 16], sizes = [2000, 16], strides = [1, 1]} : vector<2000x32xf32> to vector<2000x16xf32>
    %mul3A_34 = arith.mulf %get3A_1, %slice3A_33 : vector<2000x16xf32>
    %swap3A_35 = arith.constant 1 : index
    %swap3A_36 = arith.constant 0 : index
    %swap3A_37 = arith.constant 0 : index
    %swap3A_38 = vector.load %arg6[%swap3A_35, %swap3A_36, %swap3A_37] : memref<2x2000x16xf32, #tpu.memory_space<vmem>>, vector<1x2000x16xf32>
    %swap3A_39 = vector.shape_cast %swap3A_38 : vector<1x2000x16xf32> to vector<2000x16xf32>
    %swap3A_40 = vector.shape_cast %mul3A_34 : vector<2000x16xf32> to vector<1x2000x16xf32>
    tpu.vector_store %arg6[%swap3A_35, %swap3A_36, %swap3A_37], %swap3A_40 {strides = array<i32>} : memref<2x2000x16xf32, #tpu.memory_space<vmem>>, vector<1x2000x16xf32>,
    return
  }
  func.func @transform_0(%arg0: i32) -> (i32, i32) {
    %c0_i32 = arith.constant 0 : i32
    %c0_i32_0 = arith.constant 0 : i32
    return %arg0, %c0_i32 : i32, i32
  }
  func.func @transform_1(%arg0: i32) -> (i32, i32, i32) {
    %c0_i32 = arith.constant 0 : i32
    %c0_i32_0 = arith.constant 0 : i32
    %c0_i32_1 = arith.constant 0 : i32
    return %c0_i32, %arg0, %c0_i32_0 : i32, i32, i32
  }
  func.func @transform_2(%arg0: i32) -> (i32, i32) {
    %c0_i32 = arith.constant 0 : i32
    %c0_i32_0 = arith.constant 0 : i32
    return %arg0, %c0_i32 : i32, i32
  }
  func.func @transform_3(%arg0: i32) -> (i32, i32) {
    %c0_i32 = arith.constant 0 : i32
    %c0_i32_0 = arith.constant 0 : i32
    %c0_i32_1 = arith.constant 0 : i32
    return %c0_i32, %c0_i32_0 : i32, i32
  }
  func.func @transform_4(%arg0: i32) -> (i32, i32) {
    %c0_i32 = arith.constant 0 : i32
    %c0_i32_0 = arith.constant 0 : i32
    %c0_i32_1 = arith.constant 0 : i32
    return %c0_i32, %c0_i32_0 : i32, i32
  }
  func.func @transform_5(%arg0: i32) -> (i32, i32, i32) {
    %c0_i32 = arith.constant 0 : i32
    %c0_i32_0 = arith.constant 0 : i32
    %c0_i32_1 = arith.constant 0 : i32
    return %c0_i32, %arg0, %c0_i32_0 : i32, i32, i32
  }
}

module attributes {stable_mosaic.version = 14 : i64} {
  func.func @_tc3_body(%arg0: i32, %arg1: memref<2000x16xf32, #tpu.memory_space<vmem>>, %arg2: memref<2x2000x16xf32, #tpu.memory_space<vmem>>, %arg3: memref<2x2000x16xf32, #tpu.memory_space<vmem>>, %arg4: memref<32x64xf32, #tpu.memory_space<vmem>>, %arg5: memref<1x64xf32, #tpu.memory_space<vmem>>, %arg6: memref<2000x64xf32, #tpu.memory_space<vmem>>) attributes {dimension_semantics = [#tpu.dimension_semantics<arbitrary>], iteration_bounds = array<i64: 50>, scalar_prefetch = 0 : i64, scratch_operands = 0 : i64, tpu.core_type = #tpu.core_type<tc>, window_params = [{transform_indices = @transform_0, window_bounds = array<i64: 2000, 16>}, {transform_indices = @transform_1, window_bounds = array<i64: 2, 2000, 16>}, {transform_indices = @transform_2, window_bounds = array<i64: 2, 2000, 16>}, {pipeline_mode = #tpu.pipeline_mode<synchronous>, transform_indices = @transform_3, window_bounds = array<i64: 32, 64>}, {pipeline_mode = #tpu.pipeline_mode<synchronous>, transform_indices = @transform_4, window_bounds = array<i64: 1, 64>}, {transform_indices = @transform_5, window_bounds = array<i64: 2000, 64>}]} {
    %get3A = arith.constant 0 : index
    %get3A_0 = arith.constant 0 : index
    %get3A_1 = vector.load %arg1[%get3A, %get3A_0] : memref<2000x16xf32, #tpu.memory_space<vmem>>, vector<2000x16xf32>
    %get3A_2 = arith.constant 0 : index
    %get3A_3 = arith.constant 0 : index
    %get3A_4 = arith.constant 0 : index
    %get3A_5 = vector.load %arg2[%get3A_2, %get3A_3, %get3A_4] : memref<2x2000x16xf32, #tpu.memory_space<vmem>>, vector<1x2000x16xf32>
    %get3A_6 = vector.shape_cast %get3A_5 : vector<1x2000x16xf32> to vector<2000x16xf32>
    %get3A_7 = arith.constant 0 : index
    %get3A_8 = arith.constant 0 : index
    %get3A_9 = arith.constant 0 : index
    %get3A_10 = vector.load %arg3[%get3A_7, %get3A_8, %get3A_9] : memref<2x2000x16xf32, #tpu.memory_space<vmem>>, vector<1x2000x16xf32>
    %get3A_11 = vector.shape_cast %get3A_10 : vector<1x2000x16xf32> to vector<2000x16xf32>
    %add3A = arith.addf %get3A_6, %get3A_11 : vector<2000x16xf32>
    %mul3A = arith.mulf %get3A_1, %add3A : vector<2000x16xf32>
    %get3A_12 = arith.constant 1 : index
    %get3A_13 = arith.constant 0 : index
    %get3A_14 = arith.constant 0 : index
    %get3A_15 = vector.load %arg2[%get3A_12, %get3A_13, %get3A_14] : memref<2x2000x16xf32, #tpu.memory_space<vmem>>, vector<1x2000x16xf32>
    %get3A_16 = vector.shape_cast %get3A_15 : vector<1x2000x16xf32> to vector<2000x16xf32>
    %get3A_17 = arith.constant 1 : index
    %get3A_18 = arith.constant 0 : index
    %get3A_19 = arith.constant 0 : index
    %get3A_20 = vector.load %arg3[%get3A_17, %get3A_18, %get3A_19] : memref<2x2000x16xf32, #tpu.memory_space<vmem>>, vector<1x2000x16xf32>
    %get3A_21 = vector.shape_cast %get3A_20 : vector<1x2000x16xf32> to vector<2000x16xf32>
    %add3A_22 = arith.addf %get3A_16, %get3A_21 : vector<2000x16xf32>
    %mul3A_23 = arith.mulf %get3A_1, %add3A_22 : vector<2000x16xf32>
    %concatenate3A = tpu.concatenate %mul3A, %mul3A_23 in 1 : vector<2000x16xf32>, vector<2000x16xf32> -> vector<2000x32xf32>
    %get3A_24 = arith.constant 0 : index
    %get3A_25 = arith.constant 0 : index
    %get3A_26 = vector.load %arg4[%get3A_24, %get3A_25] : memref<32x64xf32, #tpu.memory_space<vmem>>, vector<32x64xf32>
    %dot_general3A = arith.constant dense<0.000000e+00> : vector<2000x64xf32>
    %dot_general3A_27 = tpu.matmul %concatenate3A, %get3A_26, %dot_general3A {dimension_numbers = #tpu.dot_dimension_numbers<[1], [0], [0], [1], [0, 0, 1, 1], [], []>, transpose_lhs_hint = false} : vector<2000x32xf32>, vector<32x64xf32>, vector<2000x64xf32> -> vector<2000x64xf32>
    %get3A_28 = arith.constant 0 : index
    %get3A_29 = arith.constant 0 : index
    %get3A_30 = vector.load %arg5[%get3A_28, %get3A_29] : memref<1x64xf32, #tpu.memory_space<vmem>>, vector<1x64xf32>
    %add3A_31 = vector.broadcast %get3A_30 : vector<1x64xf32> to vector<2000x64xf32>
    %add3A_32 = arith.addf %dot_general3A_27, %add3A_31 : vector<2000x64xf32>
    %max3A = arith.constant 0.000000e+00 : f32
    %max3A_33 = vector.broadcast %max3A : f32 to vector<2000x64xf32>
    %max3A_34 = arith.maximumf %add3A_32, %max3A_33 : vector<2000x64xf32>
    %swap3A = arith.constant 0 : index
    %swap3A_35 = arith.constant 0 : index
    %swap3A_36 = vector.load %arg6[%swap3A, %swap3A_35] : memref<2000x64xf32, #tpu.memory_space<vmem>>, vector<2000x64xf32>
    tpu.vector_store %arg6[%swap3A, %swap3A_35], %max3A_34 {strides = array<i32>} : memref<2000x64xf32, #tpu.memory_space<vmem>>, vector<2000x64xf32>,
    return
  }
  func.func @transform_0(%arg0: i32) -> (i32, i32) {
    %c0_i32 = arith.constant 0 : i32
    %c0_i32_0 = arith.constant 0 : i32
    return %arg0, %c0_i32 : i32, i32
  }
  func.func @transform_1(%arg0: i32) -> (i32, i32, i32) {
    %c0_i32 = arith.constant 0 : i32
    %c0_i32_0 = arith.constant 0 : i32
    %c0_i32_1 = arith.constant 0 : i32
    return %c0_i32, %arg0, %c0_i32_0 : i32, i32, i32
  }
  func.func @transform_2(%arg0: i32) -> (i32, i32, i32) {
    %c0_i32 = arith.constant 0 : i32
    %c0_i32_0 = arith.constant 0 : i32
    %c0_i32_1 = arith.constant 0 : i32
    return %c0_i32, %arg0, %c0_i32_0 : i32, i32, i32
  }
  func.func @transform_3(%arg0: i32) -> (i32, i32) {
    %c0_i32 = arith.constant 0 : i32
    %c0_i32_0 = arith.constant 0 : i32
    %c0_i32_1 = arith.constant 0 : i32
    return %c0_i32, %c0_i32_0 : i32, i32
  }
  func.func @transform_4(%arg0: i32) -> (i32, i32) {
    %c0_i32 = arith.constant 0 : i32
    %c0_i32_0 = arith.constant 0 : i32
    %c0_i32_1 = arith.constant 0 : i32
    return %c0_i32, %c0_i32_0 : i32, i32
  }
  func.func @transform_5(%arg0: i32) -> (i32, i32) {
    %c0_i32 = arith.constant 0 : i32
    %c0_i32_0 = arith.constant 0 : i32
    return %arg0, %c0_i32 : i32, i32
  }
}

</mosaic_0001>

<sc_bundles>
// kernel: kernel.11.cloned.1.call-start
scs
__scs_entry_jumppad:
0x0: {  	(pc) =	sbr.rel $0x88, $3  }
0x1: {  	(tag) =	ssettag $0x0;
	lr =	simm.s32 $0x1  }
0x2: {  	[smem:$0x3F9B] =	sst lr;
	_ =	strace $0xD0000000  }
0x3: {  	_ = 	snop  }
0x4: {  	_ = 	snop  }
0x5: {  	_ = 	snop  }
0x6: {  	_ = 	snop  }
0x7: {  	_ = 	snop  }
__scs_overlays_trampoline_lowered:
0x8: {  	[smem:$0x3FAA] =	sst s0  }
0x9: {  	[smem:$0x3FAB] =	sst s1  }
0xa: {  	[smem:$0x3FAC] =	sst s2  }
0xb: {  	[smem:$0x3FAD] =	sst s3  }
0xc: {  	[smem:$0x3FAE] =	sst s4  }
0xd: {  	[smem:$0x3FAF] =	sst s5  }
0xe: {  	[smem:$0x3FB0] =	sst s6  }
0xf: {  	[smem:$0x3FB1] =	sst s7  }
0x10: {  	[smem:$0x3FB2] =	sst s8  }
0x11: {  	[smem:$0x3FB3] =	sst s9;
	s0 =	simm.s32 @!p0 $0x0  }
0x12: {  	s1 =	sld [smem:$0x3F99];
	s0 =	simm.s32 @p0 $0x1  }
0x13: {  	[smem:$0x3FB4] =	sst s0;
	s0 =	simm.s32 @!p1 $0x0  }
0x14: {  	s2 =	sld [smem:$0x3F98];
	s0 =	simm.s32 @p1 $0x1  }
0x15: {  	[smem:$0x3FB5] =	sst s0;
	s0 =	simm.s32 @!p2 $0x0  }
0x16: {  	s3 =	sld [smem:$0x3FDB];
	s0 =	simm.s32 @p2 $0x1  }
0x17: {  	s4 =	simm.s32 $0x1BF5;
	[smem:$0x3FB7] =	sst s0  }
0x18: {  	s0 =	sld [smem:$0x3F9A];
	_ =	swait.ge [sflag:s4], $0x0  }
0x19: {  	s7 =	sld [smem:$0x3F9B]  }
0x1a: {  	s8 =	sadd.s32 $0xFFFFE003, lr  }
0x1b: {  	s9 =	sadd.s32 $0xFFFFFEF7, lr;
	s5 =	simm.s32 $0xFFFFFFFF;
	p2 =	slt.u32 s8, $0xFFFFF086  }
0x1c: {  	p1 =	slt.u32 s9, $0xF7A;
	s5 =	simm.s32 @!p2 $0x0  }
0x1d: {  	s5 =	simm.s32 @p1 $0x1;
	p0 =	seq.s32 s7, s2  }
0x1e: {  	s7 =	smul.u32 @!p0 $0xF7A, s2;
	p2 =	seq.s32 @!p0 s5, $0x0  }
0x1f: {  	s9 =	smul.u32 $0xF7A, s1;
	s8 =	simm.s32 @!p0 $0x1BF5;
	p2 =	por !p2, p0  }
0x20: {  	[sflag:s8] =	ssyncset.s32 @!p0 $0xFFFFF086;
	s6 =	sadd.s32 @!p0 s3, s7;
	s7 =	simm.s32 @!p0 $0x108  }
0x21: {  	s3 =	sadd.s32 s3, s9;
	s6 =	sadd.s32 @!p0 $0x88, s6;
	s7 =	simm.s32 @p2 $0x1082  }
0x22: {  	[simem:s7], [sflag:s8] =	dma.local @!p0 [hbm:s6], $0xF7A  }
0x23: {  	s9 =	sor.u32 $0xD0000000, s2;
	s6 =	simm.s32 $0x108;
	_ =	swait.ge @!p0 [sflag:s8], $0x0  }
0x24: {  	s3 =	sadd.s32 $0x88, s3;
	s6 =	simm.s32 @!p1 $0x1082;
	[sflag:s4] =	ssyncset.s32 $0xFFFFF086  }
0x25: {  	[simem:s6], [sflag:s4] =	dma.local [hbm:s3], $0xF7A  }
0x26: {  	[smem:$0x3F9B] =	sst s1;
	(tag) =	ssettag s2;
	_ =	strace s9  }
0x27: {  	s1 =	sld [smem:$0x3FAB]  }
0x28: {  	s2 =	sld [smem:$0x3FAC]  }
0x29: {  	s4 =	sld [smem:$0x3FAE]  }
0x2a: {  	p0 =	seq.s32 s5, $0x0;
	s5 =	sld [smem:$0x3FAF]  }
0x2b: {  	s6 =	sld [smem:$0x3FB0]  }
0x2c: {  	s7 =	sld [smem:$0x3FB1]  }
0x2d: {  	s3 =	simm.s32 $0x108;
	s8 =	sld [smem:$0x3FB2]  }
0x2e: {  	s3 =	simm.s32 @!p0 $0x1082;
	s9 =	sld [smem:$0x3FB3]  }
0x2f: {  	lr =	sadd.s32 s0, s3;
	s0 =	sld [smem:$0x3FAA]  }
0x30: {  	s3 =	sld [smem:$0x3FAD]  }
0x31: {  	[smem:$0x3FB6] =	sst s10  }
0x32: {  	s10 =	sld [smem:$0x3FB4];
	_ =	sdelay $0x3  }
0x33: {  	p0 =	seq.s32 s10, $0x1;
	s10 =	sld [smem:$0x3FB6];
	_ =	sdelay $0x3  }
0x34: {  	[smem:$0x3FB6] =	sst s10  }
0x35: {  	s10 =	sld [smem:$0x3FB5];
	_ =	sdelay $0x3  }
0x36: {  	p1 =	seq.s32 s10, $0x1;
	s10 =	sld [smem:$0x3FB6];
	_ =	sdelay $0x3  }
0x37: {  	[smem:$0x3FB6] =	sst s10  }
0x38: {  	s10 =	sld [smem:$0x3FB7]  }
0x39: {  	_ = 	snop;
	(pc) =	sbr.ind lr, $3  }
0x3a: {  	_ = 	snop  }
0x3b: {  	_ = 	snop  }
0x3c: {  	p2 =	seq.s32 s10, $0x1;
	s10 =	sld [smem:$0x3FB6]  }
0x3d: {  	_ =	shalt  }
0x3e: {  	_ =	shalt  }
0x3f: {  	_ =	shalt  }
0x40: {  	_ =	shalt  }
0x41: {  	_ =	shalt  }
0x42: {  	_ =	shalt  }
0x43: {  	_ =	shalt  }
0x44: {  	_ =	shalt  }
0x45: {  	_ =	shalt  }
0x46: {  	_ =	shalt  }
0x47: {  	_ =	shalt  }
0x48: {  	_ =	shalt  }
0x49: {  	_ =	shalt  }
0x4a: {  	_ =	shalt  }
0x4b: {  	_ =	shalt  }
0x4c: {  	_ =	shalt  }
0x4d: {  	_ =	shalt  }
0x4e: {  	_ =	shalt  }
0x4f: {  	_ =	shalt  }
0x50: {  	_ =	shalt  }
0x51: {  	_ =	shalt  }
0x52: {  	_ =	shalt  }
0x53: {  	_ =	shalt  }
0x54: {  	_ =	shalt  }
0x55: {  	_ =	shalt  }
0x56: {  	_ =	shalt  }
0x57: {  	_ =	shalt  }
0x58: {  	_ =	shalt  }
0x59: {  	_ =	shalt  }
0x5a: {  	_ =	shalt  }
0x5b: {  	_ =	shalt  }
0x5c: {  	_ =	shalt  }
0x5d: {  	_ =	shalt  }
0x5e: {  	_ =	shalt  }
0x5f: {  	_ =	shalt  }
0x60: {  	_ =	shalt  }
0x61: {  	_ =	shalt  }
0x62: {  	_ =	shalt  }
0x63: {  	_ =	shalt  }
0x64: {  	_ =	shalt  }
0x65: {  	_ =	shalt  }
0x66: {  	_ =	shalt  }
0x67: {  	_ =	shalt  }
0x68: {  	_ =	shalt  }
0x69: {  	_ =	shalt  }
0x6a: {  	_ =	shalt  }
0x6b: {  	_ =	shalt  }
0x6c: {  	_ =	shalt  }
0x6d: {  	_ =	shalt  }
0x6e: {  	_ =	shalt  }
0x6f: {  	_ =	shalt  }
0x70: {  	_ =	shalt  }
0x71: {  	_ =	shalt  }
0x72: {  	_ =	shalt  }
0x73: {  	_ =	shalt  }
0x74: {  	_ =	shalt  }
0x75: {  	_ =	shalt  }
0x76: {  	_ =	shalt  }
0x77: {  	_ =	shalt  }
0x78: {  	_ =	shalt  }
0x79: {  	_ =	shalt  }
0x7a: {  	_ =	shalt  }
0x7b: {  	_ =	shalt  }
0x7c: {  	_ =	shalt  }
0x7d: {  	_ =	shalt  }
0x7e: {  	_ =	shalt  }
0x7f: {  	_ =	shalt  }
0x80: {  	_ =	shalt  }
0x81: {  	_ =	shalt  }
0x82: {  	_ =	shalt  }
0x83: {  	_ =	shalt  }
0x84: {  	_ =	shalt  }
0x85: {  	_ =	shalt  }
0x86: {  	_ =	shalt  }
0x87: {  	_ =	shalt  }
.Lfunc_end0:
.L_simem_size_0:
called_computation.1_lowered:
.L_overlay_start_0:
0x88: {  	s2 =	sld [smem:$0x3FD9]  }
0x89: {  	s3 =	sld [smem:$0x3FFE];
	_ =	sdelay $0x1  }
0x8a: {  	s1 =	srdreg.scid  }
0x8b: {  	s0 =	sand.u32 $0x1, s1  }
0x8c: {  	s17 =	sshll.u32 s0, $0xA;
	s2 =	sadd.s32 s3, s2  }
0x8d: {  	s2 =	sadd.s32 s2, s17  }
0x8e: {  	[smem:$0x3FC2] =	sst s2  }
0x8f: {  	_ = 	snop  }
0x90: {  	s2 =	sld [smem:$0x3FD0];
	(tm) =	ssettm $0x1  }
0x91: {  	s18 =	sld [smem:$0x3FFB];
	_ =	sdelay $0x3  }
0x92: {  	_ =	strace s18  }
0x93: {  	s3 =	sld [smem:$0x3FFC];
	_ =	sdelay $0x3  }
0x94: {  	_ =	strace s3  }
0x95: {  	s3 =	sld [smem:$0x3FFD];
	_ =	sdelay $0x3  }
0x96: {  	_ =	strace s3  }
0x97: {  	_ =	strace $0x8FFFFFFF  }
0x98: {  	s19 =	sld [smem:$0x3FDB];
	_ =	sdelay $0x1  }
0x99: {  	s4 =	simm.s32 $_scs_section_size  }
0x9a: {  	s5 =	simm.s32 $_size__tile_overlayer_lowered;
	s6 =	simm.s32 $_tile_overlayer_lowered  }
0x9b: {  	s22 =	simm.s32 $0x1BFF;
	s21 =	sshll.u32 s6, $0x1;
	s3 =	sadd.s32 s4, s19  }
0x9c: {  	s7 =	simm.s32 $0x0;
	s20 =	sshll.u32 s5, $0x1;
	s5 =	sadd.s32 s21, s3  }
0x9d: {  	[timem:s7], [sflag:s22] =	dma.local [hbm:s5], s20  }
0x9e: {  	_ =	swait.ge [sflag:s22], s20  }
0x9f: {  	s4 =	ssub.s32 $0x0, s20;
	[sflag:s22] =	ssyncset.done $0x0  }
0xa0: {  	[sflag:s22] =	ssyncadd.s32 s4;
	_ =	sdelay $0x1  }
0xa1: {  	s23 =	simm.s32 $0x1B8B  }
0xa2: {  	_ =	swait.ge [sflag:s23], $0x1  }
0xa3: {  	[sflag:s23] =	ssyncset.done $0x0  }
0xa4: {  	s25 =	simm.s32 $0x1B8E;
	s24 =	sld [smem:$0x3FFE];
	[sflag:s23] =	ssyncadd.s32 $0xFFFFFFFF  }
0xa5: {  	s26 =	simm.s32 $execute0_lowered;
	[smem:$0x3FD2] =	sst s25  }
0xa6: {  	s5 =	sshll.u32 s26, $0x1;
	_ =	strace $0x80000049;
	[dreg:$0x1] =	wrdreg $0xFFFFFFFF  }
0xa7: {  	s28 =	simm.s32 $_size_execute0_lowered;
	s3 =	sadd.s32 s3, s5;
	[dreg:$0x0] =	wrdreg $0x0  }
0xa8: {  	s5 =	sshll.u32 s28, $0x1;
	[dreg:$0x2] =	wrdreg s3  }
0xa9: {  	[dreg:$0x3] =	wrdreg s5  }
0xaa: {  	[dreg:$0x4] =	wrdreg $0xC0  }
0xab: {  	_ =	task [dreg:s7], $0x5FFFF  }
0xac: {  	[dreg:$0x1] =	wrdreg $0xFFFFFFFF  }
0xad: {  	[dreg:$0x0] =	wrdreg $0x60  }
0xae: {  	[dreg:$0x2] =	wrdreg s24  }
0xaf: {  	[dreg:$0x3] =	wrdreg s2  }
0xb0: {  	[dreg:$0x4] =	wrdreg $0x0  }
0xb1: {  	[dreg:$0x5] =	wrdreg $0x9  }
0xb2: {  	_ =	task.clear_ibuf [dreg:s7], $0x6FFFF;
	_ =	strace $0x90000049  }
0xb3: {  	s29 =	simm.s32 $0x9;
	_ =	strace $0x8000004B  }
0xb4: {  	_ =	swait.ge [sflag:s29], $0x1  }
0xb5: {  	[sflag:s29] =	ssyncadd.s32 $0xFFFFFFFF  }
0xb6: {  	_ =	strace $0x9000004B  }
0xb7: {  	_ =	sfence  }
0xb8: {  	s30 =	sld [smem:$0x0];
	_ =	sdelay $0x2  }
0xb9: {  	s31 =	sshll.u32 s1, $0xD;
	s1 =	sshrl.u32 s1, $0x2  }
0xba: {  	s3 =	sand.u32 $0x4000, s31;
	s1 =	sadd.s32 s1, s30  }
0xbb: {  	s0 =	sor.u32 s3, s0;
	s1 =	sshll.u32 s1, $0x11  }
0xbc: {  	s0 =	sor.u32 s1, s0  }
0xbd: {  	s0 =	sadd.s32 $0x8F2B, s0  }
0xbe: {  	[sflag:s0] =	ssyncadd.remote.s32 $0x1  }
0xbf: {  	_ =	sfence.sel $0xFFFF  }
0xc0: {  	[dreg:$0x0] =	wrdreg $0xFFFFFFFF;
	(pc) =	sbr.abs _section_cstart, $3  }
0xc1: {  	[dreg:$0x1] =	wrdreg $0xFFFFFFFF  }
0xc2: {  	_ =	task.clear_ibuf [dreg:s7], $0x2FFFF;
	_ =	strace $0x9FFFFFFF  }
0xc3: {  	(tm) =	ssettm $0x7FFFFFFF  }
tec
execute0_lowered:
.L_overlay_start_1:
0x0: {  	(tag) =	ssettag $0x1  }
0x1: {  	s0 =	rddreg [dreg:$0x0]  }
0x2: {  	s1 =	rddreg [dreg:$0x1]  }
0x3: {  	s2 =	rddreg [dreg:$0x2];
	s16 =	simm.s32 $0x0;
	s3 =	stileid.u32  }
0x4: {  	s4 =	srdreg.scid;
	s12 =	simm.s32 $0x5;
	s13 =	simm.s32 $0x18700  }
0x5: {  	s14 =	simm.s32 $0x80;
	s15 =	simm.s32 $0x1BF00;
	s17 =	simm.s32 $0x1C700  }
0x6: {  	s19 =	simm.s32 $0x1CF00;
	s20 =	simm.s32 $0x18A00;
	s21 =	simm.s32 $0x1D700  }
0x7: {  	s28 =	simm.s32 $0x1EF00;
	s29 =	simm.s32 $0x18E00;
	s30 =	simm.s32 $0x1F700  }
0x8: {  	s31 =	simm.s32 $0x1;
	[smem:$0x7FF] =	sst s16;
	s6 =	smul.u32 $0x18700, s3  }
0x9: {  	s7 =	sand.u32 $0x1, s4;
	s4 =	sadd.s32 $0x3000, s0;
	s5 =	sadd.s32 $0x27E200, s0  }
0xa: {  	s24 =	sshll.u32 s3, $0x6;
	_ =	strace $0x8000004A;
	s8 =	ssub.s32 $0x2, s7  }
0xb: {  	s11 =	smul.u32 $0x187000, s7;
	s7 =	sshll.u32 s7, $0x4;
	s9 =	sshrl.u32 s6, $0x3  }
0xc: {  	s10 =	sshrl.u32 s8, $0x1;
	s23 =	sadd.s32 s6, s2;
	s7 =	sor.u32 s3, s7  }
0xd: {  	s0 =	sadd.s32 s9, s0;
	s22 =	ssub.s32 s8, s10;
	s6 =	sadd.s32 s6, s11  }
0xe: {  	s11 =	sor.u32 $0x1C05, s24;
	s8 =	smul.u32 $0x310, s7;
	s7 =	sshrl.u32 s23, $0x3  }
0xf: {  	s23 =	simm.s32 $0x1DF00;
	s24 =	simm.s32 $0x18C00;
	[dreg:$0x6] =	wrdreg s11  }
.Ltmp0:
0x10: {  	s0 =	sadd.s32 $0x64E00, s0;
	[dreg:$0x9] =	wrdreg s7;
	(pc) =	sbr.rel .LBB2_1-.Ltmp0, $4  }
0x11: {  	s6 =	sshrl.u32 s6, $0x3;
	s26 =	smax.u32 s22, $0x1;
	[dreg:$0x5] =	wrdreg s0  }
0x12: {  	s22 =	simm.s32 $0x18B00;
	s25 =	sadd.s32 s1, s6;
	[dreg:$0x8] =	wrdreg s26  }
0x13: {  	s26 =	simm.s32 $0x18D00;
	s0 =	simm.s32 $0x3;
	s1 =	simm.s32 $0x2  }
0x14: {  	s6 =	simm.s32 $0x4;
	[dreg:$0x7] =	wrdreg s25;
	s25 =	simm.s32 $0x1E700  }
.LBB2_6:
0x15: {  	[bflag:$0x0] =	sbarrier.arrive $0xFFFF  }
0x16: {  	s11 =	rddreg [dreg:$0x6]  }
0x17: {  	s3 =	rddreg [dreg:$0x7]  }
0x18: {  	s7 =	rddreg [dreg:$0x9]  }
0x19: {  	[hbm:s3], [sflag:s11] =	dma.local [spmem:s7], $0x30E0  }
0x1a: {  	_ =	swait.ge [sflag:s12], $0x30E0  }
0x1b: {  	s16 =	rddreg [dreg:$0x4]  }
0x1c: {  	s18 =	rddreg [dreg:$0x8];
	s16 =	sadd.s32 $0x1, s16  }
0x1d: {  	p0 =	sne.s32 s16, s18  }
.Ltmp1:
0x1e: {  	_ = 	snop;
	(pc) =	sbr.rel @!p0 .LBB2_7-.Ltmp1, $3  }
0x1f: {  	_ =	sdelay $0x1  }
0x20: {  	[sflag:s12] =	ssyncset.done $0x0  }
0x21: {  	[sflag:s12] =	ssyncadd.s32 $0xFFFFCF20  }
.LBB2_1:
0x22: {  	[dreg:$0x4] =	wrdreg s16  }
0x23: {  	s3 =	rddreg [dreg:$0x5]  }
0x24: {  	[spmem:s7], [sflag:s11] =	dma.local [hbm:s3], $0x30E0  }
.Ltmp2:
0x25: {  	_ =	swait.ge [sflag:s12], $0x30E0;
	(pc) =	sbr.rel .LBB2_2-.Ltmp2, $4  }
0x26: {  	[sflag:s12] =	ssyncset.done $0x0  }
0x27: {  	[sflag:s12] =	ssyncadd.s32 $0xFFFFCF20  }
0x28: {  	[bflag:$0x0] =	sbarrier.arrive $0xFFFF  }
0x29: {  	s9 =	simm.s32 $0x0  }
.LBB2_5:
0x2a: {  	s9 =	sadd.s32 $0x1, s9  }
0x2b: {  	p0 =	sne.s32 s9, $0xE  }
.Ltmp3:
0x2c: {  	_ = 	snop;
	(pc) =	sbr.rel @!p0 .LBB2_6-.Ltmp3, $1  }
0x2d: {  	_ =	sdelay $0x3  }
.LBB2_2:
0x2e: {  	s7 =	smul.u32 $0x38, s9;
	_ =	sdelay $0x1  }
0x2f: {  	s7 =	sadd.s32 s8, s7  }
0x30: {  	s7 =	sshll.u32 s7, $0x5  }
0x31: {  	s10 =	simm.s32 $0x0;
	s7 =	sadd.s32 s5, s7  }
0x32: {  	[tilespmem:s13], [sflag:$0x5] =	stream.linear.gather [hbm4b:s7+s10], $0x3800, $0x38;
	[tilespmem:$0x1FF00] =	vst v63  }
0x33: {  	_ =	swait.ge [sflag:s12], $0x3800  }
0x34: {  	[sflag:s12] =	ssyncset.done $0x0  }
0x35: {  	[sflag:s12] =	ssyncadd.s32 $0xFFFFC800  }
0x36: {  	[tilespmem:s15], [sflag:$0x1] =	stream.indirect.gather [hbm4b:s4+s14], $0x10, s13, s14, $0xb8;
	[tilespmem:$0x1FF00] =	vst v63  }
0x37: {  	s3 =	simm.s32 $0x18800  }
0x38: {  	[tilespmem:s17], [sflag:$0x1] =	stream.indirect.gather [hbm4b:s4+s14], $0x10, s3, s14, $0xb8;
	[tilespmem:$0x1FF00] =	vst v63  }
0x39: {  	s18 =	simm.s32 $0x18900  }
0x3a: {  	[tilespmem:s19], [sflag:$0x1] =	stream.indirect.gather [hbm4b:s4+s14], $0x10, s18, s14, $0xb8;
	[tilespmem:$0x1FF00] =	vst v63  }
0x3b: {  	_ = 	snop  }
0x3c: {  	[tilespmem:s21], [sflag:$0x1] =	stream.indirect.gather [hbm4b:s4+s14], $0x10, s20, s14, $0xb8;
	[tilespmem:$0x1FF00] =	vst v63  }
0x3d: {  	_ = 	snop  }
0x3e: {  	[tilespmem:s23], [sflag:$0x3] =	stream.indirect.gather [hbm4b:s4+s14], $0x10, s22, s14, $0xb8;
	[tilespmem:$0x1FF00] =	vst v63  }
0x3f: {  	_ = 	snop  }
0x40: {  	[tilespmem:s25], [sflag:$0x3] =	stream.indirect.gather [hbm4b:s4+s14], $0x10, s24, s14, $0xb8;
	[tilespmem:$0x1FF00] =	vst v63  }
0x41: {  	_ = 	snop  }
0x42: {  	[tilespmem:s28], [sflag:$0x3] =	stream.indirect.gather [hbm4b:s4+s14], $0x10, s26, s14, $0xb8;
	[tilespmem:$0x1FF00] =	vst v63  }
0x43: {  	_ = 	snop  }
0x44: {  	[tilespmem:s30], [sflag:$0x3] =	stream.indirect.gather [hbm4b:s4+s14], $0x10, s29, s14, $0xb8;
	[tilespmem:$0x1FF00] =	vst v63  }
.LBB2_3:
0x45: {  	_ =	swait.ge [sflag:s31], $0x800  }
0x46: {  	[sflag:s31] =	ssyncset.done $0x0  }
0x47: {  	[sflag:s31] =	ssyncadd.s32 $0xFFFFF800  }
0x48: {  	_ =	swait.ge [sflag:s31], $0x800  }
0x49: {  	[sflag:s31] =	ssyncset.done $0x0  }
0x4a: {  	[sflag:s31] =	ssyncadd.s32 $0xFFFFF800  }
0x4b: {  	_ =	swait.ge [sflag:s31], $0x800  }
0x4c: {  	[sflag:s31] =	ssyncset.done $0x0  }
0x4d: {  	[sflag:s31] =	ssyncadd.s32 $0xFFFFF800  }
0x4e: {  	_ =	swait.ge [sflag:s31], $0x800  }
0x4f: {  	s7 =	sshra.s32 s10, $0x2;
	[sflag:s31] =	ssyncset.done $0x0  }
0x50: {  	s11 =	sadd.s32 $0x18780, s7;
	[sflag:s31] =	ssyncadd.s32 $0xFFFFF800  }
0x51: {  	[spmem:s2] =	stream.indirect.scatter.add.f32 [tilespmem:s15], [sflag:$0x2], $0x10, s11, s14, $0xb8;
	[tilespmem:$0x1FF00] =	vst v63  }
0x52: {  	s18 =	sadd.s32 $0x18880, s7  }
0x53: {  	[spmem:s2] =	stream.indirect.scatter.add.f32 [tilespmem:s17], [sflag:$0x2], $0x10, s18, s14, $0xb8;
	[tilespmem:$0x1FF00] =	vst v63  }
0x54: {  	s3 =	sadd.s32 $0x18980, s7  }
0x55: {  	[spmem:s2] =	stream.indirect.scatter.add.f32 [tilespmem:s19], [sflag:$0x2], $0x10, s3, s14, $0xb8;
	[tilespmem:$0x1FF00] =	vst v63  }
0x56: {  	s16 =	sadd.s32 $0x18A80, s7  }
0x57: {  	[spmem:s2] =	stream.indirect.scatter.add.f32 [tilespmem:s21], [sflag:$0x2], $0x10, s16, s14, $0xb8;
	[tilespmem:$0x1FF00] =	vst v63  }
0x58: {  	_ =	swait.ge [sflag:s0], $0x800  }
0x59: {  	[sflag:s0] =	ssyncset.done $0x0  }
0x5a: {  	[sflag:s0] =	ssyncadd.s32 $0xFFFFF800  }
0x5b: {  	_ =	swait.ge [sflag:s0], $0x800  }
0x5c: {  	[sflag:s0] =	ssyncset.done $0x0  }
0x5d: {  	[sflag:s0] =	ssyncadd.s32 $0xFFFFF800  }
0x5e: {  	_ =	swait.ge [sflag:s0], $0x800  }
0x5f: {  	[sflag:s0] =	ssyncset.done $0x0  }
0x60: {  	[sflag:s0] =	ssyncadd.s32 $0xFFFFF800  }
0x61: {  	_ =	swait.ge [sflag:s0], $0x800  }
0x62: {  	[sflag:s0] =	ssyncset.done $0x0  }
0x63: {  	s18 =	sadd.s32 $0x18B80, s7;
	[sflag:s0] =	ssyncadd.s32 $0xFFFFF800  }
0x64: {  	[spmem:s2] =	stream.indirect.scatter.add.f32 [tilespmem:s23], [sflag:$0x4], $0x10, s18, s14, $0xb8;
	[tilespmem:$0x1FF00] =	vst v63  }
0x65: {  	s3 =	sadd.s32 $0x18C80, s7  }
0x66: {  	[spmem:s2] =	stream.indirect.scatter.add.f32 [tilespmem:s25], [sflag:$0x4], $0x10, s3, s14, $0xb8;
	[tilespmem:$0x1FF00] =	vst v63  }
0x67: {  	s16 =	sadd.s32 $0x18D80, s7  }
0x68: {  	[spmem:s2] =	stream.indirect.scatter.add.f32 [tilespmem:s28], [sflag:$0x4], $0x10, s16, s14, $0xb8;
	[tilespmem:$0x1FF00] =	vst v63  }
0x69: {  	s18 =	sadd.s32 $0x18E80, s7  }
0x6a: {  	[spmem:s2] =	stream.indirect.scatter.add.f32 [tilespmem:s30], [sflag:$0x4], $0x10, s18, s14, $0xb8;
	[tilespmem:$0x1FF00] =	vst v63  }
0x6b: {  	_ =	swait.ge [sflag:s1], $0x800  }
0x6c: {  	[sflag:s1] =	ssyncset.done $0x0  }
0x6d: {  	[sflag:s1] =	ssyncadd.s32 $0xFFFFF800  }
0x6e: {  	_ =	swait.ge [sflag:s1], $0x800  }
0x6f: {  	[sflag:s1] =	ssyncset.done $0x0  }
0x70: {  	[sflag:s1] =	ssyncadd.s32 $0xFFFFF800  }
0x71: {  	_ =	swait.ge [sflag:s1], $0x800  }
0x72: {  	[sflag:s1] =	ssyncset.done $0x0  }
0x73: {  	p0 =	seq.s32 s10, $0xC000;
	[sflag:s1] =	ssyncadd.s32 $0xFFFFF800  }
0x74: {  	s11 =	sshra.s32 @!p0 s10, $0x2;
	_ =	swait.ge [sflag:s1], $0x800  }
0x75: {  	s3 =	sadd.s32 @!p0 $0x18F00, s11;
	[sflag:s1] =	ssyncset.done $0x0  }
0x76: {  	s16 =	simm.s32 @!p0 $0x80;
	s18 =	simm.s32 @!p0 $0x1BF00;
	[sflag:s1] =	ssyncadd.s32 $0xFFFFF800  }
0x77: {  	[tilespmem:s18], [sflag:$0x1] =	stream.indirect.gather @!p0 [hbm4b:s4+s16], $0x10, s3, s16, $0xb8;
	[tilespmem:$0x1FF00] =	vst v63  }
0x78: {  	s3 =	sadd.s32 @!p0 $0x19000, s11;
	s18 =	simm.s32 @!p0 $0x1C700  }
0x79: {  	[tilespmem:s18], [sflag:$0x1] =	stream.indirect.gather @!p0 [hbm4b:s4+s16], $0x10, s3, s16, $0xb8;
	[tilespmem:$0x1FF00] =	vst v63  }
0x7a: {  	s3 =	sadd.s32 @!p0 $0x19100, s11;
	s18 =	simm.s32 @!p0 $0x1CF00  }
0x7b: {  	[tilespmem:s18], [sflag:$0x1] =	stream.indirect.gather @!p0 [hbm4b:s4+s16], $0x10, s3, s16, $0xb8;
	[tilespmem:$0x1FF00] =	vst v63  }
0x7c: {  	s3 =	sadd.s32 @!p0 $0x19200, s11;
	s11 =	simm.s32 @!p0 $0x1D700  }
0x7d: {  	[tilespmem:s11], [sflag:$0x1] =	stream.indirect.gather @!p0 [hbm4b:s4+s16], $0x10, s3, s16, $0xb8;
	[tilespmem:$0x1FF00] =	vst v63  }
0x7e: {  	_ =	swait.ge [sflag:s6], $0x800  }
0x7f: {  	[sflag:s6] =	ssyncset.done $0x0  }
0x80: {  	[sflag:s6] =	ssyncadd.s32 $0xFFFFF800  }
0x81: {  	_ =	swait.ge [sflag:s6], $0x800  }
0x82: {  	[sflag:s6] =	ssyncset.done $0x0  }
0x83: {  	[sflag:s6] =	ssyncadd.s32 $0xFFFFF800  }
0x84: {  	_ =	swait.ge [sflag:s6], $0x800  }
.Ltmp4:
0x85: {  	[sflag:s6] =	ssyncset.done $0x0;
	(pc) =	sbr.rel @p0 .LBB2_5-.Ltmp4, $4  }
0x86: {  	[sflag:s6] =	ssyncadd.s32 $0xFFFFF800  }
0x87: {  	_ =	swait.ge [sflag:s6], $0x800  }
0x88: {  	[sflag:s6] =	ssyncset.done $0x0  }
0x89: {  	[sflag:s6] =	ssyncadd.s32 $0xFFFFF800  }
0x8a: {  	s3 =	sadd.s32 $0x19300, s7  }
0x8b: {  	[tilespmem:s23], [sflag:$0x3] =	stream.indirect.gather [hbm4b:s4+s14], $0x10, s3, s14, $0xb8;
	[tilespmem:$0x1FF00] =	vst v63  }
0x8c: {  	s11 =	sadd.s32 $0x19400, s7  }
0x8d: {  	[tilespmem:s25], [sflag:$0x3] =	stream.indirect.gather [hbm4b:s4+s14], $0x10, s11, s14, $0xb8;
	[tilespmem:$0x1FF00] =	vst v63  }
.Ltmp5:
0x8e: {  	_ = 	snop;
	(pc) =	sbr.rel .LBB2_3-.Ltmp5, $4  }
0x8f: {  	s16 =	sadd.s32 $0x19500, s7  }
0x90: {  	[tilespmem:s28], [sflag:$0x3] =	stream.indirect.gather [hbm4b:s4+s14], $0x10, s16, s14, $0xb8;
	[tilespmem:$0x1FF00] =	vst v63  }
0x91: {  	s18 =	sadd.s32 $0x19600, s7;
	s10 =	sadd.s32 $0x2000, s10  }
0x92: {  	[tilespmem:s30], [sflag:$0x3] =	stream.indirect.gather [hbm4b:s4+s14], $0x10, s18, s14, $0xb8;
	[tilespmem:$0x1FF00] =	vst v63  }
.LBB2_7:
0x93: {  	_ =	sfence.sel $0x180000  }
0x94: {  	[bflag:$0x0] =	sbarrier.arrive $0xFFFF  }
0x95: {  	_ =	strace $0x9000004A  }
0x96: {  	s0 =	stileid.u32;
	[bflag:$0x2] =	sbarrier.arrive $0xFFFF  }
0x97: {  	p0 =	sne.s32 s0, $0x0;
	s0 =	rddreg [dreg:$0x3]  }
0x98: {  	s0 =	sadd.s32 @!p0 $0x100000, s0  }
0x99: {  	[sflag:s0] =	ssyncadd.tile.s32 @!p0 $0x1;
	_ =	shalt  }
.Lfunc_end2:
_tile_overlayer_lowered:
.L_overlay_start_2:
0x9a: {  	(tag) =	ssettag $0x2  }
0x9b: {  	s0 =	rddreg [dreg:$0x0];
	s2 =	stileid.u32  }
0x9c: {  	s1 =	rddreg [dreg:$0x1];
	p0 =	sne.s32 s2, $0x0  }
0x9d: {  	s3 =	rddreg [dreg:$0x2];
	[bflag:$0x3] =	sbarrier.arrive $0xFFFF;
	s2 =	simm.s32 @!p0 $0x1C05  }
0x9e: {  	[timem:s3], [sflag:s2] =	dma.local @!p0 [hbm:s0], s1  }
0x9f: {  	s0 =	simm.s32 @!p0 $0x5  }
0xa0: {  	_ =	swait.ge @!p0 [sflag:s0], s1  }
0xa1: {  	s1 =	ssub.s32 @!p0 $0x0, s1;
	[sflag:s0] =	ssyncset.done @!p0 $0x0  }
0xa2: {  	[sflag:s0] =	ssyncadd.s32 @!p0 s1  }
0xa3: {  	[bflag:$0x3] =	sbarrier.arrive $0xFFFF  }
0xa4: {  	_ =	shalt  }

// kernel: kernel.14.cloned.1.call-start
scs
__scs_entry_jumppad:
0x0: {  	(pc) =	sbr.rel $0x88, $3  }
0x1: {  	(tag) =	ssettag $0x0;
	lr =	simm.s32 $0x1  }
0x2: {  	[smem:$0x3F9B] =	sst lr;
	_ =	strace $0xD0000000  }
0x3: {  	_ = 	snop  }
0x4: {  	_ = 	snop  }
0x5: {  	_ = 	snop  }
0x6: {  	_ = 	snop  }
0x7: {  	_ = 	snop  }
__scs_overlays_trampoline_lowered:
0x8: {  	[smem:$0x3FAA] =	sst s0  }
0x9: {  	[smem:$0x3FAB] =	sst s1  }
0xa: {  	[smem:$0x3FAC] =	sst s2  }
0xb: {  	[smem:$0x3FAD] =	sst s3  }
0xc: {  	[smem:$0x3FAE] =	sst s4  }
0xd: {  	[smem:$0x3FAF] =	sst s5  }
0xe: {  	[smem:$0x3FB0] =	sst s6  }
0xf: {  	[smem:$0x3FB1] =	sst s7  }
0x10: {  	[smem:$0x3FB2] =	sst s8  }
0x11: {  	[smem:$0x3FB3] =	sst s9;
	s0 =	simm.s32 @!p0 $0x0  }
0x12: {  	s1 =	sld [smem:$0x3F99];
	s0 =	simm.s32 @p0 $0x1  }
0x13: {  	[smem:$0x3FB4] =	sst s0;
	s0 =	simm.s32 @!p1 $0x0  }
0x14: {  	s2 =	sld [smem:$0x3F98];
	s0 =	simm.s32 @p1 $0x1  }
0x15: {  	[smem:$0x3FB5] =	sst s0;
	s0 =	simm.s32 @!p2 $0x0  }
0x16: {  	s3 =	sld [smem:$0x3FDB];
	s0 =	simm.s32 @p2 $0x1  }
0x17: {  	s4 =	simm.s32 $0x1BF5;
	[smem:$0x3FB7] =	sst s0  }
0x18: {  	s0 =	sld [smem:$0x3F9A];
	_ =	swait.ge [sflag:s4], $0x0  }
0x19: {  	s7 =	sld [smem:$0x3F9B]  }
0x1a: {  	s8 =	sadd.s32 $0xFFFFE003, lr  }
0x1b: {  	s9 =	sadd.s32 $0xFFFFFEF7, lr;
	s5 =	simm.s32 $0xFFFFFFFF;
	p2 =	slt.u32 s8, $0xFFFFF086  }
0x1c: {  	p1 =	slt.u32 s9, $0xF7A;
	s5 =	simm.s32 @!p2 $0x0  }
0x1d: {  	s5 =	simm.s32 @p1 $0x1;
	p0 =	seq.s32 s7, s2  }
0x1e: {  	s7 =	smul.u32 @!p0 $0xF7A, s2;
	p2 =	seq.s32 @!p0 s5, $0x0  }
0x1f: {  	s9 =	smul.u32 $0xF7A, s1;
	s8 =	simm.s32 @!p0 $0x1BF5;
	p2 =	por !p2, p0  }
0x20: {  	[sflag:s8] =	ssyncset.s32 @!p0 $0xFFFFF086;
	s6 =	sadd.s32 @!p0 s3, s7;
	s7 =	simm.s32 @!p0 $0x108  }
0x21: {  	s3 =	sadd.s32 s3, s9;
	s6 =	sadd.s32 @!p0 $0x88, s6;
	s7 =	simm.s32 @p2 $0x1082  }
0x22: {  	[simem:s7], [sflag:s8] =	dma.local @!p0 [hbm:s6], $0xF7A  }
0x23: {  	s9 =	sor.u32 $0xD0000000, s2;
	s6 =	simm.s32 $0x108;
	_ =	swait.ge @!p0 [sflag:s8], $0x0  }
0x24: {  	s3 =	sadd.s32 $0x88, s3;
	s6 =	simm.s32 @!p1 $0x1082;
	[sflag:s4] =	ssyncset.s32 $0xFFFFF086  }
0x25: {  	[simem:s6], [sflag:s4] =	dma.local [hbm:s3], $0xF7A  }
0x26: {  	[smem:$0x3F9B] =	sst s1;
	(tag) =	ssettag s2;
	_ =	strace s9  }
0x27: {  	s1 =	sld [smem:$0x3FAB]  }
0x28: {  	s2 =	sld [smem:$0x3FAC]  }
0x29: {  	s4 =	sld [smem:$0x3FAE]  }
0x2a: {  	p0 =	seq.s32 s5, $0x0;
	s5 =	sld [smem:$0x3FAF]  }
0x2b: {  	s6 =	sld [smem:$0x3FB0]  }
0x2c: {  	s7 =	sld [smem:$0x3FB1]  }
0x2d: {  	s3 =	simm.s32 $0x108;
	s8 =	sld [smem:$0x3FB2]  }
0x2e: {  	s3 =	simm.s32 @!p0 $0x1082;
	s9 =	sld [smem:$0x3FB3]  }
0x2f: {  	lr =	sadd.s32 s0, s3;
	s0 =	sld [smem:$0x3FAA]  }
0x30: {  	s3 =	sld [smem:$0x3FAD]  }
0x31: {  	[smem:$0x3FB6] =	sst s10  }
0x32: {  	s10 =	sld [smem:$0x3FB4];
	_ =	sdelay $0x3  }
0x33: {  	p0 =	seq.s32 s10, $0x1;
	s10 =	sld [smem:$0x3FB6];
	_ =	sdelay $0x3  }
0x34: {  	[smem:$0x3FB6] =	sst s10  }
0x35: {  	s10 =	sld [smem:$0x3FB5];
	_ =	sdelay $0x3  }
0x36: {  	p1 =	seq.s32 s10, $0x1;
	s10 =	sld [smem:$0x3FB6];
	_ =	sdelay $0x3  }
0x37: {  	[smem:$0x3FB6] =	sst s10  }
0x38: {  	s10 =	sld [smem:$0x3FB7]  }
0x39: {  	_ = 	snop;
	(pc) =	sbr.ind lr, $3  }
0x3a: {  	_ = 	snop  }
0x3b: {  	_ = 	snop  }
0x3c: {  	p2 =	seq.s32 s10, $0x1;
	s10 =	sld [smem:$0x3FB6]  }
0x3d: {  	_ =	shalt  }
0x3e: {  	_ =	shalt  }
0x3f: {  	_ =	shalt  }
0x40: {  	_ =	shalt  }
0x41: {  	_ =	shalt  }
0x42: {  	_ =	shalt  }
0x43: {  	_ =	shalt  }
0x44: {  	_ =	shalt  }
0x45: {  	_ =	shalt  }
0x46: {  	_ =	shalt  }
0x47: {  	_ =	shalt  }
0x48: {  	_ =	shalt  }
0x49: {  	_ =	shalt  }
0x4a: {  	_ =	shalt  }
0x4b: {  	_ =	shalt  }
0x4c: {  	_ =	shalt  }
0x4d: {  	_ =	shalt  }
0x4e: {  	_ =	shalt  }
0x4f: {  	_ =	shalt  }
0x50: {  	_ =	shalt  }
0x51: {  	_ =	shalt  }
0x52: {  	_ =	shalt  }
0x53: {  	_ =	shalt  }
0x54: {  	_ =	shalt  }
0x55: {  	_ =	shalt  }
0x56: {  	_ =	shalt  }
0x57: {  	_ =	shalt  }
0x58: {  	_ =	shalt  }
0x59: {  	_ =	shalt  }
0x5a: {  	_ =	shalt  }
0x5b: {  	_ =	shalt  }
0x5c: {  	_ =	shalt  }
0x5d: {  	_ =	shalt  }
0x5e: {  	_ =	shalt  }
0x5f: {  	_ =	shalt  }
0x60: {  	_ =	shalt  }
0x61: {  	_ =	shalt  }
0x62: {  	_ =	shalt  }
0x63: {  	_ =	shalt  }
0x64: {  	_ =	shalt  }
0x65: {  	_ =	shalt  }
0x66: {  	_ =	shalt  }
0x67: {  	_ =	shalt  }
0x68: {  	_ =	shalt  }
0x69: {  	_ =	shalt  }
0x6a: {  	_ =	shalt  }
0x6b: {  	_ =	shalt  }
0x6c: {  	_ =	shalt  }
0x6d: {  	_ =	shalt  }
0x6e: {  	_ =	shalt  }
0x6f: {  	_ =	shalt  }
0x70: {  	_ =	shalt  }
0x71: {  	_ =	shalt  }
0x72: {  	_ =	shalt  }
0x73: {  	_ =	shalt  }
0x74: {  	_ =	shalt  }
0x75: {  	_ =	shalt  }
0x76: {  	_ =	shalt  }
0x77: {  	_ =	shalt  }
0x78: {  	_ =	shalt  }
0x79: {  	_ =	shalt  }
0x7a: {  	_ =	shalt  }
0x7b: {  	_ =	shalt  }
0x7c: {  	_ =	shalt  }
0x7d: {  	_ =	shalt  }
0x7e: {  	_ =	shalt  }
0x7f: {  	_ =	shalt  }
0x80: {  	_ =	shalt  }
0x81: {  	_ =	shalt  }
0x82: {  	_ =	shalt  }
0x83: {  	_ =	shalt  }
0x84: {  	_ =	shalt  }
0x85: {  	_ =	shalt  }
0x86: {  	_ =	shalt  }
0x87: {  	_ =	shalt  }
.Lfunc_end0:
.L_simem_size_0:
called_computation.2_lowered:
.L_overlay_start_0:
0x88: {  	s2 =	sld [smem:$0x3FD9]  }
0x89: {  	s3 =	sld [smem:$0x3FFE];
	_ =	sdelay $0x1  }
0x8a: {  	s1 =	srdreg.scid  }
0x8b: {  	s0 =	sand.u32 $0x1, s1  }
0x8c: {  	s17 =	sshll.u32 s0, $0xA;
	s2 =	sadd.s32 s3, s2  }
0x8d: {  	s2 =	sadd.s32 s2, s17  }
0x8e: {  	[smem:$0x3FC2] =	sst s2  }
0x8f: {  	_ = 	snop  }
0x90: {  	s2 =	sld [smem:$0x3FD0];
	(tm) =	ssettm $0x1  }
0x91: {  	s18 =	sld [smem:$0x3FFB];
	_ =	sdelay $0x3  }
0x92: {  	_ =	strace s18  }
0x93: {  	s3 =	sld [smem:$0x3FFC];
	_ =	sdelay $0x3  }
0x94: {  	_ =	strace s3  }
0x95: {  	s3 =	sld [smem:$0x3FFD];
	_ =	sdelay $0x3  }
0x96: {  	_ =	strace s3  }
0x97: {  	_ =	strace $0x8FFFFFFF  }
0x98: {  	s19 =	sld [smem:$0x3FDB];
	_ =	sdelay $0x1  }
0x99: {  	s4 =	simm.s32 $_scs_section_size  }
0x9a: {  	s5 =	simm.s32 $_size__tile_overlayer_lowered;
	s6 =	simm.s32 $_tile_overlayer_lowered  }
0x9b: {  	s22 =	simm.s32 $0x1BFF;
	s21 =	sshll.u32 s6, $0x1;
	s3 =	sadd.s32 s4, s19  }
0x9c: {  	s7 =	simm.s32 $0x0;
	s20 =	sshll.u32 s5, $0x1;
	s5 =	sadd.s32 s21, s3  }
0x9d: {  	[timem:s7], [sflag:s22] =	dma.local [hbm:s5], s20  }
0x9e: {  	_ =	swait.ge [sflag:s22], s20  }
0x9f: {  	s4 =	ssub.s32 $0x0, s20;
	[sflag:s22] =	ssyncset.done $0x0  }
0xa0: {  	[sflag:s22] =	ssyncadd.s32 s4;
	_ =	sdelay $0x1  }
0xa1: {  	s23 =	simm.s32 $0x1B8B  }
0xa2: {  	_ =	swait.ge [sflag:s23], $0x1  }
0xa3: {  	[sflag:s23] =	ssyncset.done $0x0  }
0xa4: {  	s25 =	simm.s32 $0x1B8E;
	s24 =	sld [smem:$0x3FFE];
	[sflag:s23] =	ssyncadd.s32 $0xFFFFFFFF  }
0xa5: {  	s26 =	simm.s32 $execute0_lowered;
	[smem:$0x3FD2] =	sst s25  }
0xa6: {  	s5 =	sshll.u32 s26, $0x1;
	_ =	strace $0x8000004C;
	[dreg:$0x1] =	wrdreg $0xFFFFFFFF  }
0xa7: {  	s28 =	simm.s32 $_size_execute0_lowered;
	s3 =	sadd.s32 s3, s5;
	[dreg:$0x0] =	wrdreg $0x0  }
0xa8: {  	s5 =	sshll.u32 s28, $0x1;
	[dreg:$0x2] =	wrdreg s3  }
0xa9: {  	[dreg:$0x3] =	wrdreg s5  }
0xaa: {  	[dreg:$0x4] =	wrdreg $0xC0  }
0xab: {  	_ =	task [dreg:s7], $0x5FFFF  }
0xac: {  	[dreg:$0x1] =	wrdreg $0xFFFFFFFF  }
0xad: {  	[dreg:$0x0] =	wrdreg $0x60  }
0xae: {  	[dreg:$0x2] =	wrdreg s24  }
0xaf: {  	[dreg:$0x3] =	wrdreg s2  }
0xb0: {  	[dreg:$0x4] =	wrdreg $0x0  }
0xb1: {  	[dreg:$0x5] =	wrdreg $0x9  }
0xb2: {  	_ =	task.clear_ibuf [dreg:s7], $0x6FFFF;
	_ =	strace $0x9000004C  }
0xb3: {  	s29 =	simm.s32 $0x9;
	_ =	strace $0x8000004E  }
0xb4: {  	_ =	swait.ge [sflag:s29], $0x1  }
0xb5: {  	[sflag:s29] =	ssyncadd.s32 $0xFFFFFFFF  }
0xb6: {  	_ =	strace $0x9000004E  }
0xb7: {  	_ =	sfence  }
0xb8: {  	s30 =	sld [smem:$0x0];
	_ =	sdelay $0x2  }
0xb9: {  	s31 =	sshll.u32 s1, $0xD;
	s1 =	sshrl.u32 s1, $0x2  }
0xba: {  	s3 =	sand.u32 $0x4000, s31;
	s1 =	sadd.s32 s1, s30  }
0xbb: {  	s0 =	sor.u32 s3, s0;
	s1 =	sshll.u32 s1, $0x11  }
0xbc: {  	s0 =	sor.u32 s1, s0  }
0xbd: {  	s0 =	sadd.s32 $0x8F2B, s0  }
0xbe: {  	[sflag:s0] =	ssyncadd.remote.s32 $0x1  }
0xbf: {  	_ =	sfence.sel $0xFFFF  }
0xc0: {  	[dreg:$0x0] =	wrdreg $0xFFFFFFFF;
	(pc) =	sbr.abs _section_cstart, $3  }
0xc1: {  	[dreg:$0x1] =	wrdreg $0xFFFFFFFF  }
0xc2: {  	_ =	task.clear_ibuf [dreg:s7], $0x2FFFF;
	_ =	strace $0x9FFFFFFF  }
0xc3: {  	(tm) =	ssettm $0x7FFFFFFF  }
tec
execute0_lowered:
.L_overlay_start_1:
0x0: {  	(tag) =	ssettag $0x1  }
0x1: {  	s0 =	rddreg [dreg:$0x0]  }
0x2: {  	s2 =	rddreg [dreg:$0x1]  }
0x3: {  	s1 =	rddreg [dreg:$0x2];
	s3 =	srdreg.scid;
	s16 =	simm.s32 $0x0  }
0x4: {  	s23 =	stileid.u32;
	s12 =	simm.s32 $0x5;
	s13 =	simm.s32 $0x18700  }
0x5: {  	s14 =	simm.s32 $0x80;
	s15 =	simm.s32 $0x1BF00;
	s17 =	simm.s32 $0x1C700  }
0x6: {  	s19 =	simm.s32 $0x1CF00;
	s20 =	simm.s32 $0x18A00;
	s21 =	simm.s32 $0x1D700  }
0x7: {  	s22 =	simm.s32 $0x18B00;
	s28 =	simm.s32 $0x1EF00;
	s29 =	simm.s32 $0x18E00  }
0x8: {  	s30 =	simm.s32 $0x1F700;
	s31 =	simm.s32 $0x1;
	s4 =	sand.u32 $0x1, s3  }
0x9: {  	[smem:$0x7FF] =	sst s16;
	s6 =	smul.u32 $0x18700, s23;
	s24 =	sshll.u32 s23, $0x6  }
0xa: {  	s5 =	smul.u32 $0x30D40, s4;
	_ =	strace $0x8000004D;
	s7 =	ssub.s32 $0x2, s4  }
0xb: {  	s10 =	smul.u32 $0x187000, s4;
	s4 =	sadd.s32 $0x27E200, s0;
	s8 =	sshrl.u32 s6, $0x3  }
0xc: {  	s9 =	sshrl.u32 s7, $0x1;
	s11 =	sadd.s32 s6, s1;
	s5 =	sadd.s32 s5, s0  }
0xd: {  	s0 =	sadd.s32 s8, s0;
	s9 =	ssub.s32 s7, s9;
	s6 =	sadd.s32 s6, s10  }
0xe: {  	s10 =	sor.u32 $0x1C05, s24;
	s7 =	smul.u32 $0x620, s23;
	s23 =	simm.s32 $0x1DF00  }
0xf: {  	s24 =	simm.s32 $0x18C00;
	s0 =	sadd.s32 $0x64E00, s0;
	s25 =	sshrl.u32 s6, $0x3  }
.Ltmp0:
0x10: {  	s8 =	sadd.s32 $0x3000, s5;
	[dreg:$0x6] =	wrdreg s10;
	(pc) =	sbr.rel .LBB2_1-.Ltmp0, $4  }
0x11: {  	s26 =	smax.u32 s9, $0x1;
	s6 =	sshrl.u32 s11, $0x3;
	[dreg:$0x5] =	wrdreg s0  }
0x12: {  	s5 =	simm.s32 $0x4;
	s0 =	sadd.s32 s2, s25;
	[dreg:$0x8] =	wrdreg s26  }
0x13: {  	s25 =	simm.s32 $0x1E700;
	s26 =	simm.s32 $0x18D00;
	[dreg:$0x9] =	wrdreg s6  }
0x14: {  	s2 =	simm.s32 $0x2;
	[dreg:$0x7] =	wrdreg s0;
	s0 =	simm.s32 $0x3  }
.LBB2_6:
0x15: {  	[bflag:$0x0] =	sbarrier.arrive $0xFFFF  }
0x16: {  	s10 =	rddreg [dreg:$0x6]  }
0x17: {  	s3 =	rddreg [dreg:$0x7]  }
0x18: {  	s6 =	rddreg [dreg:$0x9]  }
0x19: {  	[hbm:s3], [sflag:s10] =	dma.local [spmem:s6], $0x30E0  }
0x1a: {  	_ =	swait.ge [sflag:s12], $0x30E0  }
0x1b: {  	s16 =	rddreg [dreg:$0x4]  }
0x1c: {  	s18 =	rddreg [dreg:$0x8];
	s16 =	sadd.s32 $0x1, s16  }
0x1d: {  	p0 =	sne.s32 s16, s18  }
.Ltmp1:
0x1e: {  	_ = 	snop;
	(pc) =	sbr.rel @!p0 .LBB2_7-.Ltmp1, $3  }
0x1f: {  	_ =	sdelay $0x1  }
0x20: {  	[sflag:s12] =	ssyncset.done $0x0  }
0x21: {  	[sflag:s12] =	ssyncadd.s32 $0xFFFFCF20  }
.LBB2_1:
0x22: {  	[dreg:$0x4] =	wrdreg s16  }
0x23: {  	s3 =	rddreg [dreg:$0x5]  }
0x24: {  	[spmem:s6], [sflag:s10] =	dma.local [hbm:s3], $0x30E0  }
.Ltmp2:
0x25: {  	_ =	swait.ge [sflag:s12], $0x30E0;
	(pc) =	sbr.rel .LBB2_2-.Ltmp2, $4  }
0x26: {  	[sflag:s12] =	ssyncset.done $0x0  }
0x27: {  	[sflag:s12] =	ssyncadd.s32 $0xFFFFCF20  }
0x28: {  	[bflag:$0x0] =	sbarrier.arrive $0xFFFF  }
0x29: {  	s9 =	simm.s32 $0x0  }
.LBB2_5:
0x2a: {  	s9 =	sadd.s32 $0x1, s9  }
0x2b: {  	p0 =	sne.s32 s9, $0x1C  }
.Ltmp3:
0x2c: {  	_ = 	snop;
	(pc) =	sbr.rel @!p0 .LBB2_6-.Ltmp3, $1  }
0x2d: {  	_ =	sdelay $0x3  }
.LBB2_2:
0x2e: {  	s6 =	smul.u32 $0x38, s9;
	_ =	sdelay $0x1  }
0x2f: {  	s6 =	sadd.s32 s7, s6  }
0x30: {  	s6 =	sshll.u32 s6, $0x5  }
0x31: {  	s10 =	simm.s32 $0x0;
	s6 =	sadd.s32 s4, s6  }
0x32: {  	[tilespmem:s13], [sflag:$0x5] =	stream.linear.gather [hbm4b:s6+s10], $0x3800, $0x38;
	[tilespmem:$0x1FF00] =	vst v63  }
0x33: {  	_ =	swait.ge [sflag:s12], $0x3800  }
0x34: {  	[sflag:s12] =	ssyncset.done $0x0  }
0x35: {  	[sflag:s12] =	ssyncadd.s32 $0xFFFFC800  }
0x36: {  	[tilespmem:s15], [sflag:$0x1] =	stream.indirect.gather [hbm4b:s8+s14], $0x10, s13, s14, $0xb8;
	[tilespmem:$0x1FF00] =	vst v63  }
0x37: {  	s3 =	simm.s32 $0x18800  }
0x38: {  	[tilespmem:s17], [sflag:$0x1] =	stream.indirect.gather [hbm4b:s8+s14], $0x10, s3, s14, $0xb8;
	[tilespmem:$0x1FF00] =	vst v63  }
0x39: {  	s18 =	simm.s32 $0x18900  }
0x3a: {  	[tilespmem:s19], [sflag:$0x1] =	stream.indirect.gather [hbm4b:s8+s14], $0x10, s18, s14, $0xb8;
	[tilespmem:$0x1FF00] =	vst v63  }
0x3b: {  	_ = 	snop  }
0x3c: {  	[tilespmem:s21], [sflag:$0x1] =	stream.indirect.gather [hbm4b:s8+s14], $0x10, s20, s14, $0xb8;
	[tilespmem:$0x1FF00] =	vst v63  }
0x3d: {  	_ = 	snop  }
0x3e: {  	[tilespmem:s23], [sflag:$0x3] =	stream.indirect.gather [hbm4b:s8+s14], $0x10, s22, s14, $0xb8;
	[tilespmem:$0x1FF00] =	vst v63  }
0x3f: {  	_ = 	snop  }
0x40: {  	[tilespmem:s25], [sflag:$0x3] =	stream.indirect.gather [hbm4b:s8+s14], $0x10, s24, s14, $0xb8;
	[tilespmem:$0x1FF00] =	vst v63  }
0x41: {  	_ = 	snop  }
0x42: {  	[tilespmem:s28], [sflag:$0x3] =	stream.indirect.gather [hbm4b:s8+s14], $0x10, s26, s14, $0xb8;
	[tilespmem:$0x1FF00] =	vst v63  }
0x43: {  	_ = 	snop  }
0x44: {  	[tilespmem:s30], [sflag:$0x3] =	stream.indirect.gather [hbm4b:s8+s14], $0x10, s29, s14, $0xb8;
	[tilespmem:$0x1FF00] =	vst v63  }
.LBB2_3:
0x45: {  	_ =	swait.ge [sflag:s31], $0x800  }
0x46: {  	[sflag:s31] =	ssyncset.done $0x0  }
0x47: {  	[sflag:s31] =	ssyncadd.s32 $0xFFFFF800  }
0x48: {  	_ =	swait.ge [sflag:s31], $0x800  }
0x49: {  	[sflag:s31] =	ssyncset.done $0x0  }
0x4a: {  	[sflag:s31] =	ssyncadd.s32 $0xFFFFF800  }
0x4b: {  	_ =	swait.ge [sflag:s31], $0x800  }
0x4c: {  	[sflag:s31] =	ssyncset.done $0x0  }
0x4d: {  	[sflag:s31] =	ssyncadd.s32 $0xFFFFF800  }
0x4e: {  	_ =	swait.ge [sflag:s31], $0x800  }
0x4f: {  	s6 =	sshra.s32 s10, $0x2;
	[sflag:s31] =	ssyncset.done $0x0  }
0x50: {  	s11 =	sadd.s32 $0x18780, s6;
	[sflag:s31] =	ssyncadd.s32 $0xFFFFF800  }
0x51: {  	[spmem:s1] =	stream.indirect.scatter.add.f32 [tilespmem:s15], [sflag:$0x2], $0x10, s11, s14, $0xb8;
	[tilespmem:$0x1FF00] =	vst v63  }
0x52: {  	s18 =	sadd.s32 $0x18880, s6  }
0x53: {  	[spmem:s1] =	stream.indirect.scatter.add.f32 [tilespmem:s17], [sflag:$0x2], $0x10, s18, s14, $0xb8;
	[tilespmem:$0x1FF00] =	vst v63  }
0x54: {  	s3 =	sadd.s32 $0x18980, s6  }
0x55: {  	[spmem:s1] =	stream.indirect.scatter.add.f32 [tilespmem:s19], [sflag:$0x2], $0x10, s3, s14, $0xb8;
	[tilespmem:$0x1FF00] =	vst v63  }
0x56: {  	s16 =	sadd.s32 $0x18A80, s6  }
0x57: {  	[spmem:s1] =	stream.indirect.scatter.add.f32 [tilespmem:s21], [sflag:$0x2], $0x10, s16, s14, $0xb8;
	[tilespmem:$0x1FF00] =	vst v63  }
0x58: {  	_ =	swait.ge [sflag:s0], $0x800  }
0x59: {  	[sflag:s0] =	ssyncset.done $0x0  }
0x5a: {  	[sflag:s0] =	ssyncadd.s32 $0xFFFFF800  }
0x5b: {  	_ =	swait.ge [sflag:s0], $0x800  }
0x5c: {  	[sflag:s0] =	ssyncset.done $0x0  }
0x5d: {  	[sflag:s0] =	ssyncadd.s32 $0xFFFFF800  }
0x5e: {  	_ =	swait.ge [sflag:s0], $0x800  }
0x5f: {  	[sflag:s0] =	ssyncset.done $0x0  }
0x60: {  	[sflag:s0] =	ssyncadd.s32 $0xFFFFF800  }
0x61: {  	_ =	swait.ge [sflag:s0], $0x800  }
0x62: {  	[sflag:s0] =	ssyncset.done $0x0  }
0x63: {  	s18 =	sadd.s32 $0x18B80, s6;
	[sflag:s0] =	ssyncadd.s32 $0xFFFFF800  }
0x64: {  	[spmem:s1] =	stream.indirect.scatter.add.f32 [tilespmem:s23], [sflag:$0x4], $0x10, s18, s14, $0xb8;
	[tilespmem:$0x1FF00] =	vst v63  }
0x65: {  	s3 =	sadd.s32 $0x18C80, s6  }
0x66: {  	[spmem:s1] =	stream.indirect.scatter.add.f32 [tilespmem:s25], [sflag:$0x4], $0x10, s3, s14, $0xb8;
	[tilespmem:$0x1FF00] =	vst v63  }
0x67: {  	s16 =	sadd.s32 $0x18D80, s6  }
0x68: {  	[spmem:s1] =	stream.indirect.scatter.add.f32 [tilespmem:s28], [sflag:$0x4], $0x10, s16, s14, $0xb8;
	[tilespmem:$0x1FF00] =	vst v63  }
0x69: {  	s18 =	sadd.s32 $0x18E80, s6  }
0x6a: {  	[spmem:s1] =	stream.indirect.scatter.add.f32 [tilespmem:s30], [sflag:$0x4], $0x10, s18, s14, $0xb8;
	[tilespmem:$0x1FF00] =	vst v63  }
0x6b: {  	_ =	swait.ge [sflag:s2], $0x800  }
0x6c: {  	[sflag:s2] =	ssyncset.done $0x0  }
0x6d: {  	[sflag:s2] =	ssyncadd.s32 $0xFFFFF800  }
0x6e: {  	_ =	swait.ge [sflag:s2], $0x800  }
0x6f: {  	[sflag:s2] =	ssyncset.done $0x0  }
0x70: {  	[sflag:s2] =	ssyncadd.s32 $0xFFFFF800  }
0x71: {  	_ =	swait.ge [sflag:s2], $0x800  }
0x72: {  	[sflag:s2] =	ssyncset.done $0x0  }
0x73: {  	p0 =	seq.s32 s10, $0xC000;
	[sflag:s2] =	ssyncadd.s32 $0xFFFFF800  }
0x74: {  	s11 =	sshra.s32 @!p0 s10, $0x2;
	_ =	swait.ge [sflag:s2], $0x800  }
0x75: {  	s3 =	sadd.s32 @!p0 $0x18F00, s11;
	[sflag:s2] =	ssyncset.done $0x0  }
0x76: {  	s16 =	simm.s32 @!p0 $0x80;
	s18 =	simm.s32 @!p0 $0x1BF00;
	[sflag:s2] =	ssyncadd.s32 $0xFFFFF800  }
0x77: {  	[tilespmem:s18], [sflag:$0x1] =	stream.indirect.gather @!p0 [hbm4b:s8+s16], $0x10, s3, s16, $0xb8;
	[tilespmem:$0x1FF00] =	vst v63  }
0x78: {  	s3 =	sadd.s32 @!p0 $0x19000, s11;
	s18 =	simm.s32 @!p0 $0x1C700  }
0x79: {  	[tilespmem:s18], [sflag:$0x1] =	stream.indirect.gather @!p0 [hbm4b:s8+s16], $0x10, s3, s16, $0xb8;
	[tilespmem:$0x1FF00] =	vst v63  }
0x7a: {  	s3 =	sadd.s32 @!p0 $0x19100, s11;
	s18 =	simm.s32 @!p0 $0x1CF00  }
0x7b: {  	[tilespmem:s18], [sflag:$0x1] =	stream.indirect.gather @!p0 [hbm4b:s8+s16], $0x10, s3, s16, $0xb8;
	[tilespmem:$0x1FF00] =	vst v63  }
0x7c: {  	s3 =	sadd.s32 @!p0 $0x19200, s11;
	s11 =	simm.s32 @!p0 $0x1D700  }
0x7d: {  	[tilespmem:s11], [sflag:$0x1] =	stream.indirect.gather @!p0 [hbm4b:s8+s16], $0x10, s3, s16, $0xb8;
	[tilespmem:$0x1FF00] =	vst v63  }
0x7e: {  	_ =	swait.ge [sflag:s5], $0x800  }
0x7f: {  	[sflag:s5] =	ssyncset.done $0x0  }
0x80: {  	[sflag:s5] =	ssyncadd.s32 $0xFFFFF800  }
0x81: {  	_ =	swait.ge [sflag:s5], $0x800  }
0x82: {  	[sflag:s5] =	ssyncset.done $0x0  }
0x83: {  	[sflag:s5] =	ssyncadd.s32 $0xFFFFF800  }
0x84: {  	_ =	swait.ge [sflag:s5], $0x800  }
.Ltmp4:
0x85: {  	[sflag:s5] =	ssyncset.done $0x0;
	(pc) =	sbr.rel @p0 .LBB2_5-.Ltmp4, $4  }
0x86: {  	[sflag:s5] =	ssyncadd.s32 $0xFFFFF800  }
0x87: {  	_ =	swait.ge [sflag:s5], $0x800  }
0x88: {  	[sflag:s5] =	ssyncset.done $0x0  }
0x89: {  	[sflag:s5] =	ssyncadd.s32 $0xFFFFF800  }
0x8a: {  	s3 =	sadd.s32 $0x19300, s6  }
0x8b: {  	[tilespmem:s23], [sflag:$0x3] =	stream.indirect.gather [hbm4b:s8+s14], $0x10, s3, s14, $0xb8;
	[tilespmem:$0x1FF00] =	vst v63  }
0x8c: {  	s11 =	sadd.s32 $0x19400, s6  }
0x8d: {  	[tilespmem:s25], [sflag:$0x3] =	stream.indirect.gather [hbm4b:s8+s14], $0x10, s11, s14, $0xb8;
	[tilespmem:$0x1FF00] =	vst v63  }
.Ltmp5:
0x8e: {  	_ = 	snop;
	(pc) =	sbr.rel .LBB2_3-.Ltmp5, $4  }
0x8f: {  	s16 =	sadd.s32 $0x19500, s6  }
0x90: {  	[tilespmem:s28], [sflag:$0x3] =	stream.indirect.gather [hbm4b:s8+s14], $0x10, s16, s14, $0xb8;
	[tilespmem:$0x1FF00] =	vst v63  }
0x91: {  	s18 =	sadd.s32 $0x19600, s6;
	s10 =	sadd.s32 $0x2000, s10  }
0x92: {  	[tilespmem:s30], [sflag:$0x3] =	stream.indirect.gather [hbm4b:s8+s14], $0x10, s18, s14, $0xb8;
	[tilespmem:$0x1FF00] =	vst v63  }
.LBB2_7:
0x93: {  	_ =	sfence.sel $0x180000  }
0x94: {  	[bflag:$0x0] =	sbarrier.arrive $0xFFFF  }
0x95: {  	_ =	strace $0x9000004D  }
0x96: {  	s0 =	stileid.u32;
	[bflag:$0x2] =	sbarrier.arrive $0xFFFF  }
0x97: {  	p0 =	sne.s32 s0, $0x0;
	s0 =	rddreg [dreg:$0x3]  }
0x98: {  	s0 =	sadd.s32 @!p0 $0x100000, s0  }
0x99: {  	[sflag:s0] =	ssyncadd.tile.s32 @!p0 $0x1;
	_ =	shalt  }
.Lfunc_end2:
_tile_overlayer_lowered:
.L_overlay_start_2:
0x9a: {  	(tag) =	ssettag $0x2  }
0x9b: {  	s0 =	rddreg [dreg:$0x0];
	s2 =	stileid.u32  }
0x9c: {  	s1 =	rddreg [dreg:$0x1];
	p0 =	sne.s32 s2, $0x0  }
0x9d: {  	s3 =	rddreg [dreg:$0x2];
	[bflag:$0x3] =	sbarrier.arrive $0xFFFF;
	s2 =	simm.s32 @!p0 $0x1C05  }
0x9e: {  	[timem:s3], [sflag:s2] =	dma.local @!p0 [hbm:s0], s1  }
0x9f: {  	s0 =	simm.s32 @!p0 $0x5  }
0xa0: {  	_ =	swait.ge @!p0 [sflag:s0], s1  }
0xa1: {  	s1 =	ssub.s32 @!p0 $0x0, s1;
	[sflag:s0] =	ssyncset.done @!p0 $0x0  }
0xa2: {  	[sflag:s0] =	ssyncadd.s32 @!p0 s1  }
0xa3: {  	[bflag:$0x3] =	sbarrier.arrive $0xFFFF  }
0xa4: {  	_ =	shalt  }

// kernel: kernel.8.cloned.1.call-start
scs
__scs_entry_jumppad:
0x0: {  	(pc) =	sbr.rel $0x88, $3  }
0x1: {  	(tag) =	ssettag $0x0;
	lr =	simm.s32 $0x1  }
0x2: {  	[smem:$0x3F9B] =	sst lr;
	_ =	strace $0xD0000000  }
0x3: {  	_ = 	snop  }
0x4: {  	_ = 	snop  }
0x5: {  	_ = 	snop  }
0x6: {  	_ = 	snop  }
0x7: {  	_ = 	snop  }
__scs_overlays_trampoline_lowered:
0x8: {  	[smem:$0x3FAA] =	sst s0  }
0x9: {  	[smem:$0x3FAB] =	sst s1  }
0xa: {  	[smem:$0x3FAC] =	sst s2  }
0xb: {  	[smem:$0x3FAD] =	sst s3  }
0xc: {  	[smem:$0x3FAE] =	sst s4  }
0xd: {  	[smem:$0x3FAF] =	sst s5  }
0xe: {  	[smem:$0x3FB0] =	sst s6  }
0xf: {  	[smem:$0x3FB1] =	sst s7  }
0x10: {  	[smem:$0x3FB2] =	sst s8  }
0x11: {  	[smem:$0x3FB3] =	sst s9;
	s0 =	simm.s32 @!p0 $0x0  }
0x12: {  	s1 =	sld [smem:$0x3F99];
	s0 =	simm.s32 @p0 $0x1  }
0x13: {  	[smem:$0x3FB4] =	sst s0;
	s0 =	simm.s32 @!p1 $0x0  }
0x14: {  	s2 =	sld [smem:$0x3F98];
	s0 =	simm.s32 @p1 $0x1  }
0x15: {  	[smem:$0x3FB5] =	sst s0;
	s0 =	simm.s32 @!p2 $0x0  }
0x16: {  	s3 =	sld [smem:$0x3FDB];
	s0 =	simm.s32 @p2 $0x1  }
0x17: {  	s4 =	simm.s32 $0x1BF5;
	[smem:$0x3FB7] =	sst s0  }
0x18: {  	s0 =	sld [smem:$0x3F9A];
	_ =	swait.ge [sflag:s4], $0x0  }
0x19: {  	s7 =	sld [smem:$0x3F9B]  }
0x1a: {  	s8 =	sadd.s32 $0xFFFFE003, lr  }
0x1b: {  	s9 =	sadd.s32 $0xFFFFFEF7, lr;
	s5 =	simm.s32 $0xFFFFFFFF;
	p2 =	slt.u32 s8, $0xFFFFF086  }
0x1c: {  	p1 =	slt.u32 s9, $0xF7A;
	s5 =	simm.s32 @!p2 $0x0  }
0x1d: {  	s5 =	simm.s32 @p1 $0x1;
	p0 =	seq.s32 s7, s2  }
0x1e: {  	s7 =	smul.u32 @!p0 $0xF7A, s2;
	p2 =	seq.s32 @!p0 s5, $0x0  }
0x1f: {  	s9 =	smul.u32 $0xF7A, s1;
	s8 =	simm.s32 @!p0 $0x1BF5;
	p2 =	por !p2, p0  }
0x20: {  	[sflag:s8] =	ssyncset.s32 @!p0 $0xFFFFF086;
	s6 =	sadd.s32 @!p0 s3, s7;
	s7 =	simm.s32 @!p0 $0x108  }
0x21: {  	s3 =	sadd.s32 s3, s9;
	s6 =	sadd.s32 @!p0 $0x88, s6;
	s7 =	simm.s32 @p2 $0x1082  }
0x22: {  	[simem:s7], [sflag:s8] =	dma.local @!p0 [hbm:s6], $0xF7A  }
0x23: {  	s9 =	sor.u32 $0xD0000000, s2;
	s6 =	simm.s32 $0x108;
	_ =	swait.ge @!p0 [sflag:s8], $0x0  }
0x24: {  	s3 =	sadd.s32 $0x88, s3;
	s6 =	simm.s32 @!p1 $0x1082;
	[sflag:s4] =	ssyncset.s32 $0xFFFFF086  }
0x25: {  	[simem:s6], [sflag:s4] =	dma.local [hbm:s3], $0xF7A  }
0x26: {  	[smem:$0x3F9B] =	sst s1;
	(tag) =	ssettag s2;
	_ =	strace s9  }
0x27: {  	s1 =	sld [smem:$0x3FAB]  }
0x28: {  	s2 =	sld [smem:$0x3FAC]  }
0x29: {  	s4 =	sld [smem:$0x3FAE]  }
0x2a: {  	p0 =	seq.s32 s5, $0x0;
	s5 =	sld [smem:$0x3FAF]  }
0x2b: {  	s6 =	sld [smem:$0x3FB0]  }
0x2c: {  	s7 =	sld [smem:$0x3FB1]  }
0x2d: {  	s3 =	simm.s32 $0x108;
	s8 =	sld [smem:$0x3FB2]  }
0x2e: {  	s3 =	simm.s32 @!p0 $0x1082;
	s9 =	sld [smem:$0x3FB3]  }
0x2f: {  	lr =	sadd.s32 s0, s3;
	s0 =	sld [smem:$0x3FAA]  }
0x30: {  	s3 =	sld [smem:$0x3FAD]  }
0x31: {  	[smem:$0x3FB6] =	sst s10  }
0x32: {  	s10 =	sld [smem:$0x3FB4];
	_ =	sdelay $0x3  }
0x33: {  	p0 =	seq.s32 s10, $0x1;
	s10 =	sld [smem:$0x3FB6];
	_ =	sdelay $0x3  }
0x34: {  	[smem:$0x3FB6] =	sst s10  }
0x35: {  	s10 =	sld [smem:$0x3FB5];
	_ =	sdelay $0x3  }
0x36: {  	p1 =	seq.s32 s10, $0x1;
	s10 =	sld [smem:$0x3FB6];
	_ =	sdelay $0x3  }
0x37: {  	[smem:$0x3FB6] =	sst s10  }
0x38: {  	s10 =	sld [smem:$0x3FB7]  }
0x39: {  	_ = 	snop;
	(pc) =	sbr.ind lr, $3  }
0x3a: {  	_ = 	snop  }
0x3b: {  	_ = 	snop  }
0x3c: {  	p2 =	seq.s32 s10, $0x1;
	s10 =	sld [smem:$0x3FB6]  }
0x3d: {  	_ =	shalt  }
0x3e: {  	_ =	shalt  }
0x3f: {  	_ =	shalt  }
0x40: {  	_ =	shalt  }
0x41: {  	_ =	shalt  }
0x42: {  	_ =	shalt  }
0x43: {  	_ =	shalt  }
0x44: {  	_ =	shalt  }
0x45: {  	_ =	shalt  }
0x46: {  	_ =	shalt  }
0x47: {  	_ =	shalt  }
0x48: {  	_ =	shalt  }
0x49: {  	_ =	shalt  }
0x4a: {  	_ =	shalt  }
0x4b: {  	_ =	shalt  }
0x4c: {  	_ =	shalt  }
0x4d: {  	_ =	shalt  }
0x4e: {  	_ =	shalt  }
0x4f: {  	_ =	shalt  }
0x50: {  	_ =	shalt  }
0x51: {  	_ =	shalt  }
0x52: {  	_ =	shalt  }
0x53: {  	_ =	shalt  }
0x54: {  	_ =	shalt  }
0x55: {  	_ =	shalt  }
0x56: {  	_ =	shalt  }
0x57: {  	_ =	shalt  }
0x58: {  	_ =	shalt  }
0x59: {  	_ =	shalt  }
0x5a: {  	_ =	shalt  }
0x5b: {  	_ =	shalt  }
0x5c: {  	_ =	shalt  }
0x5d: {  	_ =	shalt  }
0x5e: {  	_ =	shalt  }
0x5f: {  	_ =	shalt  }
0x60: {  	_ =	shalt  }
0x61: {  	_ =	shalt  }
0x62: {  	_ =	shalt  }
0x63: {  	_ =	shalt  }
0x64: {  	_ =	shalt  }
0x65: {  	_ =	shalt  }
0x66: {  	_ =	shalt  }
0x67: {  	_ =	shalt  }
0x68: {  	_ =	shalt  }
0x69: {  	_ =	shalt  }
0x6a: {  	_ =	shalt  }
0x6b: {  	_ =	shalt  }
0x6c: {  	_ =	shalt  }
0x6d: {  	_ =	shalt  }
0x6e: {  	_ =	shalt  }
0x6f: {  	_ =	shalt  }
0x70: {  	_ =	shalt  }
0x71: {  	_ =	shalt  }
0x72: {  	_ =	shalt  }
0x73: {  	_ =	shalt  }
0x74: {  	_ =	shalt  }
0x75: {  	_ =	shalt  }
0x76: {  	_ =	shalt  }
0x77: {  	_ =	shalt  }
0x78: {  	_ =	shalt  }
0x79: {  	_ =	shalt  }
0x7a: {  	_ =	shalt  }
0x7b: {  	_ =	shalt  }
0x7c: {  	_ =	shalt  }
0x7d: {  	_ =	shalt  }
0x7e: {  	_ =	shalt  }
0x7f: {  	_ =	shalt  }
0x80: {  	_ =	shalt  }
0x81: {  	_ =	shalt  }
0x82: {  	_ =	shalt  }
0x83: {  	_ =	shalt  }
0x84: {  	_ =	shalt  }
0x85: {  	_ =	shalt  }
0x86: {  	_ =	shalt  }
0x87: {  	_ =	shalt  }
.Lfunc_end0:
.L_simem_size_0:
called_computation_lowered:
.L_overlay_start_0:
0x88: {  	s2 =	sld [smem:$0x3FD9]  }
0x89: {  	s3 =	sld [smem:$0x3FFE];
	_ =	sdelay $0x1  }
0x8a: {  	s1 =	srdreg.scid  }
0x8b: {  	s0 =	sand.u32 $0x1, s1  }
0x8c: {  	s17 =	sshll.u32 s0, $0xA;
	s2 =	sadd.s32 s3, s2  }
0x8d: {  	s2 =	sadd.s32 s2, s17  }
0x8e: {  	[smem:$0x3FC2] =	sst s2  }
0x8f: {  	_ = 	snop  }
0x90: {  	s2 =	sld [smem:$0x3FD0];
	(tm) =	ssettm $0x1  }
0x91: {  	s18 =	sld [smem:$0x3FFB];
	_ =	sdelay $0x3  }
0x92: {  	_ =	strace s18  }
0x93: {  	s3 =	sld [smem:$0x3FFC];
	_ =	sdelay $0x3  }
0x94: {  	_ =	strace s3  }
0x95: {  	s3 =	sld [smem:$0x3FFD];
	_ =	sdelay $0x3  }
0x96: {  	_ =	strace s3  }
0x97: {  	_ =	strace $0x8FFFFFFF  }
0x98: {  	s19 =	sld [smem:$0x3FDB];
	_ =	sdelay $0x1  }
0x99: {  	s4 =	simm.s32 $_scs_section_size  }
0x9a: {  	s5 =	simm.s32 $_size__tile_overlayer_lowered;
	s6 =	simm.s32 $_tile_overlayer_lowered  }
0x9b: {  	s22 =	simm.s32 $0x1BFF;
	s21 =	sshll.u32 s6, $0x1;
	s3 =	sadd.s32 s4, s19  }
0x9c: {  	s7 =	simm.s32 $0x0;
	s20 =	sshll.u32 s5, $0x1;
	s5 =	sadd.s32 s21, s3  }
0x9d: {  	[timem:s7], [sflag:s22] =	dma.local [hbm:s5], s20  }
0x9e: {  	_ =	swait.ge [sflag:s22], s20  }
0x9f: {  	s4 =	ssub.s32 $0x0, s20;
	[sflag:s22] =	ssyncset.done $0x0  }
0xa0: {  	[sflag:s22] =	ssyncadd.s32 s4;
	_ =	sdelay $0x1  }
0xa1: {  	s23 =	simm.s32 $0x1B8B  }
0xa2: {  	_ =	swait.ge [sflag:s23], $0x1  }
0xa3: {  	[sflag:s23] =	ssyncset.done $0x0  }
0xa4: {  	s25 =	simm.s32 $0x1B8E;
	s24 =	sld [smem:$0x3FFE];
	[sflag:s23] =	ssyncadd.s32 $0xFFFFFFFF  }
0xa5: {  	s26 =	simm.s32 $execute0_lowered;
	[smem:$0x3FD2] =	sst s25  }
0xa6: {  	s5 =	sshll.u32 s26, $0x1;
	_ =	strace $0x80000046;
	[dreg:$0x1] =	wrdreg $0xFFFFFFFF  }
0xa7: {  	s28 =	simm.s32 $_size_execute0_lowered;
	s3 =	sadd.s32 s3, s5;
	[dreg:$0x0] =	wrdreg $0x0  }
0xa8: {  	s5 =	sshll.u32 s28, $0x1;
	[dreg:$0x2] =	wrdreg s3  }
0xa9: {  	[dreg:$0x3] =	wrdreg s5  }
0xaa: {  	[dreg:$0x4] =	wrdreg $0xC0  }
0xab: {  	_ =	task [dreg:s7], $0x5FFFF  }
0xac: {  	[dreg:$0x1] =	wrdreg $0xFFFFFFFF  }
0xad: {  	[dreg:$0x0] =	wrdreg $0x60  }
0xae: {  	[dreg:$0x2] =	wrdreg s2  }
0xaf: {  	[dreg:$0x3] =	wrdreg s24  }
0xb0: {  	[dreg:$0x4] =	wrdreg $0x0  }
0xb1: {  	[dreg:$0x5] =	wrdreg $0x9  }
0xb2: {  	_ =	task.clear_ibuf [dreg:s7], $0x6FFFF;
	_ =	strace $0x90000046  }
0xb3: {  	s29 =	simm.s32 $0x9;
	_ =	strace $0x80000048  }
0xb4: {  	_ =	swait.ge [sflag:s29], $0x1  }
0xb5: {  	[sflag:s29] =	ssyncadd.s32 $0xFFFFFFFF  }
0xb6: {  	_ =	strace $0x90000048  }
0xb7: {  	_ =	sfence  }
0xb8: {  	s30 =	sld [smem:$0x0];
	_ =	sdelay $0x2  }
0xb9: {  	s31 =	sshll.u32 s1, $0xD;
	s1 =	sshrl.u32 s1, $0x2  }
0xba: {  	s3 =	sand.u32 $0x4000, s31;
	s1 =	sadd.s32 s1, s30  }
0xbb: {  	s0 =	sor.u32 s3, s0;
	s1 =	sshll.u32 s1, $0x11  }
0xbc: {  	s0 =	sor.u32 s1, s0  }
0xbd: {  	s0 =	sadd.s32 $0x8F2B, s0  }
0xbe: {  	[sflag:s0] =	ssyncadd.remote.s32 $0x1  }
0xbf: {  	_ =	sfence.sel $0xFFFF  }
0xc0: {  	[dreg:$0x0] =	wrdreg $0xFFFFFFFF;
	(pc) =	sbr.abs _section_cstart, $3  }
0xc1: {  	[dreg:$0x1] =	wrdreg $0xFFFFFFFF  }
0xc2: {  	_ =	task.clear_ibuf [dreg:s7], $0x2FFFF;
	_ =	strace $0x9FFFFFFF  }
0xc3: {  	(tm) =	ssettm $0x7FFFFFFF  }
tec
execute0_lowered:
.L_overlay_start_1:
0x0: {  	(tag) =	ssettag $0x1  }
0x1: {  	s2 =	rddreg [dreg:$0x0]  }
0x2: {  	s6 =	rddreg [dreg:$0x1]  }
0x3: {  	s3 =	rddreg [dreg:$0x2]  }
0x4: {  	s0 =	rddreg [dreg:$0x3]  }
0x5: {  	s1 =	stileid.u32;
	s5 =	srdreg.scid;
	s4 =	simm.s32 $0x0  }
0x6: {  	s13 =	simm.s32 $0x1BF00;
	s14 =	simm.s32 $0x18700;
	s15 =	simm.s32 $0x80  }
0x7: {  	s16 =	simm.s32 $0x18780;
	s17 =	simm.s32 $0x18800;
	s18 =	simm.s32 $0x18880  }
0x8: {  	s19 =	simm.s32 $0x1;
	s20 =	simm.s32 $0x0;
	s7 =	smul.u32 $0x18700, s1  }
0x9: {  	s8 =	sand.u32 $0x1, s5;
	[smem:$0x7FF] =	sst s4;
	s31 =	sshll.u32 s1, $0x6  }
0xa: {  	s5 =	smul.u32 $0x187000, s8;
	_ =	strace $0x80000047;
	s11 =	ssub.s32 $0x2, s8  }
0xb: {  	s29 =	sshll.u32 s8, $0x4;
	s9 =	sshrl.u32 s7, $0x3;
	s12 =	sshrl.u32 s11, $0x1  }
0xc: {  	s30 =	sadd.s32 s7, s3;
	s8 =	sor.u32 s1, s29;
	s9 =	sadd.s32 s9, s6  }
0xd: {  	s10 =	sadd.s32 s7, s5;
	s5 =	sadd.s32 $0x64C00, s6;
	s11 =	ssub.s32 s11, s12  }
0xe: {  	s7 =	sor.u32 $0x1C02, s31;
	s8 =	smul.u32 $0x310, s8;
	s10 =	sshrl.u32 s10, $0x3  }
0xf: {  	s12 =	simm.s32 $0x2;
	s10 =	sadd.s32 s10, s6;
	s6 =	sadd.s32 $0x64E00, s9  }
0x10: {  	s9 =	sadd.s32 $0x95C00, s10;
	s10 =	smax.u32 s11, $0x1;
	s11 =	sshrl.u32 s30, $0x3  }
.LBB2_1:
0x11: {  	[spmem:s11], [sflag:s7] =	dma.local [hbm:s6], $0x30E0  }
0x12: {  	_ =	swait.ge [sflag:s12], $0x30E0  }
0x13: {  	[sflag:s12] =	ssyncset.done $0x0  }
0x14: {  	[sflag:s12] =	ssyncadd.s32 $0xFFFFCF20  }
0x15: {  	[tilespmem:s13], [sflag:$0x2] =	stream.linear.gather [hbm4b:s5+s4], $0x800, $0x38;
	[tilespmem:$0x1C700] =	vst v63  }
0x16: {  	_ =	swait.ge [sflag:s12], $0x800  }
0x17: {  	[sflag:s12] =	ssyncset.done $0x0  }
0x18: {  	[sflag:s12] =	ssyncadd.s32 $0xFFFFF800  }
0x19: {  	s21 =	simm.s32 $0x0;
	[bflag:$0x0] =	sbarrier.arrive $0xFFFF  }
.LBB2_2:
0x1a: {  	s22 =	smul.u32 $0x70, s21;
	_ =	sdelay $0x1  }
0x1b: {  	s22 =	sadd.s32 s8, s22  }
0x1c: {  	s22 =	sshll.u32 s22, $0x4  }
0x1d: {  	s22 =	sadd.s32 s2, s22  }
0x1e: {  	[tilespmem:s14], [sflag:$0x2] =	stream.linear.gather [hbm4b:s22+s4], $0x3800, $0x38;
	[tilespmem:$0x1C700] =	vst v63  }
0x1f: {  	_ =	swait.ge [sflag:s12], $0x3800  }
0x20: {  	[sflag:s12] =	ssyncset.done $0x0  }
0x21: {  	[sflag:s12] =	ssyncadd.s32 $0xFFFFC800  }
0x22: {  	[spmem:s3] =	stream.indirect.scatter.add.f32 [tilespmem:s13], [sflag:$0x1], $0x10, s14, s15, $0xb8;
	[tilespmem:$0x1C700] =	vst v63  }
0x23: {  	_ = 	snop  }
0x24: {  	[spmem:s3] =	stream.indirect.scatter.add.f32 [tilespmem:s13], [sflag:$0x1], $0x10, s16, s15, $0xb8;
	[tilespmem:$0x1C700] =	vst v63  }
0x25: {  	_ = 	snop  }
0x26: {  	[spmem:s3] =	stream.indirect.scatter.add.f32 [tilespmem:s13], [sflag:$0x1], $0x10, s17, s15, $0xb8;
	[tilespmem:$0x1C700] =	vst v63  }
0x27: {  	_ = 	snop  }
0x28: {  	[spmem:s3] =	stream.indirect.scatter.add.f32 [tilespmem:s13], [sflag:$0x1], $0x10, s18, s15, $0xb8;
	[tilespmem:$0x1C700] =	vst v63  }
0x29: {  	s28 =	simm.s32 $0x18900  }
0x2a: {  	[spmem:s3] =	stream.indirect.scatter.add.f32 [tilespmem:s13], [sflag:$0x1], $0x10, s28, s15, $0xb8;
	[tilespmem:$0x1C700] =	vst v63  }
0x2b: {  	s29 =	simm.s32 $0x18980  }
0x2c: {  	[spmem:s3] =	stream.indirect.scatter.add.f32 [tilespmem:s13], [sflag:$0x1], $0x10, s29, s15, $0xb8;
	[tilespmem:$0x1C700] =	vst v63  }
0x2d: {  	s30 =	simm.s32 $0x18A00  }
0x2e: {  	[spmem:s3] =	stream.indirect.scatter.add.f32 [tilespmem:s13], [sflag:$0x1], $0x10, s30, s15, $0xb8;
	[tilespmem:$0x1C700] =	vst v63  }
0x2f: {  	s31 =	simm.s32 $0x18A80  }
0x30: {  	[spmem:s3] =	stream.indirect.scatter.add.f32 [tilespmem:s13], [sflag:$0x1], $0x10, s31, s15, $0xb8;
	[tilespmem:$0x1C700] =	vst v63  }
0x31: {  	_ =	swait.ge [sflag:s19], $0x800  }
0x32: {  	[sflag:s19] =	ssyncset.done $0x0  }
0x33: {  	[sflag:s19] =	ssyncadd.s32 $0xFFFFF800  }
0x34: {  	_ =	swait.ge [sflag:s19], $0x800  }
0x35: {  	[sflag:s19] =	ssyncset.done $0x0  }
0x36: {  	[sflag:s19] =	ssyncadd.s32 $0xFFFFF800  }
0x37: {  	_ =	swait.ge [sflag:s19], $0x800  }
0x38: {  	[sflag:s19] =	ssyncset.done $0x0  }
0x39: {  	[sflag:s19] =	ssyncadd.s32 $0xFFFFF800  }
0x3a: {  	_ =	swait.ge [sflag:s19], $0x800  }
0x3b: {  	s23 =	simm.s32 $0xFFFF3800;
	s22 =	simm.s32 $0xFFFFCC00;
	[sflag:s19] =	ssyncset.done $0x0  }
.LBB2_3:
0x3c: {  	s24 =	sadd.s32 $0x1BF00, s22  }
0x3d: {  	[sflag:s19] =	ssyncadd.s32 $0xFFFFF800;
	s25 =	smov.u32 s23;
	s26 =	sadd.s32 $0x800, s23  }
0x3e: {  	[spmem:s3] =	stream.indirect.scatter.add.f32 [tilespmem:s13], [sflag:$0x1], $0x10, s24, s15, $0xb8;
	[tilespmem:$0x1C700] =	vst v63  }
0x3f: {  	p0 =	sne.s32 s23, $0xFFFFF800;
	s23 =	sadd.s32 $0x1BF80, s22  }
0x40: {  	[spmem:s3] =	stream.indirect.scatter.add.f32 [tilespmem:s13], [sflag:$0x1], $0x10, s23, s15, $0xb8;
	[tilespmem:$0x1C700] =	vst v63  }
0x41: {  	s23 =	sadd.s32 $0x1C000, s22  }
0x42: {  	[spmem:s3] =	stream.indirect.scatter.add.f32 [tilespmem:s13], [sflag:$0x1], $0x10, s23, s15, $0xb8;
	[tilespmem:$0x1C700] =	vst v63  }
0x43: {  	s22 =	sadd.s32 $0x1C080, s22  }
0x44: {  	[spmem:s3] =	stream.indirect.scatter.add.f32 [tilespmem:s13], [sflag:$0x1], $0x10, s22, s15, $0xb8;
	[tilespmem:$0x1C700] =	vst v63  }
0x45: {  	_ =	swait.ge [sflag:s19], $0x800  }
0x46: {  	[sflag:s19] =	ssyncset.done $0x0  }
0x47: {  	[sflag:s19] =	ssyncadd.s32 $0xFFFFF800  }
0x48: {  	_ =	swait.ge [sflag:s19], $0x800  }
0x49: {  	[sflag:s19] =	ssyncset.done $0x0  }
0x4a: {  	[sflag:s19] =	ssyncadd.s32 $0xFFFFF800  }
.Ltmp0:
0x4b: {  	_ =	swait.ge [sflag:s19], $0x800;
	(pc) =	sbr.rel @p0 .LBB2_3-.Ltmp0, $4  }
0x4c: {  	[sflag:s19] =	ssyncset.done $0x0  }
0x4d: {  	[sflag:s19] =	ssyncadd.s32 $0xFFFFF800  }
0x4e: {  	_ =	swait.ge [sflag:s19], $0x800  }
0x4f: {  	s23 =	smov.u32 s26;
	s22 =	sshra.s32 s25, $0x2;
	[sflag:s19] =	ssyncset.done $0x0  }
0x50: {  	s23 =	sadd.s32 $0x1BF00, s22;
	[sflag:s19] =	ssyncadd.s32 $0xFFFFF800  }
0x51: {  	[spmem:s3] =	stream.indirect.scatter.add.f32 [tilespmem:s13], [sflag:$0x1], $0x10, s23, s15, $0xb8;
	[tilespmem:$0x1C700] =	vst v63  }
0x52: {  	s29 =	sadd.s32 $0x1BF80, s22  }
0x53: {  	[spmem:s3] =	stream.indirect.scatter.add.f32 [tilespmem:s13], [sflag:$0x1], $0x10, s29, s15, $0xb8;
	[tilespmem:$0x1C700] =	vst v63  }
0x54: {  	s30 =	sadd.s32 $0x1C000, s22  }
0x55: {  	[spmem:s3] =	stream.indirect.scatter.add.f32 [tilespmem:s13], [sflag:$0x1], $0x10, s30, s15, $0xb8;
	[tilespmem:$0x1C700] =	vst v63  }
0x56: {  	s31 =	sadd.s32 $0x1C080, s22  }
0x57: {  	[spmem:s3] =	stream.indirect.scatter.add.f32 [tilespmem:s13], [sflag:$0x1], $0x10, s31, s15, $0xb8;
	[tilespmem:$0x1C700] =	vst v63  }
0x58: {  	_ =	swait.ge [sflag:s19], $0x800  }
0x59: {  	[sflag:s19] =	ssyncset.done $0x0  }
0x5a: {  	[sflag:s19] =	ssyncadd.s32 $0xFFFFF800  }
0x5b: {  	_ =	swait.ge [sflag:s19], $0x800  }
0x5c: {  	[sflag:s19] =	ssyncset.done $0x0  }
0x5d: {  	[sflag:s19] =	ssyncadd.s32 $0xFFFFF800  }
0x5e: {  	_ =	swait.ge [sflag:s19], $0x800  }
0x5f: {  	[sflag:s19] =	ssyncset.done $0x0  }
0x60: {  	[sflag:s19] =	ssyncadd.s32 $0xFFFFF800  }
0x61: {  	_ =	swait.ge [sflag:s19], $0x800  }
0x62: {  	[sflag:s19] =	ssyncset.done $0x0  }
0x63: {  	[sflag:s19] =	ssyncadd.s32 $0xFFFFF800  }
0x64: {  	_ =	swait.ge [sflag:s19], $0x800  }
0x65: {  	[sflag:s19] =	ssyncset.done $0x0  }
0x66: {  	[sflag:s19] =	ssyncadd.s32 $0xFFFFF800  }
0x67: {  	_ =	swait.ge [sflag:s19], $0x800  }
0x68: {  	[sflag:s19] =	ssyncset.done $0x0  }
0x69: {  	s21 =	sadd.s32 $0x1, s21;
	[sflag:s19] =	ssyncadd.s32 $0xFFFFF800  }
0x6a: {  	p0 =	sne.s32 s21, $0x7;
	_ =	swait.ge [sflag:s19], $0x800  }
.Ltmp1:
0x6b: {  	[sflag:s19] =	ssyncset.done $0x0;
	(pc) =	sbr.rel @p0 .LBB2_2-.Ltmp1, $4  }
0x6c: {  	[sflag:s19] =	ssyncadd.s32 $0xFFFFF800  }
0x6d: {  	_ =	swait.ge [sflag:s19], $0x800  }
0x6e: {  	[sflag:s19] =	ssyncset.done $0x0  }
0x6f: {  	[sflag:s19] =	ssyncadd.s32 $0xFFFFF800  }
0x70: {  	s20 =	sadd.s32 $0x1, s20  }
0x71: {  	p0 =	sne.s32 s20, s10  }
.Ltmp2:
0x72: {  	[bflag:$0x0] =	sbarrier.arrive $0xFFFF;
	(pc) =	sbr.rel @p0 .LBB2_1-.Ltmp2, $4  }
0x73: {  	[hbm:s9], [sflag:s7] =	dma.local [spmem:s11], $0x30E0  }
0x74: {  	_ =	swait.ge [sflag:s12], $0x30E0  }
0x75: {  	[sflag:s12] =	ssyncset.done $0x0  }
0x76: {  	[sflag:s12] =	ssyncadd.s32 $0xFFFFCF20  }
0x77: {  	_ =	sfence.sel $0x180000  }
0x78: {  	[bflag:$0x0] =	sbarrier.arrive $0xFFFF  }
0x79: {  	p0 =	sne.s32 s1, $0x0;
	_ =	strace $0x90000047  }
0x7a: {  	s0 =	sadd.s32 @!p0 $0x100000, s0;
	[bflag:$0x2] =	sbarrier.arrive $0xFFFF  }
0x7b: {  	[sflag:s0] =	ssyncadd.tile.s32 @!p0 $0x1;
	_ =	shalt  }
.Lfunc_end2:
_tile_overlayer_lowered:
.L_overlay_start_2:
0x7c: {  	(tag) =	ssettag $0x2  }
0x7d: {  	s0 =	rddreg [dreg:$0x0];
	s2 =	stileid.u32  }
0x7e: {  	s1 =	rddreg [dreg:$0x1];
	p0 =	sne.s32 s2, $0x0  }
0x7f: {  	s3 =	rddreg [dreg:$0x2];
	[bflag:$0x3] =	sbarrier.arrive $0xFFFF;
	s2 =	simm.s32 @!p0 $0x1C02  }
0x80: {  	[timem:s3], [sflag:s2] =	dma.local @!p0 [hbm:s0], s1  }
0x81: {  	s0 =	simm.s32 @!p0 $0x2  }
0x82: {  	_ =	swait.ge @!p0 [sflag:s0], s1  }
0x83: {  	s1 =	ssub.s32 @!p0 $0x0, s1;
	[sflag:s0] =	ssyncset.done @!p0 $0x0  }
0x84: {  	[sflag:s0] =	ssyncadd.s32 @!p0 s1  }
0x85: {  	[bflag:$0x3] =	sbarrier.arrive $0xFFFF  }
0x86: {  	_ =	shalt  }

</sc_bundles>
